<compile_context>
chip_gen: v7x
topology: tpu7x:2x2x1
jax: 0.10.2.dev20260603
libtpu: 0.0.44.dev20260713+nightly
codegen_flags: <defaults>
</compile_context>

<pallas_src>
import dataclasses

import jax
import jax.numpy as jnp
from jax import lax
from jax.experimental import pallas as pl
from jax.experimental.pallas import tpu as pltpu
from jax.experimental.pallas import tpu_sc as plsc

NN = 10000
NP = 10240
D = 128
E = 320000
CHUNK = 128
NC, NS = 2, 16
NW = NC * NS
EPT = E // NW
EPTP = 10240
EP = NW * EPTP
CPT = EPTP // CHUNK
PCH = CPT // 2
NBUF = 2
LEAD = 1
PAD_DST = NN + 200
ROWS_PER_TILE = NP // NS
ZR = 16
HR = NP // D


def _mesh():
    return plsc.VectorSubcoreMesh(core_axis_name="c", subcore_axis_name="s",
                                  num_cores=NC, num_subcores=NS)


def _no_layout_params():
    cp = pltpu.CompilerParams()
    if "needs_layout_passes" in pltpu.CompilerParams.__dataclass_fields__:
        cp = dataclasses.replace(cp, needs_layout_passes=False)
    return cp


def _sc_agg_body(x_hbm, src_hbm, dst_hbm, agg_hbm, acc_sp,
                 src_half, dst_half, rows, zb_v, gsem, ssem, zsem):
    c = lax.axis_index("c")
    s = lax.axis_index("s")
    w = c * NS + s
    z16 = jnp.zeros((16,), jnp.float32)

    def zero_zb(i, _):
        for j in range(D // 16):
            zb_v[i, pl.ds(j * 16, 16)] = z16
        return _
    lax.fori_loop(0, ZR, zero_zb, None)

    base_row = s * ROWS_PER_TILE

    def fire_zero(i, _):
        pltpu.async_copy(zb_v, acc_sp.at[pl.ds(base_row + i * ZR, ZR)], zsem)
        return _
    lax.fori_loop(0, ROWS_PER_TILE // ZR, fire_zero, None)

    first = True
    for phase in range(CPT // PCH):
        ebase = w * EPTP + phase * PCH * CHUNK
        pltpu.sync_copy(src_hbm.at[pl.ds(ebase, PCH * CHUNK)], src_half)
        pltpu.sync_copy(dst_hbm.at[pl.ds(ebase, PCH * CHUNK)], dst_half)

        for b in range(LEAD):
            pltpu.async_copy(x_hbm.at[src_half.at[pl.ds(b * CHUNK, CHUNK)]],
                             rows.at[b], gsem.at[b])

        if first:
            first = False

            def drain_zero(i, _):
                pltpu.make_async_copy(
                    zb_v, acc_sp.at[pl.ds(base_row + i * ZR, ZR)],
                    zsem).wait()
                return _
            lax.fori_loop(0, ROWS_PER_TILE // ZR, drain_zero, None)
            plsc.subcore_barrier()

        def ring_step(step, _):
            for b in range(NBUF):
                j = step * NBUF + b
                bg = (b + LEAD) % NBUF
                jg = j + LEAD

                @pl.when(jnp.logical_and(jg < PCH, jg >= NBUF))
                def _():
                    pltpu.make_async_copy(
                        rows.at[bg],
                        acc_sp.at[dst_half.at[pl.ds(0, CHUNK)]],
                        ssem.at[bg]).wait()

                @pl.when(jg < PCH)
                def _():
                    pltpu.async_copy(
                        x_hbm.at[src_half.at[pl.ds(jg * CHUNK, CHUNK)]],
                        rows.at[bg], gsem.at[bg])

                pltpu.make_async_copy(
                    x_hbm.at[src_half.at[pl.ds(j * CHUNK, CHUNK)]],
                    rows.at[b], gsem.at[b]).wait()
                pltpu.async_copy(
                    rows.at[b],
                    acc_sp.at[dst_half.at[pl.ds(j * CHUNK, CHUNK)]],
                    ssem.at[b], add=True)
            return _
        lax.fori_loop(0, PCH // NBUF, ring_step, None)

        for b in range(NBUF):
            pltpu.make_async_copy(rows.at[b],
                                  acc_sp.at[dst_half.at[pl.ds(0, CHUNK)]],
                                  ssem.at[b]).wait()

    plsc.subcore_barrier()

    pltpu.sync_copy(acc_sp.at[pl.ds(base_row, ROWS_PER_TILE)],
                    agg_hbm.at[c, pl.ds(base_row, ROWS_PER_TILE)])


def _agg_compiler_params():
    cp = pltpu.CompilerParams()
    if "use_tc_tiling_on_sc" in pltpu.CompilerParams.__dataclass_fields__:
        cp = dataclasses.replace(cp, use_tc_tiling_on_sc=False)
    return cp


def _sc_aggregate(x, src, dst):
    k = pl.kernel(
        _sc_agg_body,
        out_type=jax.ShapeDtypeStruct((NC, NP, D), jnp.float32),
        mesh=_mesh(),
        scratch_types=[
            pltpu.VMEM_SHARED((NP, D), jnp.float32),
            pltpu.VMEM((PCH * CHUNK,), jnp.int32),
            pltpu.VMEM((PCH * CHUNK,), jnp.int32),
            pltpu.VMEM((NBUF, CHUNK, D), jnp.float32),
            pltpu.VMEM((ZR, D), jnp.float32),
            pltpu.SemaphoreType.DMA((NBUF,)),
            pltpu.SemaphoreType.DMA((NBUF,)),
            pltpu.SemaphoreType.DMA,
        ],
        compiler_params=_agg_compiler_params(),
    )
    return k(x, src, dst)


def _sc_count_body(dst_hbm, cnt_hbm, hist_sp, dst_v, hist_v, idx80_v, sem):
    c = lax.axis_index("c")
    s = lax.axis_index("s")
    w = c * NS + s
    z16 = jnp.zeros((16,), jnp.float32)
    ones16 = jnp.ones((16,), jnp.float32)

    def zero_hist(i, _):
        for j in range(D // 16):
            hist_v[i, pl.ds(j * 16, 16)] = z16
        return _
    lax.fori_loop(0, HR, zero_hist, None)

    def fill_idx(i, _):
        idx80_v[pl.ds(i * 16, 16)] = lax.iota(jnp.int32, 16) + i * 16
        return _
    lax.fori_loop(0, HR // 16, fill_idx, None)

    @pl.when(s < HR // 8)
    def _():
        pltpu.sync_copy(hist_v.at[pl.ds(0, 8)], hist_sp.at[pl.ds(s * 8, 8)])
    plsc.subcore_barrier()

    pltpu.sync_copy(dst_hbm.at[pl.ds(w * EPT, EPT)], dst_v)

    def edge_group(i, _):
        for j in range(8):
            idx = dst_v[pl.ds((i * 8 + j) * 16, 16)]
            row = lax.shift_right_logical(idx, 7)
            lane = lax.bitwise_and(idx, 127)
            plsc.addupdate_scatter(hist_v, [row, lane], ones16)
        return _
    lax.fori_loop(0, EPT // 128, edge_group, None)

    pltpu.sync_copy(hist_v, hist_sp.at[idx80_v], add=True)
    plsc.subcore_barrier()

    @pl.when(s == 0)
    def _():
        pltpu.sync_copy(hist_sp, cnt_hbm.at[c])


def _sc_count(dst):
    k = pl.kernel(
        _sc_count_body,
        out_type=jax.ShapeDtypeStruct((NC, HR, D), jnp.float32),
        mesh=_mesh(),
        scratch_types=[
            pltpu.VMEM_SHARED((HR, D), jnp.float32),
            pltpu.VMEM((EPT,), jnp.int32),
            pltpu.VMEM((HR, D), jnp.float32),
            pltpu.VMEM((HR,), jnp.int32),
            pltpu.SemaphoreType.DMA,
        ],
        compiler_params=_no_layout_params(),
    )
    return k(dst)


_HI = lax.Precision.HIGHEST
_BR = 1024
_GRID = NP // _BR


def _expand_cnt(pc_ref):
    pk = (pc_ref[0] + pc_ref[1]).T
    return jnp.concatenate([pk[:, g:g + 1] for g in range(_BR // D)], axis=0)


def _dense1_body(pa_ref, pc_ref, x_ref, wl_ref, bl_ref, wr_ref, h_ref):
    agg = pa_ref[0] + pa_ref[1]
    cnt = _expand_cnt(pc_ref)
    mean = agg / jnp.maximum(cnt, 1.0)
    acc = jnp.dot(mean, wl_ref[...], preferred_element_type=jnp.float32,
                  precision=_HI)
    acc = acc + jnp.dot(x_ref[...], wr_ref[...],
                        preferred_element_type=jnp.float32, precision=_HI)
    h_ref[...] = jnp.maximum(acc + bl_ref[...], 0.0)


def _dense2_body(pa_ref, pc_ref, h_ref, wl_ref, b_ref, wr_ref, o_ref):
    agg = pa_ref[0] + pa_ref[1]
    cnt = _expand_cnt(pc_ref)
    mean = agg / jnp.maximum(cnt, 1.0)
    acc = jnp.dot(mean, wl_ref[...], preferred_element_type=jnp.float32,
                  precision=_HI)
    acc = acc + jnp.dot(h_ref[...], wr_ref[...],
                        preferred_element_type=jnp.float32, precision=_HI)
    o_ref[...] = acc + b_ref[...]


def _row_specs():
    return [
        pl.BlockSpec((NC, _BR, D), lambda i: (0, i, 0)),
        pl.BlockSpec((NC, _BR // D, D), lambda i: (0, i, 0)),
        pl.BlockSpec((_BR, D), lambda i: (i, 0)),
        pl.BlockSpec((D, D), lambda i: (0, 0)),
        pl.BlockSpec((1, D), lambda i: (0, 0)),
        pl.BlockSpec((D, D), lambda i: (0, 0)),
    ]


def kernel(features, edges, Wl1, bl1, Wr1, Wl_mu, bl_mu, Wr_mu,
           Wl_std, bl_std, Wr_std):
    edges = edges.astype(jnp.int32)
    src, dst = edges[0], edges[1]
    srcp = jnp.pad(src.reshape(NW, EPT), ((0, 0), (0, EPTP - EPT))).reshape(EP)
    dstp = jnp.pad(dst.reshape(NW, EPT), ((0, 0), (0, EPTP - EPT)),
                   constant_values=PAD_DST).reshape(EP)
    x = jnp.pad(features, ((0, NP - NN), (0, 0)))

    pa1 = _sc_aggregate(x, srcp, dstp)
    pc = _sc_count(dst)

    h = pl.pallas_call(
        _dense1_body,
        grid=(_GRID,),
        in_specs=_row_specs(),
        out_specs=pl.BlockSpec((_BR, D), lambda i: (i, 0)),
        out_shape=jax.ShapeDtypeStruct((NP, D), jnp.float32),
    )(pa1, pc, x, Wl1.T, bl1.reshape(1, D), Wr1.T)

    pa2 = _sc_aggregate(h, srcp, dstp)

    wl2 = jnp.concatenate([Wl_mu.T, Wl_std.T], axis=1)
    wr2 = jnp.concatenate([Wr_mu.T, Wr_std.T], axis=1)
    b2 = jnp.concatenate([bl_mu, bl_std]).reshape(1, 2 * 64)

    out2 = pl.pallas_call(
        _dense2_body,
        grid=(_GRID,),
        in_specs=_row_specs(),
        out_specs=pl.BlockSpec((_BR, D), lambda i: (i, 0)),
        out_shape=jax.ShapeDtypeStruct((NP, D), jnp.float32),
    )(pa2, pc, h, wl2, b2, wr2)

    return out2[:NN, :64], out2[:NN, 64:]

# --- scband reference (transcript-rebuilt; emitter-appended) ---
"""Pipeline reference for scband-graph-sage-80814104642287 (READ-ONLY COPY).

The authoritative reference and input builder live on the scoring server;
editing this copy changes nothing except your own understanding.
"""

import jax, jax.numpy as jnp
import numpy as np

N_NODES = 10000


def _sage_conv(x, src, dst, W_l, b_l, W_r, num_nodes):
    # PyG SAGEConv (aggr='mean', normalize=False, root_weight=True, project=False, bias=True):
    # out = lin_l(mean_{j in N(i)} x_j) + lin_r(x_i)
    msg = x[src]  # gather over edges
    agg = jax.ops.segment_sum(msg, dst, num_segments=num_nodes)
    cnt = jax.ops.segment_sum(jnp.ones((src.shape[0], 1), dtype=x.dtype), dst, num_segments=num_nodes)
    mean = agg / jnp.maximum(cnt, 1.0)
    return mean @ W_l.T + b_l + x @ W_r.T


def setup_inputs(seed: int = 0) -> dict:
    key = jax.random.key(seed)
    ks = jax.random.split(key, 12)
    features = jax.random.normal(ks[0], (N_NODES, 128), dtype=jnp.float32)
    edges = jax.random.randint(ks[1], (2, 320000), 0, N_NODES, dtype=jnp.int64)
    s = 0.05
    params = {
        'Wl1': jax.random.normal(ks[2], (128, 128), dtype=jnp.float32) * s,
        'bl1': jnp.zeros((128,), dtype=jnp.float32),
        'Wr1': jax.random.normal(ks[3], (128, 128), dtype=jnp.float32) * s,
        'Wl_mu': jax.random.normal(ks[4], (64, 128), dtype=jnp.float32) * s,
        'bl_mu': jnp.zeros((64,), dtype=jnp.float32),
        'Wr_mu': jax.random.normal(ks[5], (64, 128), dtype=jnp.float32) * s,
        'Wl_std': jax.random.normal(ks[6], (64, 128), dtype=jnp.float32) * s,
        'bl_std': jnp.zeros((64,), dtype=jnp.float32),
        'Wr_std': jax.random.normal(ks[7], (64, 128), dtype=jnp.float32) * s,
    }
    return {'features': features, 'edges': edges, **params}


def reference(features, edges, Wl1, bl1, Wr1, Wl_mu, bl_mu, Wr_mu, Wl_std, bl_std, Wr_std):
    src = edges[0]
    dst = edges[1]
    h = _sage_conv(features, src, dst, Wl1, bl1, Wr1, N_NODES)
    h = jax.nn.relu(h)
    # dropout p=0.0 -> identity
    mu = _sage_conv(h, src, dst, Wl_mu, bl_mu, Wr_mu, N_NODES)
    std = _sage_conv(h, src, dst, Wl_std, bl_std, Wr_std, N_NODES)
    return (mu, std)

if __name__ == "__main__":
    import jax
    _d = setup_inputs()
    print(jax.jit(kernel)(*tuple(_d.values())))

</pallas_src>

<mosaic_0001>
#map = affine_map<(d0, d1) -> (0, 0)>
#map1 = affine_map<(d0, d1) -> (0)>
#map2 = affine_map<(d0, d1) -> (0, 0, 0)>
module attributes {stable_mosaic.version = 14 : i64} {
  func.func @_sc_agg_body(%arg0: i32, %arg1: i32, %arg2: memref<10240x128xf32, #tpu.memory_space<hbm>>, %arg3: memref<327680xi32, #tpu.memory_space<hbm>>, %arg4: memref<327680xi32, #tpu.memory_space<hbm>>, %arg5: memref<2x10240x128xf32, #tpu.memory_space<hbm>>, %arg6: memref<10240x128xf32, #tpu.memory_space<vmem_shared>>, %arg7: memref<5120xi32, #tpu.memory_space<vmem>>, %arg8: memref<5120xi32, #tpu.memory_space<vmem>>, %arg9: memref<2x128x128xf32, #tpu.memory_space<vmem>>, %arg10: memref<16x128xf32, #tpu.memory_space<vmem>>, %arg11: memref<2x!tpu.dma_semaphore, #tpu.memory_space<semaphore_mem>>, %arg12: memref<2x!tpu.dma_semaphore, #tpu.memory_space<semaphore_mem>>, %arg13: memref<!tpu.dma_semaphore, #tpu.memory_space<semaphore_mem>>) attributes {dimension_semantics = [#tpu.dimension_semantics<core_parallel>, #tpu.dimension_semantics<subcore_parallel>], iteration_bounds = array<i64: 2, 16>, scalar_prefetch = 0 : i64, scratch_operands = 8 : i64, tpu.core_type = #tpu.core_type<sc_vector_subcore>, window_params = [{transform_indices = #map}, {transform_indices = #map1}, {transform_indices = #map1}, {transform_indices = #map2}]} {
    %mul3A = arith.constant 16 : i32
    %mul3A_0 = arith.muli %arg0, %mul3A : i32
    %add3A = arith.addi %mul3A_0, %arg1 : i32
    %broadcast_in_dim3A = arith.constant 0.000000e+00 : f32
    %broadcast_in_dim3A_1 = vector.broadcast %broadcast_in_dim3A : f32 to vector<16xf32>
    %scan3A = arith.constant 0 : i32
    %scan3A_2 = arith.constant 16 : i32
    %scan3A_3 = arith.addi %scan3A, %scan3A_2 : i32
    %scan3A_4 = arith.constant 1 : i32
    scf.for %scan3A_113 = %scan3A to %scan3A_3 step %scan3A_4  : i32 {
      %swap3A = arith.index_cast %scan3A_113 : i32 to index
      %swap3A_114 = arith.constant 0 : index
      %swap3A_115 = tpu.vector_load %arg10[%swap3A, %swap3A_114] {strides = array<i32>} : memref<16x128xf32, #tpu.memory_space<vmem>>, vector<1x16xf32>,
      %swap3A_116 = vector.shape_cast %swap3A_115 : vector<1x16xf32> to vector<16xf32>
      %swap3A_117 = vector.shape_cast %broadcast_in_dim3A_1 : vector<16xf32> to vector<1x16xf32>
      tpu.vector_store %arg10[%swap3A, %swap3A_114], %swap3A_117 {strides = array<i32>} : memref<16x128xf32, #tpu.memory_space<vmem>>, vector<1x16xf32>,
      %swap3A_118 = arith.index_cast %scan3A_113 : i32 to index
      %swap3A_119 = arith.constant 16 : index
      %swap3A_120 = tpu.vector_load %arg10[%swap3A_118, %swap3A_119] {strides = array<i32>} : memref<16x128xf32, #tpu.memory_space<vmem>>, vector<1x16xf32>,
      %swap3A_121 = vector.shape_cast %swap3A_120 : vector<1x16xf32> to vector<16xf32>
      %swap3A_122 = vector.shape_cast %broadcast_in_dim3A_1 : vector<16xf32> to vector<1x16xf32>
      tpu.vector_store %arg10[%swap3A_118, %swap3A_119], %swap3A_122 {strides = array<i32>} : memref<16x128xf32, #tpu.memory_space<vmem>>, vector<1x16xf32>,
      %swap3A_123 = arith.index_cast %scan3A_113 : i32 to index
      %swap3A_124 = arith.constant 32 : index
      %swap3A_125 = tpu.vector_load %arg10[%swap3A_123, %swap3A_124] {strides = array<i32>} : memref<16x128xf32, #tpu.memory_space<vmem>>, vector<1x16xf32>,
      %swap3A_126 = vector.shape_cast %swap3A_125 : vector<1x16xf32> to vector<16xf32>
      %swap3A_127 = vector.shape_cast %broadcast_in_dim3A_1 : vector<16xf32> to vector<1x16xf32>
      tpu.vector_store %arg10[%swap3A_123, %swap3A_124], %swap3A_127 {strides = array<i32>} : memref<16x128xf32, #tpu.memory_space<vmem>>, vector<1x16xf32>,
      %swap3A_128 = arith.index_cast %scan3A_113 : i32 to index
      %swap3A_129 = arith.constant 48 : index
      %swap3A_130 = tpu.vector_load %arg10[%swap3A_128, %swap3A_129] {strides = array<i32>} : memref<16x128xf32, #tpu.memory_space<vmem>>, vector<1x16xf32>,
      %swap3A_131 = vector.shape_cast %swap3A_130 : vector<1x16xf32> to vector<16xf32>
      %swap3A_132 = vector.shape_cast %broadcast_in_dim3A_1 : vector<16xf32> to vector<1x16xf32>
      tpu.vector_store %arg10[%swap3A_128, %swap3A_129], %swap3A_132 {strides = array<i32>} : memref<16x128xf32, #tpu.memory_space<vmem>>, vector<1x16xf32>,
      %swap3A_133 = arith.index_cast %scan3A_113 : i32 to index
      %swap3A_134 = arith.constant 64 : index
      %swap3A_135 = tpu.vector_load %arg10[%swap3A_133, %swap3A_134] {strides = array<i32>} : memref<16x128xf32, #tpu.memory_space<vmem>>, vector<1x16xf32>,
      %swap3A_136 = vector.shape_cast %swap3A_135 : vector<1x16xf32> to vector<16xf32>
      %swap3A_137 = vector.shape_cast %broadcast_in_dim3A_1 : vector<16xf32> to vector<1x16xf32>
      tpu.vector_store %arg10[%swap3A_133, %swap3A_134], %swap3A_137 {strides = array<i32>} : memref<16x128xf32, #tpu.memory_space<vmem>>, vector<1x16xf32>,
      %swap3A_138 = arith.index_cast %scan3A_113 : i32 to index
      %swap3A_139 = arith.constant 80 : index
      %swap3A_140 = tpu.vector_load %arg10[%swap3A_138, %swap3A_139] {strides = array<i32>} : memref<16x128xf32, #tpu.memory_space<vmem>>, vector<1x16xf32>,
      %swap3A_141 = vector.shape_cast %swap3A_140 : vector<1x16xf32> to vector<16xf32>
      %swap3A_142 = vector.shape_cast %broadcast_in_dim3A_1 : vector<16xf32> to vector<1x16xf32>
      tpu.vector_store %arg10[%swap3A_138, %swap3A_139], %swap3A_142 {strides = array<i32>} : memref<16x128xf32, #tpu.memory_space<vmem>>, vector<1x16xf32>,
      %swap3A_143 = arith.index_cast %scan3A_113 : i32 to index
      %swap3A_144 = arith.constant 96 : index
      %swap3A_145 = tpu.vector_load %arg10[%swap3A_143, %swap3A_144] {strides = array<i32>} : memref<16x128xf32, #tpu.memory_space<vmem>>, vector<1x16xf32>,
      %swap3A_146 = vector.shape_cast %swap3A_145 : vector<1x16xf32> to vector<16xf32>
      %swap3A_147 = vector.shape_cast %broadcast_in_dim3A_1 : vector<16xf32> to vector<1x16xf32>
      tpu.vector_store %arg10[%swap3A_143, %swap3A_144], %swap3A_147 {strides = array<i32>} : memref<16x128xf32, #tpu.memory_space<vmem>>, vector<1x16xf32>,
      %swap3A_148 = arith.index_cast %scan3A_113 : i32 to index
      %swap3A_149 = arith.constant 112 : index
      %swap3A_150 = tpu.vector_load %arg10[%swap3A_148, %swap3A_149] {strides = array<i32>} : memref<16x128xf32, #tpu.memory_space<vmem>>, vector<1x16xf32>,
      %swap3A_151 = vector.shape_cast %swap3A_150 : vector<1x16xf32> to vector<16xf32>
      %swap3A_152 = vector.shape_cast %broadcast_in_dim3A_1 : vector<16xf32> to vector<1x16xf32>
      tpu.vector_store %arg10[%swap3A_148, %swap3A_149], %swap3A_152 {strides = array<i32>} : memref<16x128xf32, #tpu.memory_space<vmem>>, vector<1x16xf32>,
    }
    %scan3A_5 = arith.constant 16 : i32
    %mul3A_6 = arith.constant 640 : i32
    %mul3A_7 = arith.muli %arg1, %mul3A_6 : i32
    %scan3A_8 = arith.constant 0 : i32
    %scan3A_9 = arith.constant 40 : i32
    %scan3A_10 = arith.addi %scan3A_8, %scan3A_9 : i32
    %scan3A_11 = arith.constant 1 : i32
    scf.for %scan3A_113 = %scan3A_8 to %scan3A_10 step %scan3A_11  : i32 {
      %mul3A_114 = arith.constant 16 : i32
      %mul3A_115 = arith.muli %scan3A_113, %mul3A_114 : i32
      %add3A_116 = arith.addi %mul3A_7, %mul3A_115 : i32
      %dma_start3A_117 = arith.constant 0 : i32
      %dma_start3A_118 = tpu.memref_slice %arg6[%add3A_116, %dma_start3A_117] : memref<10240x128xf32, #tpu.memory_space<vmem_shared>> -> memref<16x128xf32, #tpu.memory_space<vmem_shared>>
      %dma_start3A_119 = arith.constant 0 : i32
      %dma_start3A_120 = tpu.memref_slice %arg6[%add3A_116, %dma_start3A_119] : memref<10240x128xf32, #tpu.memory_space<vmem_shared>> -> memref<16x128xf32, #tpu.memory_space<vmem_shared>>
      tpu.enqueue_dma source(%arg10 : memref<16x128xf32, #tpu.memory_space<vmem>>) target(%dma_start3A_120 : memref<16x128xf32, #tpu.memory_space<vmem_shared>>) target_semaphore(%arg13 : memref<!tpu.dma_semaphore, #tpu.memory_space<semaphore_mem>>)
    }
    %scan3A_12 = arith.constant 40 : i32
    %mul3A_13 = arith.constant 10240 : i32
    %mul3A_14 = arith.muli %add3A, %mul3A_13 : i32
    %add3A_15 = arith.constant 0 : i32
    %add3A_16 = arith.addi %mul3A_14, %add3A_15 : i32
    "tpu.region"() ({
      %run_scoped3A = tpu.sem_alloc : memref<!tpu.dma_semaphore, #tpu.memory_space<semaphore_mem>>
      %dma_start3A_113 = tpu.memref_slice %arg3[%add3A_16] : memref<327680xi32, #tpu.memory_space<hbm>> -> memref<5120xi32, #tpu.memory_space<hbm>>
      %dma_start3A_114 = tpu.memref_slice %arg3[%add3A_16] : memref<327680xi32, #tpu.memory_space<hbm>> -> memref<5120xi32, #tpu.memory_space<hbm>>
      tpu.enqueue_dma source(%dma_start3A_114 : memref<5120xi32, #tpu.memory_space<hbm>>) target(%arg7 : memref<5120xi32, #tpu.memory_space<vmem>>) target_semaphore(%run_scoped3A : memref<!tpu.dma_semaphore, #tpu.memory_space<semaphore_mem>>)
      %dma_wait3A_115 = tpu.memref_slice %arg3[%add3A_16] : memref<327680xi32, #tpu.memory_space<hbm>> -> memref<5120xi32, #tpu.memory_space<hbm>>
      %dma_wait3A_116 = tpu.memref_slice %arg3[%add3A_16] : memref<327680xi32, #tpu.memory_space<hbm>> -> memref<5120xi32, #tpu.memory_space<hbm>>
      tpu.wait_dma2 semaphore(%run_scoped3A : memref<!tpu.dma_semaphore, #tpu.memory_space<semaphore_mem>>) src(%dma_wait3A_116 : memref<5120xi32, #tpu.memory_space<hbm>>) dst(%arg7 : memref<5120xi32, #tpu.memory_space<vmem>>)
      tpu.yield
    }) : () -> ()
    "tpu.region"() ({
      %run_scoped3A = tpu.sem_alloc : memref<!tpu.dma_semaphore, #tpu.memory_space<semaphore_mem>>
      %dma_start3A_113 = tpu.memref_slice %arg4[%add3A_16] : memref<327680xi32, #tpu.memory_space<hbm>> -> memref<5120xi32, #tpu.memory_space<hbm>>
      %dma_start3A_114 = tpu.memref_slice %arg4[%add3A_16] : memref<327680xi32, #tpu.memory_space<hbm>> -> memref<5120xi32, #tpu.memory_space<hbm>>
      tpu.enqueue_dma source(%dma_start3A_114 : memref<5120xi32, #tpu.memory_space<hbm>>) target(%arg8 : memref<5120xi32, #tpu.memory_space<vmem>>) target_semaphore(%run_scoped3A : memref<!tpu.dma_semaphore, #tpu.memory_space<semaphore_mem>>)
      %dma_wait3A_115 = tpu.memref_slice %arg4[%add3A_16] : memref<327680xi32, #tpu.memory_space<hbm>> -> memref<5120xi32, #tpu.memory_space<hbm>>
      %dma_wait3A_116 = tpu.memref_slice %arg4[%add3A_16] : memref<327680xi32, #tpu.memory_space<hbm>> -> memref<5120xi32, #tpu.memory_space<hbm>>
      tpu.wait_dma2 semaphore(%run_scoped3A : memref<!tpu.dma_semaphore, #tpu.memory_space<semaphore_mem>>) src(%dma_wait3A_116 : memref<5120xi32, #tpu.memory_space<hbm>>) dst(%arg8 : memref<5120xi32, #tpu.memory_space<vmem>>)
      tpu.yield
    }) : () -> ()
    %dma_start3A = arith.constant 0 : i32
    %dma_start3A_17 = arith.constant 0 : i32
    %dma_start3A_18 = arith.constant 0 : i32
    %dma_start3A_19 = arith.constant 0 : i32
    %dma_start3A_20 = tpu.memref_slice %arg9[%dma_start3A, %dma_start3A_18, %dma_start3A_19] : memref<2x128x128xf32, #tpu.memory_space<vmem>> -> memref<1x128x128xf32, #tpu.memory_space<vmem>>
    %dma_start3A_21 = tpu.memref_squeeze %dma_start3A_20 : memref<1x128x128xf32, #tpu.memory_space<vmem>> -> memref<128x128xf32, #tpu.memory_space<vmem>>
    %dma_start3A_22 = arith.constant 0 : i32
    %dma_start3A_23 = tpu.memref_slice %arg7[%dma_start3A_22] : memref<5120xi32, #tpu.memory_space<vmem>> -> memref<128xi32, #tpu.memory_space<vmem>>
    %dma_start3A_24 = arith.constant 0 : i32
    %dma_start3A_25 = arith.constant 0 : i32
    %dma_start3A_26 = tpu.memref_slice %arg2[%dma_start3A_24, %dma_start3A_25] : memref<10240x128xf32, #tpu.memory_space<hbm>> -> memref<10240x128xf32, #tpu.memory_space<hbm>>
    %dma_start3A_27 = tpu.memref_slice %arg11[%dma_start3A_17] : memref<2x!tpu.dma_semaphore, #tpu.memory_space<semaphore_mem>> -> memref<1x!tpu.dma_semaphore, #tpu.memory_space<semaphore_mem>>
    %dma_start3A_28 = tpu.memref_squeeze %dma_start3A_27 : memref<1x!tpu.dma_semaphore, #tpu.memory_space<semaphore_mem>> -> memref<!tpu.dma_semaphore, #tpu.memory_space<semaphore_mem>>
    tpu.enqueue_indirect_dma source(%dma_start3A_26 : memref<10240x128xf32, #tpu.memory_space<hbm>>) target(%dma_start3A_21 : memref<128x128xf32, #tpu.memory_space<vmem>>) offsets(%dma_start3A_23 : memref<128xi32, #tpu.memory_space<vmem>>) semaphore(%dma_start3A_28 : memref<!tpu.dma_semaphore, #tpu.memory_space<semaphore_mem>>)
    %scan3A_29 = arith.constant 0 : i32
    %scan3A_30 = arith.constant 40 : i32
    %scan3A_31 = arith.addi %scan3A_29, %scan3A_30 : i32
    %scan3A_32 = arith.constant 1 : i32
    scf.for %scan3A_113 = %scan3A_29 to %scan3A_31 step %scan3A_32  : i32 {
      %mul3A_114 = arith.constant 16 : i32
      %mul3A_115 = arith.muli %scan3A_113, %mul3A_114 : i32
      %add3A_116 = arith.addi %mul3A_7, %mul3A_115 : i32
      %dma_wait3A_117 = arith.constant 0 : i32
      %dma_wait3A_118 = tpu.memref_slice %arg6[%add3A_116, %dma_wait3A_117] : memref<10240x128xf32, #tpu.memory_space<vmem_shared>> -> memref<16x128xf32, #tpu.memory_space<vmem_shared>>
      %dma_wait3A_119 = arith.constant 0 : i32
      %dma_wait3A_120 = tpu.memref_slice %arg6[%add3A_116, %dma_wait3A_119] : memref<10240x128xf32, #tpu.memory_space<vmem_shared>> -> memref<16x128xf32, #tpu.memory_space<vmem_shared>>
      tpu.wait_dma2 semaphore(%arg13 : memref<!tpu.dma_semaphore, #tpu.memory_space<semaphore_mem>>) src(%arg10 : memref<16x128xf32, #tpu.memory_space<vmem>>) dst(%dma_wait3A_120 : memref<16x128xf32, #tpu.memory_space<vmem_shared>>)
    }
    %scan3A_33 = arith.constant 40 : i32
    %barrier3A = arith.constant 0 : index
    tpu.barrier barrier_id(%barrier3A)
    %scan3A_34 = arith.constant 0 : i32
    %scan3A_35 = arith.constant 20 : i32
    %scan3A_36 = arith.addi %scan3A_34, %scan3A_35 : i32
    %scan3A_37 = arith.constant 1 : i32
    scf.for %scan3A_113 = %scan3A_34 to %scan3A_36 step %scan3A_37  : i32 {
      %mul3A_114 = arith.constant 2 : i32
      %mul3A_115 = arith.muli %scan3A_113, %mul3A_114 : i32
      %add3A_116 = arith.constant 0 : i32
      %add3A_117 = arith.addi %mul3A_115, %add3A_116 : i32
      %add3A_118 = arith.constant 1 : i32
      %add3A_119 = arith.addi %add3A_117, %add3A_118 : i32
      %lt3A = arith.constant 40 : i32
      %lt3A_120 = arith.cmpi slt, %add3A_119, %lt3A : i32
      %ge3A = arith.constant 2 : i32
      %ge3A_121 = arith.cmpi sge, %add3A_119, %ge3A : i32
      %and3A = arith.andi %lt3A_120, %ge3A_121 : i1
      %convert_element_type3A = arith.extui %and3A : i1 to i32
      %cond3A = arith.constant 0 : i32
      %cond3A_122 = arith.cmpi ne, %convert_element_type3A, %cond3A : i32
      scf.if %cond3A_122 {
        %dma_wait3A_203 = arith.constant 1 : i32
        %dma_wait3A_204 = arith.constant 1 : i32
        %dma_wait3A_205 = arith.constant 0 : i32
        %dma_wait3A_206 = arith.constant 0 : i32
        %dma_wait3A_207 = tpu.memref_slice %arg9[%dma_wait3A_203, %dma_wait3A_205, %dma_wait3A_206] : memref<2x128x128xf32, #tpu.memory_space<vmem>> -> memref<1x128x128xf32, #tpu.memory_space<vmem>>
        %dma_wait3A_208 = tpu.memref_squeeze %dma_wait3A_207 : memref<1x128x128xf32, #tpu.memory_space<vmem>> -> memref<128x128xf32, #tpu.memory_space<vmem>>
        %dma_wait3A_209 = arith.constant 0 : i32
        %dma_wait3A_210 = tpu.memref_slice %arg8[%dma_wait3A_209] : memref<5120xi32, #tpu.memory_space<vmem>> -> memref<128xi32, #tpu.memory_space<vmem>>
        %dma_wait3A_211 = arith.constant 0 : i32
        %dma_wait3A_212 = arith.constant 0 : i32
        %dma_wait3A_213 = tpu.memref_slice %arg6[%dma_wait3A_211, %dma_wait3A_212] : memref<10240x128xf32, #tpu.memory_space<vmem_shared>> -> memref<10240x128xf32, #tpu.memory_space<vmem_shared>>
        %dma_wait3A_214 = tpu.memref_slice %arg12[%dma_wait3A_204] : memref<2x!tpu.dma_semaphore, #tpu.memory_space<semaphore_mem>> -> memref<1x!tpu.dma_semaphore, #tpu.memory_space<semaphore_mem>>
        %dma_wait3A_215 = tpu.memref_squeeze %dma_wait3A_214 : memref<1x!tpu.dma_semaphore, #tpu.memory_space<semaphore_mem>> -> memref<!tpu.dma_semaphore, #tpu.memory_space<semaphore_mem>>
        tpu.wait_indirect_dma semaphore(%dma_wait3A_215 : memref<!tpu.dma_semaphore, #tpu.memory_space<semaphore_mem>>) src(%dma_wait3A_208 : memref<128x128xf32, #tpu.memory_space<vmem>>) dst(%dma_wait3A_213 : memref<10240x128xf32, #tpu.memory_space<vmem_shared>>)
      } else {
      }
      %lt3A_123 = arith.constant 40 : i32
      %lt3A_124 = arith.cmpi slt, %add3A_119, %lt3A_123 : i32
      %convert_element_type3A_125 = arith.extui %lt3A_124 : i1 to i32
      %cond3A_126 = arith.constant 0 : i32
      %cond3A_127 = arith.cmpi ne, %convert_element_type3A_125, %cond3A_126 : i32
      scf.if %cond3A_127 {
        %mul3A_203 = arith.constant 128 : i32
        %mul3A_204 = arith.muli %add3A_119, %mul3A_203 : i32
        %dma_start3A_205 = arith.constant 1 : i32
        %dma_start3A_206 = arith.constant 1 : i32
        %dma_start3A_207 = arith.constant 0 : i32
        %dma_start3A_208 = arith.constant 0 : i32
        %dma_start3A_209 = tpu.memref_slice %arg9[%dma_start3A_205, %dma_start3A_207, %dma_start3A_208] : memref<2x128x128xf32, #tpu.memory_space<vmem>> -> memref<1x128x128xf32, #tpu.memory_space<vmem>>
        %dma_start3A_210 = tpu.memref_squeeze %dma_start3A_209 : memref<1x128x128xf32, #tpu.memory_space<vmem>> -> memref<128x128xf32, #tpu.memory_space<vmem>>
        %dma_start3A_211 = tpu.memref_slice %arg7[%mul3A_204] : memref<5120xi32, #tpu.memory_space<vmem>> -> memref<128xi32, #tpu.memory_space<vmem>>
        %dma_start3A_212 = arith.constant 0 : i32
        %dma_start3A_213 = arith.constant 0 : i32
        %dma_start3A_214 = tpu.memref_slice %arg2[%dma_start3A_212, %dma_start3A_213] : memref<10240x128xf32, #tpu.memory_space<hbm>> -> memref<10240x128xf32, #tpu.memory_space<hbm>>
        %dma_start3A_215 = tpu.memref_slice %arg11[%dma_start3A_206] : memref<2x!tpu.dma_semaphore, #tpu.memory_space<semaphore_mem>> -> memref<1x!tpu.dma_semaphore, #tpu.memory_space<semaphore_mem>>
        %dma_start3A_216 = tpu.memref_squeeze %dma_start3A_215 : memref<1x!tpu.dma_semaphore, #tpu.memory_space<semaphore_mem>> -> memref<!tpu.dma_semaphore, #tpu.memory_space<semaphore_mem>>
        tpu.enqueue_indirect_dma source(%dma_start3A_214 : memref<10240x128xf32, #tpu.memory_space<hbm>>) target(%dma_start3A_210 : memref<128x128xf32, #tpu.memory_space<vmem>>) offsets(%dma_start3A_211 : memref<128xi32, #tpu.memory_space<vmem>>) semaphore(%dma_start3A_216 : memref<!tpu.dma_semaphore, #tpu.memory_space<semaphore_mem>>)
      } else {
      }
      %mul3A_128 = arith.constant 128 : i32
      %mul3A_129 = arith.muli %add3A_117, %mul3A_128 : i32
      %dma_wait3A_130 = arith.constant 0 : i32
      %dma_wait3A_131 = arith.constant 0 : i32
      %dma_wait3A_132 = arith.constant 0 : i32
      %dma_wait3A_133 = arith.constant 0 : i32
      %dma_wait3A_134 = tpu.memref_slice %arg9[%dma_wait3A_130, %dma_wait3A_132, %dma_wait3A_133] : memref<2x128x128xf32, #tpu.memory_space<vmem>> -> memref<1x128x128xf32, #tpu.memory_space<vmem>>
      %dma_wait3A_135 = tpu.memref_squeeze %dma_wait3A_134 : memref<1x128x128xf32, #tpu.memory_space<vmem>> -> memref<128x128xf32, #tpu.memory_space<vmem>>
      %dma_wait3A_136 = tpu.memref_slice %arg7[%mul3A_129] : memref<5120xi32, #tpu.memory_space<vmem>> -> memref<128xi32, #tpu.memory_space<vmem>>
      %dma_wait3A_137 = arith.constant 0 : i32
      %dma_wait3A_138 = arith.constant 0 : i32
      %dma_wait3A_139 = tpu.memref_slice %arg2[%dma_wait3A_137, %dma_wait3A_138] : memref<10240x128xf32, #tpu.memory_space<hbm>> -> memref<10240x128xf32, #tpu.memory_space<hbm>>
      %dma_wait3A_140 = tpu.memref_slice %arg11[%dma_wait3A_131] : memref<2x!tpu.dma_semaphore, #tpu.memory_space<semaphore_mem>> -> memref<1x!tpu.dma_semaphore, #tpu.memory_space<semaphore_mem>>
      %dma_wait3A_141 = tpu.memref_squeeze %dma_wait3A_140 : memref<1x!tpu.dma_semaphore, #tpu.memory_space<semaphore_mem>> -> memref<!tpu.dma_semaphore, #tpu.memory_space<semaphore_mem>>
      tpu.wait_indirect_dma semaphore(%dma_wait3A_141 : memref<!tpu.dma_semaphore, #tpu.memory_space<semaphore_mem>>) src(%dma_wait3A_139 : memref<10240x128xf32, #tpu.memory_space<hbm>>) dst(%dma_wait3A_135 : memref<128x128xf32, #tpu.memory_space<vmem>>)
      %mul3A_142 = arith.constant 128 : i32
      %mul3A_143 = arith.muli %add3A_117, %mul3A_142 : i32
      %dma_start3A_144 = arith.constant 0 : i32
      %dma_start3A_145 = arith.constant 0 : i32
      %dma_start3A_146 = arith.constant 0 : i32
      %dma_start3A_147 = arith.constant 0 : i32
      %dma_start3A_148 = tpu.memref_slice %arg9[%dma_start3A_144, %dma_start3A_146, %dma_start3A_147] : memref<2x128x128xf32, #tpu.memory_space<vmem>> -> memref<1x128x128xf32, #tpu.memory_space<vmem>>
      %dma_start3A_149 = tpu.memref_squeeze %dma_start3A_148 : memref<1x128x128xf32, #tpu.memory_space<vmem>> -> memref<128x128xf32, #tpu.memory_space<vmem>>
      %dma_start3A_150 = tpu.memref_slice %arg8[%mul3A_143] : memref<5120xi32, #tpu.memory_space<vmem>> -> memref<128xi32, #tpu.memory_space<vmem>>
      %dma_start3A_151 = arith.constant 0 : i32
      %dma_start3A_152 = arith.constant 0 : i32
      %dma_start3A_153 = tpu.memref_slice %arg6[%dma_start3A_151, %dma_start3A_152] : memref<10240x128xf32, #tpu.memory_space<vmem_shared>> -> memref<10240x128xf32, #tpu.memory_space<vmem_shared>>
      %dma_start3A_154 = tpu.memref_slice %arg12[%dma_start3A_145] : memref<2x!tpu.dma_semaphore, #tpu.memory_space<semaphore_mem>> -> memref<1x!tpu.dma_semaphore, #tpu.memory_space<semaphore_mem>>
      %dma_start3A_155 = tpu.memref_squeeze %dma_start3A_154 : memref<1x!tpu.dma_semaphore, #tpu.memory_space<semaphore_mem>> -> memref<!tpu.dma_semaphore, #tpu.memory_space<semaphore_mem>>
      tpu.enqueue_indirect_dma source(%dma_start3A_149 : memref<128x128xf32, #tpu.memory_space<vmem>>) target(%dma_start3A_153 : memref<10240x128xf32, #tpu.memory_space<vmem_shared>>) offsets(%dma_start3A_150 : memref<128xi32, #tpu.memory_space<vmem>>) semaphore(%dma_start3A_155 : memref<!tpu.dma_semaphore, #tpu.memory_space<semaphore_mem>>) {add = true}
      %mul3A_156 = arith.constant 2 : i32
      %mul3A_157 = arith.muli %scan3A_113, %mul3A_156 : i32
      %add3A_158 = arith.constant 1 : i32
      %add3A_159 = arith.addi %mul3A_157, %add3A_158 : i32
      %add3A_160 = arith.constant 1 : i32
      %add3A_161 = arith.addi %add3A_159, %add3A_160 : i32
      %lt3A_162 = arith.constant 40 : i32
      %lt3A_163 = arith.cmpi slt, %add3A_161, %lt3A_162 : i32
      %ge3A_164 = arith.constant 2 : i32
      %ge3A_165 = arith.cmpi sge, %add3A_161, %ge3A_164 : i32
      %and3A_166 = arith.andi %lt3A_163, %ge3A_165 : i1
      %convert_element_type3A_167 = arith.extui %and3A_166 : i1 to i32
      %cond3A_168 = arith.constant 0 : i32
      %cond3A_169 = arith.cmpi ne, %convert_element_type3A_167, %cond3A_168 : i32
      scf.if %cond3A_169 {
        %dma_wait3A_203 = arith.constant 0 : i32
        %dma_wait3A_204 = arith.constant 0 : i32
        %dma_wait3A_205 = arith.constant 0 : i32
        %dma_wait3A_206 = arith.constant 0 : i32
        %dma_wait3A_207 = tpu.memref_slice %arg9[%dma_wait3A_203, %dma_wait3A_205, %dma_wait3A_206] : memref<2x128x128xf32, #tpu.memory_space<vmem>> -> memref<1x128x128xf32, #tpu.memory_space<vmem>>
        %dma_wait3A_208 = tpu.memref_squeeze %dma_wait3A_207 : memref<1x128x128xf32, #tpu.memory_space<vmem>> -> memref<128x128xf32, #tpu.memory_space<vmem>>
        %dma_wait3A_209 = arith.constant 0 : i32
        %dma_wait3A_210 = tpu.memref_slice %arg8[%dma_wait3A_209] : memref<5120xi32, #tpu.memory_space<vmem>> -> memref<128xi32, #tpu.memory_space<vmem>>
        %dma_wait3A_211 = arith.constant 0 : i32
        %dma_wait3A_212 = arith.constant 0 : i32
        %dma_wait3A_213 = tpu.memref_slice %arg6[%dma_wait3A_211, %dma_wait3A_212] : memref<10240x128xf32, #tpu.memory_space<vmem_shared>> -> memref<10240x128xf32, #tpu.memory_space<vmem_shared>>
        %dma_wait3A_214 = tpu.memref_slice %arg12[%dma_wait3A_204] : memref<2x!tpu.dma_semaphore, #tpu.memory_space<semaphore_mem>> -> memref<1x!tpu.dma_semaphore, #tpu.memory_space<semaphore_mem>>
        %dma_wait3A_215 = tpu.memref_squeeze %dma_wait3A_214 : memref<1x!tpu.dma_semaphore, #tpu.memory_space<semaphore_mem>> -> memref<!tpu.dma_semaphore, #tpu.memory_space<semaphore_mem>>
        tpu.wait_indirect_dma semaphore(%dma_wait3A_215 : memref<!tpu.dma_semaphore, #tpu.memory_space<semaphore_mem>>) src(%dma_wait3A_208 : memref<128x128xf32, #tpu.memory_space<vmem>>) dst(%dma_wait3A_213 : memref<10240x128xf32, #tpu.memory_space<vmem_shared>>)
      } else {
      }
      %lt3A_170 = arith.constant 40 : i32
      %lt3A_171 = arith.cmpi slt, %add3A_161, %lt3A_170 : i32
      %convert_element_type3A_172 = arith.extui %lt3A_171 : i1 to i32
      %cond3A_173 = arith.constant 0 : i32
      %cond3A_174 = arith.cmpi ne, %convert_element_type3A_172, %cond3A_173 : i32
      scf.if %cond3A_174 {
        %mul3A_203 = arith.constant 128 : i32
        %mul3A_204 = arith.muli %add3A_161, %mul3A_203 : i32
        %dma_start3A_205 = arith.constant 0 : i32
        %dma_start3A_206 = arith.constant 0 : i32
        %dma_start3A_207 = arith.constant 0 : i32
        %dma_start3A_208 = arith.constant 0 : i32
        %dma_start3A_209 = tpu.memref_slice %arg9[%dma_start3A_205, %dma_start3A_207, %dma_start3A_208] : memref<2x128x128xf32, #tpu.memory_space<vmem>> -> memref<1x128x128xf32, #tpu.memory_space<vmem>>
        %dma_start3A_210 = tpu.memref_squeeze %dma_start3A_209 : memref<1x128x128xf32, #tpu.memory_space<vmem>> -> memref<128x128xf32, #tpu.memory_space<vmem>>
        %dma_start3A_211 = tpu.memref_slice %arg7[%mul3A_204] : memref<5120xi32, #tpu.memory_space<vmem>> -> memref<128xi32, #tpu.memory_space<vmem>>
        %dma_start3A_212 = arith.constant 0 : i32
        %dma_start3A_213 = arith.constant 0 : i32
        %dma_start3A_214 = tpu.memref_slice %arg2[%dma_start3A_212, %dma_start3A_213] : memref<10240x128xf32, #tpu.memory_space<hbm>> -> memref<10240x128xf32, #tpu.memory_space<hbm>>
        %dma_start3A_215 = tpu.memref_slice %arg11[%dma_start3A_206] : memref<2x!tpu.dma_semaphore, #tpu.memory_space<semaphore_mem>> -> memref<1x!tpu.dma_semaphore, #tpu.memory_space<semaphore_mem>>
        %dma_start3A_216 = tpu.memref_squeeze %dma_start3A_215 : memref<1x!tpu.dma_semaphore, #tpu.memory_space<semaphore_mem>> -> memref<!tpu.dma_semaphore, #tpu.memory_space<semaphore_mem>>
        tpu.enqueue_indirect_dma source(%dma_start3A_214 : memref<10240x128xf32, #tpu.memory_space<hbm>>) target(%dma_start3A_210 : memref<128x128xf32, #tpu.memory_space<vmem>>) offsets(%dma_start3A_211 : memref<128xi32, #tpu.memory_space<vmem>>) semaphore(%dma_start3A_216 : memref<!tpu.dma_semaphore, #tpu.memory_space<semaphore_mem>>)
      } else {
      }
      %mul3A_175 = arith.constant 128 : i32
      %mul3A_176 = arith.muli %add3A_159, %mul3A_175 : i32
      %dma_wait3A_177 = arith.constant 1 : i32
      %dma_wait3A_178 = arith.constant 1 : i32
      %dma_wait3A_179 = arith.constant 0 : i32
      %dma_wait3A_180 = arith.constant 0 : i32
      %dma_wait3A_181 = tpu.memref_slice %arg9[%dma_wait3A_177, %dma_wait3A_179, %dma_wait3A_180] : memref<2x128x128xf32, #tpu.memory_space<vmem>> -> memref<1x128x128xf32, #tpu.memory_space<vmem>>
      %dma_wait3A_182 = tpu.memref_squeeze %dma_wait3A_181 : memref<1x128x128xf32, #tpu.memory_space<vmem>> -> memref<128x128xf32, #tpu.memory_space<vmem>>
      %dma_wait3A_183 = tpu.memref_slice %arg7[%mul3A_176] : memref<5120xi32, #tpu.memory_space<vmem>> -> memref<128xi32, #tpu.memory_space<vmem>>
      %dma_wait3A_184 = arith.constant 0 : i32
      %dma_wait3A_185 = arith.constant 0 : i32
      %dma_wait3A_186 = tpu.memref_slice %arg2[%dma_wait3A_184, %dma_wait3A_185] : memref<10240x128xf32, #tpu.memory_space<hbm>> -> memref<10240x128xf32, #tpu.memory_space<hbm>>
      %dma_wait3A_187 = tpu.memref_slice %arg11[%dma_wait3A_178] : memref<2x!tpu.dma_semaphore, #tpu.memory_space<semaphore_mem>> -> memref<1x!tpu.dma_semaphore, #tpu.memory_space<semaphore_mem>>
      %dma_wait3A_188 = tpu.memref_squeeze %dma_wait3A_187 : memref<1x!tpu.dma_semaphore, #tpu.memory_space<semaphore_mem>> -> memref<!tpu.dma_semaphore, #tpu.memory_space<semaphore_mem>>
      tpu.wait_indirect_dma semaphore(%dma_wait3A_188 : memref<!tpu.dma_semaphore, #tpu.memory_space<semaphore_mem>>) src(%dma_wait3A_186 : memref<10240x128xf32, #tpu.memory_space<hbm>>) dst(%dma_wait3A_182 : memref<128x128xf32, #tpu.memory_space<vmem>>)
      %mul3A_189 = arith.constant 128 : i32
      %mul3A_190 = arith.muli %add3A_159, %mul3A_189 : i32
      %dma_start3A_191 = arith.constant 1 : i32
      %dma_start3A_192 = arith.constant 1 : i32
      %dma_start3A_193 = arith.constant 0 : i32
      %dma_start3A_194 = arith.constant 0 : i32
      %dma_start3A_195 = tpu.memref_slice %arg9[%dma_start3A_191, %dma_start3A_193, %dma_start3A_194] : memref<2x128x128xf32, #tpu.memory_space<vmem>> -> memref<1x128x128xf32, #tpu.memory_space<vmem>>
      %dma_start3A_196 = tpu.memref_squeeze %dma_start3A_195 : memref<1x128x128xf32, #tpu.memory_space<vmem>> -> memref<128x128xf32, #tpu.memory_space<vmem>>
      %dma_start3A_197 = tpu.memref_slice %arg8[%mul3A_190] : memref<5120xi32, #tpu.memory_space<vmem>> -> memref<128xi32, #tpu.memory_space<vmem>>
      %dma_start3A_198 = arith.constant 0 : i32
      %dma_start3A_199 = arith.constant 0 : i32
      %dma_start3A_200 = tpu.memref_slice %arg6[%dma_start3A_198, %dma_start3A_199] : memref<10240x128xf32, #tpu.memory_space<vmem_shared>> -> memref<10240x128xf32, #tpu.memory_space<vmem_shared>>
      %dma_start3A_201 = tpu.memref_slice %arg12[%dma_start3A_192] : memref<2x!tpu.dma_semaphore, #tpu.memory_space<semaphore_mem>> -> memref<1x!tpu.dma_semaphore, #tpu.memory_space<semaphore_mem>>
      %dma_start3A_202 = tpu.memref_squeeze %dma_start3A_201 : memref<1x!tpu.dma_semaphore, #tpu.memory_space<semaphore_mem>> -> memref<!tpu.dma_semaphore, #tpu.memory_space<semaphore_mem>>
      tpu.enqueue_indirect_dma source(%dma_start3A_196 : memref<128x128xf32, #tpu.memory_space<vmem>>) target(%dma_start3A_200 : memref<10240x128xf32, #tpu.memory_space<vmem_shared>>) offsets(%dma_start3A_197 : memref<128xi32, #tpu.memory_space<vmem>>) semaphore(%dma_start3A_202 : memref<!tpu.dma_semaphore, #tpu.memory_space<semaphore_mem>>) {add = true}
    }
    %scan3A_38 = arith.constant 20 : i32
    %dma_wait3A = arith.constant 0 : i32
    %dma_wait3A_39 = arith.constant 0 : i32
    %dma_wait3A_40 = arith.constant 0 : i32
    %dma_wait3A_41 = arith.constant 0 : i32
    %dma_wait3A_42 = tpu.memref_slice %arg9[%dma_wait3A, %dma_wait3A_40, %dma_wait3A_41] : memref<2x128x128xf32, #tpu.memory_space<vmem>> -> memref<1x128x128xf32, #tpu.memory_space<vmem>>
    %dma_wait3A_43 = tpu.memref_squeeze %dma_wait3A_42 : memref<1x128x128xf32, #tpu.memory_space<vmem>> -> memref<128x128xf32, #tpu.memory_space<vmem>>
    %dma_wait3A_44 = arith.constant 0 : i32
    %dma_wait3A_45 = tpu.memref_slice %arg8[%dma_wait3A_44] : memref<5120xi32, #tpu.memory_space<vmem>> -> memref<128xi32, #tpu.memory_space<vmem>>
    %dma_wait3A_46 = arith.constant 0 : i32
    %dma_wait3A_47 = arith.constant 0 : i32
    %dma_wait3A_48 = tpu.memref_slice %arg6[%dma_wait3A_46, %dma_wait3A_47] : memref<10240x128xf32, #tpu.memory_space<vmem_shared>> -> memref<10240x128xf32, #tpu.memory_space<vmem_shared>>
    %dma_wait3A_49 = tpu.memref_slice %arg12[%dma_wait3A_39] : memref<2x!tpu.dma_semaphore, #tpu.memory_space<semaphore_mem>> -> memref<1x!tpu.dma_semaphore, #tpu.memory_space<semaphore_mem>>
    %dma_wait3A_50 = tpu.memref_squeeze %dma_wait3A_49 : memref<1x!tpu.dma_semaphore, #tpu.memory_space<semaphore_mem>> -> memref<!tpu.dma_semaphore, #tpu.memory_space<semaphore_mem>>
    tpu.wait_indirect_dma semaphore(%dma_wait3A_50 : memref<!tpu.dma_semaphore, #tpu.memory_space<semaphore_mem>>) src(%dma_wait3A_43 : memref<128x128xf32, #tpu.memory_space<vmem>>) dst(%dma_wait3A_48 : memref<10240x128xf32, #tpu.memory_space<vmem_shared>>)
    %dma_wait3A_51 = arith.constant 1 : i32
    %dma_wait3A_52 = arith.constant 1 : i32
    %dma_wait3A_53 = arith.constant 0 : i32
    %dma_wait3A_54 = arith.constant 0 : i32
    %dma_wait3A_55 = tpu.memref_slice %arg9[%dma_wait3A_51, %dma_wait3A_53, %dma_wait3A_54] : memref<2x128x128xf32, #tpu.memory_space<vmem>> -> memref<1x128x128xf32, #tpu.memory_space<vmem>>
    %dma_wait3A_56 = tpu.memref_squeeze %dma_wait3A_55 : memref<1x128x128xf32, #tpu.memory_space<vmem>> -> memref<128x128xf32, #tpu.memory_space<vmem>>
    %dma_wait3A_57 = arith.constant 0 : i32
    %dma_wait3A_58 = tpu.memref_slice %arg8[%dma_wait3A_57] : memref<5120xi32, #tpu.memory_space<vmem>> -> memref<128xi32, #tpu.memory_space<vmem>>
    %dma_wait3A_59 = arith.constant 0 : i32
    %dma_wait3A_60 = arith.constant 0 : i32
    %dma_wait3A_61 = tpu.memref_slice %arg6[%dma_wait3A_59, %dma_wait3A_60] : memref<10240x128xf32, #tpu.memory_space<vmem_shared>> -> memref<10240x128xf32, #tpu.memory_space<vmem_shared>>
    %dma_wait3A_62 = tpu.memref_slice %arg12[%dma_wait3A_52] : memref<2x!tpu.dma_semaphore, #tpu.memory_space<semaphore_mem>> -> memref<1x!tpu.dma_semaphore, #tpu.memory_space<semaphore_mem>>
    %dma_wait3A_63 = tpu.memref_squeeze %dma_wait3A_62 : memref<1x!tpu.dma_semaphore, #tpu.memory_space<semaphore_mem>> -> memref<!tpu.dma_semaphore, #tpu.memory_space<semaphore_mem>>
    tpu.wait_indirect_dma semaphore(%dma_wait3A_63 : memref<!tpu.dma_semaphore, #tpu.memory_space<semaphore_mem>>) src(%dma_wait3A_56 : memref<128x128xf32, #tpu.memory_space<vmem>>) dst(%dma_wait3A_61 : memref<10240x128xf32, #tpu.memory_space<vmem_shared>>)
    %mul3A_64 = arith.constant 10240 : i32
    %mul3A_65 = arith.muli %add3A, %mul3A_64 : i32
    %add3A_66 = arith.constant 5120 : i32
    %add3A_67 = arith.addi %mul3A_65, %add3A_66 : i32
    "tpu.region"() ({
      %run_scoped3A = tpu.sem_alloc : memref<!tpu.dma_semaphore, #tpu.memory_space<semaphore_mem>>
      %dma_start3A_113 = tpu.memref_slice %arg3[%add3A_67] : memref<327680xi32, #tpu.memory_space<hbm>> -> memref<5120xi32, #tpu.memory_space<hbm>>
      %dma_start3A_114 = tpu.memref_slice %arg3[%add3A_67] : memref<327680xi32, #tpu.memory_space<hbm>> -> memref<5120xi32, #tpu.memory_space<hbm>>
      tpu.enqueue_dma source(%dma_start3A_114 : memref<5120xi32, #tpu.memory_space<hbm>>) target(%arg7 : memref<5120xi32, #tpu.memory_space<vmem>>) target_semaphore(%run_scoped3A : memref<!tpu.dma_semaphore, #tpu.memory_space<semaphore_mem>>)
      %dma_wait3A_115 = tpu.memref_slice %arg3[%add3A_67] : memref<327680xi32, #tpu.memory_space<hbm>> -> memref<5120xi32, #tpu.memory_space<hbm>>
      %dma_wait3A_116 = tpu.memref_slice %arg3[%add3A_67] : memref<327680xi32, #tpu.memory_space<hbm>> -> memref<5120xi32, #tpu.memory_space<hbm>>
      tpu.wait_dma2 semaphore(%run_scoped3A : memref<!tpu.dma_semaphore, #tpu.memory_space<semaphore_mem>>) src(%dma_wait3A_116 : memref<5120xi32, #tpu.memory_space<hbm>>) dst(%arg7 : memref<5120xi32, #tpu.memory_space<vmem>>)
      tpu.yield
    }) : () -> ()
    "tpu.region"() ({
      %run_scoped3A = tpu.sem_alloc : memref<!tpu.dma_semaphore, #tpu.memory_space<semaphore_mem>>
      %dma_start3A_113 = tpu.memref_slice %arg4[%add3A_67] : memref<327680xi32, #tpu.memory_space<hbm>> -> memref<5120xi32, #tpu.memory_space<hbm>>
      %dma_start3A_114 = tpu.memref_slice %arg4[%add3A_67] : memref<327680xi32, #tpu.memory_space<hbm>> -> memref<5120xi32, #tpu.memory_space<hbm>>
      tpu.enqueue_dma source(%dma_start3A_114 : memref<5120xi32, #tpu.memory_space<hbm>>) target(%arg8 : memref<5120xi32, #tpu.memory_space<vmem>>) target_semaphore(%run_scoped3A : memref<!tpu.dma_semaphore, #tpu.memory_space<semaphore_mem>>)
      %dma_wait3A_115 = tpu.memref_slice %arg4[%add3A_67] : memref<327680xi32, #tpu.memory_space<hbm>> -> memref<5120xi32, #tpu.memory_space<hbm>>
      %dma_wait3A_116 = tpu.memref_slice %arg4[%add3A_67] : memref<327680xi32, #tpu.memory_space<hbm>> -> memref<5120xi32, #tpu.memory_space<hbm>>
      tpu.wait_dma2 semaphore(%run_scoped3A : memref<!tpu.dma_semaphore, #tpu.memory_space<semaphore_mem>>) src(%dma_wait3A_116 : memref<5120xi32, #tpu.memory_space<hbm>>) dst(%arg8 : memref<5120xi32, #tpu.memory_space<vmem>>)
      tpu.yield
    }) : () -> ()
    %dma_start3A_68 = arith.constant 0 : i32
    %dma_start3A_69 = arith.constant 0 : i32
    %dma_start3A_70 = arith.constant 0 : i32
    %dma_start3A_71 = arith.constant 0 : i32
    %dma_start3A_72 = tpu.memref_slice %arg9[%dma_start3A_68, %dma_start3A_70, %dma_start3A_71] : memref<2x128x128xf32, #tpu.memory_space<vmem>> -> memref<1x128x128xf32, #tpu.memory_space<vmem>>
    %dma_start3A_73 = tpu.memref_squeeze %dma_start3A_72 : memref<1x128x128xf32, #tpu.memory_space<vmem>> -> memref<128x128xf32, #tpu.memory_space<vmem>>
    %dma_start3A_74 = arith.constant 0 : i32
    %dma_start3A_75 = tpu.memref_slice %arg7[%dma_start3A_74] : memref<5120xi32, #tpu.memory_space<vmem>> -> memref<128xi32, #tpu.memory_space<vmem>>
    %dma_start3A_76 = arith.constant 0 : i32
    %dma_start3A_77 = arith.constant 0 : i32
    %dma_start3A_78 = tpu.memref_slice %arg2[%dma_start3A_76, %dma_start3A_77] : memref<10240x128xf32, #tpu.memory_space<hbm>> -> memref<10240x128xf32, #tpu.memory_space<hbm>>
    %dma_start3A_79 = tpu.memref_slice %arg11[%dma_start3A_69] : memref<2x!tpu.dma_semaphore, #tpu.memory_space<semaphore_mem>> -> memref<1x!tpu.dma_semaphore, #tpu.memory_space<semaphore_mem>>
    %dma_start3A_80 = tpu.memref_squeeze %dma_start3A_79 : memref<1x!tpu.dma_semaphore, #tpu.memory_space<semaphore_mem>> -> memref<!tpu.dma_semaphore, #tpu.memory_space<semaphore_mem>>
    tpu.enqueue_indirect_dma source(%dma_start3A_78 : memref<10240x128xf32, #tpu.memory_space<hbm>>) target(%dma_start3A_73 : memref<128x128xf32, #tpu.memory_space<vmem>>) offsets(%dma_start3A_75 : memref<128xi32, #tpu.memory_space<vmem>>) semaphore(%dma_start3A_80 : memref<!tpu.dma_semaphore, #tpu.memory_space<semaphore_mem>>)
    %scan3A_81 = arith.constant 0 : i32
    %scan3A_82 = arith.constant 20 : i32
    %scan3A_83 = arith.addi %scan3A_81, %scan3A_82 : i32
    %scan3A_84 = arith.constant 1 : i32
    scf.for %scan3A_113 = %scan3A_81 to %scan3A_83 step %scan3A_84  : i32 {
      %mul3A_114 = arith.constant 2 : i32
      %mul3A_115 = arith.muli %scan3A_113, %mul3A_114 : i32
      %add3A_116 = arith.constant 0 : i32
      %add3A_117 = arith.addi %mul3A_115, %add3A_116 : i32
      %add3A_118 = arith.constant 1 : i32
      %add3A_119 = arith.addi %add3A_117, %add3A_118 : i32
      %lt3A = arith.constant 40 : i32
      %lt3A_120 = arith.cmpi slt, %add3A_119, %lt3A : i32
      %ge3A = arith.constant 2 : i32
      %ge3A_121 = arith.cmpi sge, %add3A_119, %ge3A : i32
      %and3A = arith.andi %lt3A_120, %ge3A_121 : i1
      %convert_element_type3A = arith.extui %and3A : i1 to i32
      %cond3A = arith.constant 0 : i32
      %cond3A_122 = arith.cmpi ne, %convert_element_type3A, %cond3A : i32
      scf.if %cond3A_122 {
        %dma_wait3A_203 = arith.constant 1 : i32
        %dma_wait3A_204 = arith.constant 1 : i32
        %dma_wait3A_205 = arith.constant 0 : i32
        %dma_wait3A_206 = arith.constant 0 : i32
        %dma_wait3A_207 = tpu.memref_slice %arg9[%dma_wait3A_203, %dma_wait3A_205, %dma_wait3A_206] : memref<2x128x128xf32, #tpu.memory_space<vmem>> -> memref<1x128x128xf32, #tpu.memory_space<vmem>>
        %dma_wait3A_208 = tpu.memref_squeeze %dma_wait3A_207 : memref<1x128x128xf32, #tpu.memory_space<vmem>> -> memref<128x128xf32, #tpu.memory_space<vmem>>
        %dma_wait3A_209 = arith.constant 0 : i32
        %dma_wait3A_210 = tpu.memref_slice %arg8[%dma_wait3A_209] : memref<5120xi32, #tpu.memory_space<vmem>> -> memref<128xi32, #tpu.memory_space<vmem>>
        %dma_wait3A_211 = arith.constant 0 : i32
        %dma_wait3A_212 = arith.constant 0 : i32
        %dma_wait3A_213 = tpu.memref_slice %arg6[%dma_wait3A_211, %dma_wait3A_212] : memref<10240x128xf32, #tpu.memory_space<vmem_shared>> -> memref<10240x128xf32, #tpu.memory_space<vmem_shared>>
        %dma_wait3A_214 = tpu.memref_slice %arg12[%dma_wait3A_204] : memref<2x!tpu.dma_semaphore, #tpu.memory_space<semaphore_mem>> -> memref<1x!tpu.dma_semaphore, #tpu.memory_space<semaphore_mem>>
        %dma_wait3A_215 = tpu.memref_squeeze %dma_wait3A_214 : memref<1x!tpu.dma_semaphore, #tpu.memory_space<semaphore_mem>> -> memref<!tpu.dma_semaphore, #tpu.memory_space<semaphore_mem>>
        tpu.wait_indirect_dma semaphore(%dma_wait3A_215 : memref<!tpu.dma_semaphore, #tpu.memory_space<semaphore_mem>>) src(%dma_wait3A_208 : memref<128x128xf32, #tpu.memory_space<vmem>>) dst(%dma_wait3A_213 : memref<10240x128xf32, #tpu.memory_space<vmem_shared>>)
      } else {
      }
      %lt3A_123 = arith.constant 40 : i32
      %lt3A_124 = arith.cmpi slt, %add3A_119, %lt3A_123 : i32
      %convert_element_type3A_125 = arith.extui %lt3A_124 : i1 to i32
      %cond3A_126 = arith.constant 0 : i32
      %cond3A_127 = arith.cmpi ne, %convert_element_type3A_125, %cond3A_126 : i32
      scf.if %cond3A_127 {
        %mul3A_203 = arith.constant 128 : i32
        %mul3A_204 = arith.muli %add3A_119, %mul3A_203 : i32
        %dma_start3A_205 = arith.constant 1 : i32
        %dma_start3A_206 = arith.constant 1 : i32
        %dma_start3A_207 = arith.constant 0 : i32
        %dma_start3A_208 = arith.constant 0 : i32
        %dma_start3A_209 = tpu.memref_slice %arg9[%dma_start3A_205, %dma_start3A_207, %dma_start3A_208] : memref<2x128x128xf32, #tpu.memory_space<vmem>> -> memref<1x128x128xf32, #tpu.memory_space<vmem>>
        %dma_start3A_210 = tpu.memref_squeeze %dma_start3A_209 : memref<1x128x128xf32, #tpu.memory_space<vmem>> -> memref<128x128xf32, #tpu.memory_space<vmem>>
        %dma_start3A_211 = tpu.memref_slice %arg7[%mul3A_204] : memref<5120xi32, #tpu.memory_space<vmem>> -> memref<128xi32, #tpu.memory_space<vmem>>
        %dma_start3A_212 = arith.constant 0 : i32
        %dma_start3A_213 = arith.constant 0 : i32
        %dma_start3A_214 = tpu.memref_slice %arg2[%dma_start3A_212, %dma_start3A_213] : memref<10240x128xf32, #tpu.memory_space<hbm>> -> memref<10240x128xf32, #tpu.memory_space<hbm>>
        %dma_start3A_215 = tpu.memref_slice %arg11[%dma_start3A_206] : memref<2x!tpu.dma_semaphore, #tpu.memory_space<semaphore_mem>> -> memref<1x!tpu.dma_semaphore, #tpu.memory_space<semaphore_mem>>
        %dma_start3A_216 = tpu.memref_squeeze %dma_start3A_215 : memref<1x!tpu.dma_semaphore, #tpu.memory_space<semaphore_mem>> -> memref<!tpu.dma_semaphore, #tpu.memory_space<semaphore_mem>>
        tpu.enqueue_indirect_dma source(%dma_start3A_214 : memref<10240x128xf32, #tpu.memory_space<hbm>>) target(%dma_start3A_210 : memref<128x128xf32, #tpu.memory_space<vmem>>) offsets(%dma_start3A_211 : memref<128xi32, #tpu.memory_space<vmem>>) semaphore(%dma_start3A_216 : memref<!tpu.dma_semaphore, #tpu.memory_space<semaphore_mem>>)
      } else {
      }
      %mul3A_128 = arith.constant 128 : i32
      %mul3A_129 = arith.muli %add3A_117, %mul3A_128 : i32
      %dma_wait3A_130 = arith.constant 0 : i32
      %dma_wait3A_131 = arith.constant 0 : i32
      %dma_wait3A_132 = arith.constant 0 : i32
      %dma_wait3A_133 = arith.constant 0 : i32
      %dma_wait3A_134 = tpu.memref_slice %arg9[%dma_wait3A_130, %dma_wait3A_132, %dma_wait3A_133] : memref<2x128x128xf32, #tpu.memory_space<vmem>> -> memref<1x128x128xf32, #tpu.memory_space<vmem>>
      %dma_wait3A_135 = tpu.memref_squeeze %dma_wait3A_134 : memref<1x128x128xf32, #tpu.memory_space<vmem>> -> memref<128x128xf32, #tpu.memory_space<vmem>>
      %dma_wait3A_136 = tpu.memref_slice %arg7[%mul3A_129] : memref<5120xi32, #tpu.memory_space<vmem>> -> memref<128xi32, #tpu.memory_space<vmem>>
      %dma_wait3A_137 = arith.constant 0 : i32
      %dma_wait3A_138 = arith.constant 0 : i32
      %dma_wait3A_139 = tpu.memref_slice %arg2[%dma_wait3A_137, %dma_wait3A_138] : memref<10240x128xf32, #tpu.memory_space<hbm>> -> memref<10240x128xf32, #tpu.memory_space<hbm>>
      %dma_wait3A_140 = tpu.memref_slice %arg11[%dma_wait3A_131] : memref<2x!tpu.dma_semaphore, #tpu.memory_space<semaphore_mem>> -> memref<1x!tpu.dma_semaphore, #tpu.memory_space<semaphore_mem>>
      %dma_wait3A_141 = tpu.memref_squeeze %dma_wait3A_140 : memref<1x!tpu.dma_semaphore, #tpu.memory_space<semaphore_mem>> -> memref<!tpu.dma_semaphore, #tpu.memory_space<semaphore_mem>>
      tpu.wait_indirect_dma semaphore(%dma_wait3A_141 : memref<!tpu.dma_semaphore, #tpu.memory_space<semaphore_mem>>) src(%dma_wait3A_139 : memref<10240x128xf32, #tpu.memory_space<hbm>>) dst(%dma_wait3A_135 : memref<128x128xf32, #tpu.memory_space<vmem>>)
      %mul3A_142 = arith.constant 128 : i32
      %mul3A_143 = arith.muli %add3A_117, %mul3A_142 : i32
      %dma_start3A_144 = arith.constant 0 : i32
      %dma_start3A_145 = arith.constant 0 : i32
      %dma_start3A_146 = arith.constant 0 : i32
      %dma_start3A_147 = arith.constant 0 : i32
      %dma_start3A_148 = tpu.memref_slice %arg9[%dma_start3A_144, %dma_start3A_146, %dma_start3A_147] : memref<2x128x128xf32, #tpu.memory_space<vmem>> -> memref<1x128x128xf32, #tpu.memory_space<vmem>>
      %dma_start3A_149 = tpu.memref_squeeze %dma_start3A_148 : memref<1x128x128xf32, #tpu.memory_space<vmem>> -> memref<128x128xf32, #tpu.memory_space<vmem>>
      %dma_start3A_150 = tpu.memref_slice %arg8[%mul3A_143] : memref<5120xi32, #tpu.memory_space<vmem>> -> memref<128xi32, #tpu.memory_space<vmem>>
      %dma_start3A_151 = arith.constant 0 : i32
      %dma_start3A_152 = arith.constant 0 : i32
      %dma_start3A_153 = tpu.memref_slice %arg6[%dma_start3A_151, %dma_start3A_152] : memref<10240x128xf32, #tpu.memory_space<vmem_shared>> -> memref<10240x128xf32, #tpu.memory_space<vmem_shared>>
      %dma_start3A_154 = tpu.memref_slice %arg12[%dma_start3A_145] : memref<2x!tpu.dma_semaphore, #tpu.memory_space<semaphore_mem>> -> memref<1x!tpu.dma_semaphore, #tpu.memory_space<semaphore_mem>>
      %dma_start3A_155 = tpu.memref_squeeze %dma_start3A_154 : memref<1x!tpu.dma_semaphore, #tpu.memory_space<semaphore_mem>> -> memref<!tpu.dma_semaphore, #tpu.memory_space<semaphore_mem>>
      tpu.enqueue_indirect_dma source(%dma_start3A_149 : memref<128x128xf32, #tpu.memory_space<vmem>>) target(%dma_start3A_153 : memref<10240x128xf32, #tpu.memory_space<vmem_shared>>) offsets(%dma_start3A_150 : memref<128xi32, #tpu.memory_space<vmem>>) semaphore(%dma_start3A_155 : memref<!tpu.dma_semaphore, #tpu.memory_space<semaphore_mem>>) {add = true}
      %mul3A_156 = arith.constant 2 : i32
      %mul3A_157 = arith.muli %scan3A_113, %mul3A_156 : i32
      %add3A_158 = arith.constant 1 : i32
      %add3A_159 = arith.addi %mul3A_157, %add3A_158 : i32
      %add3A_160 = arith.constant 1 : i32
      %add3A_161 = arith.addi %add3A_159, %add3A_160 : i32
      %lt3A_162 = arith.constant 40 : i32
      %lt3A_163 = arith.cmpi slt, %add3A_161, %lt3A_162 : i32
      %ge3A_164 = arith.constant 2 : i32
      %ge3A_165 = arith.cmpi sge, %add3A_161, %ge3A_164 : i32
      %and3A_166 = arith.andi %lt3A_163, %ge3A_165 : i1
      %convert_element_type3A_167 = arith.extui %and3A_166 : i1 to i32
      %cond3A_168 = arith.constant 0 : i32
      %cond3A_169 = arith.cmpi ne, %convert_element_type3A_167, %cond3A_168 : i32
      scf.if %cond3A_169 {
        %dma_wait3A_203 = arith.constant 0 : i32
        %dma_wait3A_204 = arith.constant 0 : i32
        %dma_wait3A_205 = arith.constant 0 : i32
        %dma_wait3A_206 = arith.constant 0 : i32
        %dma_wait3A_207 = tpu.memref_slice %arg9[%dma_wait3A_203, %dma_wait3A_205, %dma_wait3A_206] : memref<2x128x128xf32, #tpu.memory_space<vmem>> -> memref<1x128x128xf32, #tpu.memory_space<vmem>>
        %dma_wait3A_208 = tpu.memref_squeeze %dma_wait3A_207 : memref<1x128x128xf32, #tpu.memory_space<vmem>> -> memref<128x128xf32, #tpu.memory_space<vmem>>
        %dma_wait3A_209 = arith.constant 0 : i32
        %dma_wait3A_210 = tpu.memref_slice %arg8[%dma_wait3A_209] : memref<5120xi32, #tpu.memory_space<vmem>> -> memref<128xi32, #tpu.memory_space<vmem>>
        %dma_wait3A_211 = arith.constant 0 : i32
        %dma_wait3A_212 = arith.constant 0 : i32
        %dma_wait3A_213 = tpu.memref_slice %arg6[%dma_wait3A_211, %dma_wait3A_212] : memref<10240x128xf32, #tpu.memory_space<vmem_shared>> -> memref<10240x128xf32, #tpu.memory_space<vmem_shared>>
        %dma_wait3A_214 = tpu.memref_slice %arg12[%dma_wait3A_204] : memref<2x!tpu.dma_semaphore, #tpu.memory_space<semaphore_mem>> -> memref<1x!tpu.dma_semaphore, #tpu.memory_space<semaphore_mem>>
        %dma_wait3A_215 = tpu.memref_squeeze %dma_wait3A_214 : memref<1x!tpu.dma_semaphore, #tpu.memory_space<semaphore_mem>> -> memref<!tpu.dma_semaphore, #tpu.memory_space<semaphore_mem>>
        tpu.wait_indirect_dma semaphore(%dma_wait3A_215 : memref<!tpu.dma_semaphore, #tpu.memory_space<semaphore_mem>>) src(%dma_wait3A_208 : memref<128x128xf32, #tpu.memory_space<vmem>>) dst(%dma_wait3A_213 : memref<10240x128xf32, #tpu.memory_space<vmem_shared>>)
      } else {
      }
      %lt3A_170 = arith.constant 40 : i32
      %lt3A_171 = arith.cmpi slt, %add3A_161, %lt3A_170 : i32
      %convert_element_type3A_172 = arith.extui %lt3A_171 : i1 to i32
      %cond3A_173 = arith.constant 0 : i32
      %cond3A_174 = arith.cmpi ne, %convert_element_type3A_172, %cond3A_173 : i32
      scf.if %cond3A_174 {
        %mul3A_203 = arith.constant 128 : i32
        %mul3A_204 = arith.muli %add3A_161, %mul3A_203 : i32
        %dma_start3A_205 = arith.constant 0 : i32
        %dma_start3A_206 = arith.constant 0 : i32
        %dma_start3A_207 = arith.constant 0 : i32
        %dma_start3A_208 = arith.constant 0 : i32
        %dma_start3A_209 = tpu.memref_slice %arg9[%dma_start3A_205, %dma_start3A_207, %dma_start3A_208] : memref<2x128x128xf32, #tpu.memory_space<vmem>> -> memref<1x128x128xf32, #tpu.memory_space<vmem>>
        %dma_start3A_210 = tpu.memref_squeeze %dma_start3A_209 : memref<1x128x128xf32, #tpu.memory_space<vmem>> -> memref<128x128xf32, #tpu.memory_space<vmem>>
        %dma_start3A_211 = tpu.memref_slice %arg7[%mul3A_204] : memref<5120xi32, #tpu.memory_space<vmem>> -> memref<128xi32, #tpu.memory_space<vmem>>
        %dma_start3A_212 = arith.constant 0 : i32
        %dma_start3A_213 = arith.constant 0 : i32
        %dma_start3A_214 = tpu.memref_slice %arg2[%dma_start3A_212, %dma_start3A_213] : memref<10240x128xf32, #tpu.memory_space<hbm>> -> memref<10240x128xf32, #tpu.memory_space<hbm>>
        %dma_start3A_215 = tpu.memref_slice %arg11[%dma_start3A_206] : memref<2x!tpu.dma_semaphore, #tpu.memory_space<semaphore_mem>> -> memref<1x!tpu.dma_semaphore, #tpu.memory_space<semaphore_mem>>
        %dma_start3A_216 = tpu.memref_squeeze %dma_start3A_215 : memref<1x!tpu.dma_semaphore, #tpu.memory_space<semaphore_mem>> -> memref<!tpu.dma_semaphore, #tpu.memory_space<semaphore_mem>>
        tpu.enqueue_indirect_dma source(%dma_start3A_214 : memref<10240x128xf32, #tpu.memory_space<hbm>>) target(%dma_start3A_210 : memref<128x128xf32, #tpu.memory_space<vmem>>) offsets(%dma_start3A_211 : memref<128xi32, #tpu.memory_space<vmem>>) semaphore(%dma_start3A_216 : memref<!tpu.dma_semaphore, #tpu.memory_space<semaphore_mem>>)
      } else {
      }
      %mul3A_175 = arith.constant 128 : i32
      %mul3A_176 = arith.muli %add3A_159, %mul3A_175 : i32
      %dma_wait3A_177 = arith.constant 1 : i32
      %dma_wait3A_178 = arith.constant 1 : i32
      %dma_wait3A_179 = arith.constant 0 : i32
      %dma_wait3A_180 = arith.constant 0 : i32
      %dma_wait3A_181 = tpu.memref_slice %arg9[%dma_wait3A_177, %dma_wait3A_179, %dma_wait3A_180] : memref<2x128x128xf32, #tpu.memory_space<vmem>> -> memref<1x128x128xf32, #tpu.memory_space<vmem>>
      %dma_wait3A_182 = tpu.memref_squeeze %dma_wait3A_181 : memref<1x128x128xf32, #tpu.memory_space<vmem>> -> memref<128x128xf32, #tpu.memory_space<vmem>>
      %dma_wait3A_183 = tpu.memref_slice %arg7[%mul3A_176] : memref<5120xi32, #tpu.memory_space<vmem>> -> memref<128xi32, #tpu.memory_space<vmem>>
      %dma_wait3A_184 = arith.constant 0 : i32
      %dma_wait3A_185 = arith.constant 0 : i32
      %dma_wait3A_186 = tpu.memref_slice %arg2[%dma_wait3A_184, %dma_wait3A_185] : memref<10240x128xf32, #tpu.memory_space<hbm>> -> memref<10240x128xf32, #tpu.memory_space<hbm>>
      %dma_wait3A_187 = tpu.memref_slice %arg11[%dma_wait3A_178] : memref<2x!tpu.dma_semaphore, #tpu.memory_space<semaphore_mem>> -> memref<1x!tpu.dma_semaphore, #tpu.memory_space<semaphore_mem>>
      %dma_wait3A_188 = tpu.memref_squeeze %dma_wait3A_187 : memref<1x!tpu.dma_semaphore, #tpu.memory_space<semaphore_mem>> -> memref<!tpu.dma_semaphore, #tpu.memory_space<semaphore_mem>>
      tpu.wait_indirect_dma semaphore(%dma_wait3A_188 : memref<!tpu.dma_semaphore, #tpu.memory_space<semaphore_mem>>) src(%dma_wait3A_186 : memref<10240x128xf32, #tpu.memory_space<hbm>>) dst(%dma_wait3A_182 : memref<128x128xf32, #tpu.memory_space<vmem>>)
      %mul3A_189 = arith.constant 128 : i32
      %mul3A_190 = arith.muli %add3A_159, %mul3A_189 : i32
      %dma_start3A_191 = arith.constant 1 : i32
      %dma_start3A_192 = arith.constant 1 : i32
      %dma_start3A_193 = arith.constant 0 : i32
      %dma_start3A_194 = arith.constant 0 : i32
      %dma_start3A_195 = tpu.memref_slice %arg9[%dma_start3A_191, %dma_start3A_193, %dma_start3A_194] : memref<2x128x128xf32, #tpu.memory_space<vmem>> -> memref<1x128x128xf32, #tpu.memory_space<vmem>>
      %dma_start3A_196 = tpu.memref_squeeze %dma_start3A_195 : memref<1x128x128xf32, #tpu.memory_space<vmem>> -> memref<128x128xf32, #tpu.memory_space<vmem>>
      %dma_start3A_197 = tpu.memref_slice %arg8[%mul3A_190] : memref<5120xi32, #tpu.memory_space<vmem>> -> memref<128xi32, #tpu.memory_space<vmem>>
      %dma_start3A_198 = arith.constant 0 : i32
      %dma_start3A_199 = arith.constant 0 : i32
      %dma_start3A_200 = tpu.memref_slice %arg6[%dma_start3A_198, %dma_start3A_199] : memref<10240x128xf32, #tpu.memory_space<vmem_shared>> -> memref<10240x128xf32, #tpu.memory_space<vmem_shared>>
      %dma_start3A_201 = tpu.memref_slice %arg12[%dma_start3A_192] : memref<2x!tpu.dma_semaphore, #tpu.memory_space<semaphore_mem>> -> memref<1x!tpu.dma_semaphore, #tpu.memory_space<semaphore_mem>>
      %dma_start3A_202 = tpu.memref_squeeze %dma_start3A_201 : memref<1x!tpu.dma_semaphore, #tpu.memory_space<semaphore_mem>> -> memref<!tpu.dma_semaphore, #tpu.memory_space<semaphore_mem>>
      tpu.enqueue_indirect_dma source(%dma_start3A_196 : memref<128x128xf32, #tpu.memory_space<vmem>>) target(%dma_start3A_200 : memref<10240x128xf32, #tpu.memory_space<vmem_shared>>) offsets(%dma_start3A_197 : memref<128xi32, #tpu.memory_space<vmem>>) semaphore(%dma_start3A_202 : memref<!tpu.dma_semaphore, #tpu.memory_space<semaphore_mem>>) {add = true}
    }
    %scan3A_85 = arith.constant 20 : i32
    %dma_wait3A_86 = arith.constant 0 : i32
    %dma_wait3A_87 = arith.constant 0 : i32
    %dma_wait3A_88 = arith.constant 0 : i32
    %dma_wait3A_89 = arith.constant 0 : i32
    %dma_wait3A_90 = tpu.memref_slice %arg9[%dma_wait3A_86, %dma_wait3A_88, %dma_wait3A_89] : memref<2x128x128xf32, #tpu.memory_space<vmem>> -> memref<1x128x128xf32, #tpu.memory_space<vmem>>
    %dma_wait3A_91 = tpu.memref_squeeze %dma_wait3A_90 : memref<1x128x128xf32, #tpu.memory_space<vmem>> -> memref<128x128xf32, #tpu.memory_space<vmem>>
    %dma_wait3A_92 = arith.constant 0 : i32
    %dma_wait3A_93 = tpu.memref_slice %arg8[%dma_wait3A_92] : memref<5120xi32, #tpu.memory_space<vmem>> -> memref<128xi32, #tpu.memory_space<vmem>>
    %dma_wait3A_94 = arith.constant 0 : i32
    %dma_wait3A_95 = arith.constant 0 : i32
    %dma_wait3A_96 = tpu.memref_slice %arg6[%dma_wait3A_94, %dma_wait3A_95] : memref<10240x128xf32, #tpu.memory_space<vmem_shared>> -> memref<10240x128xf32, #tpu.memory_space<vmem_shared>>
    %dma_wait3A_97 = tpu.memref_slice %arg12[%dma_wait3A_87] : memref<2x!tpu.dma_semaphore, #tpu.memory_space<semaphore_mem>> -> memref<1x!tpu.dma_semaphore, #tpu.memory_space<semaphore_mem>>
    %dma_wait3A_98 = tpu.memref_squeeze %dma_wait3A_97 : memref<1x!tpu.dma_semaphore, #tpu.memory_space<semaphore_mem>> -> memref<!tpu.dma_semaphore, #tpu.memory_space<semaphore_mem>>
    tpu.wait_indirect_dma semaphore(%dma_wait3A_98 : memref<!tpu.dma_semaphore, #tpu.memory_space<semaphore_mem>>) src(%dma_wait3A_91 : memref<128x128xf32, #tpu.memory_space<vmem>>) dst(%dma_wait3A_96 : memref<10240x128xf32, #tpu.memory_space<vmem_shared>>)
    %dma_wait3A_99 = arith.constant 1 : i32
    %dma_wait3A_100 = arith.constant 1 : i32
    %dma_wait3A_101 = arith.constant 0 : i32
    %dma_wait3A_102 = arith.constant 0 : i32
    %dma_wait3A_103 = tpu.memref_slice %arg9[%dma_wait3A_99, %dma_wait3A_101, %dma_wait3A_102] : memref<2x128x128xf32, #tpu.memory_space<vmem>> -> memref<1x128x128xf32, #tpu.memory_space<vmem>>
    %dma_wait3A_104 = tpu.memref_squeeze %dma_wait3A_103 : memref<1x128x128xf32, #tpu.memory_space<vmem>> -> memref<128x128xf32, #tpu.memory_space<vmem>>
    %dma_wait3A_105 = arith.constant 0 : i32
    %dma_wait3A_106 = tpu.memref_slice %arg8[%dma_wait3A_105] : memref<5120xi32, #tpu.memory_space<vmem>> -> memref<128xi32, #tpu.memory_space<vmem>>
    %dma_wait3A_107 = arith.constant 0 : i32
    %dma_wait3A_108 = arith.constant 0 : i32
    %dma_wait3A_109 = tpu.memref_slice %arg6[%dma_wait3A_107, %dma_wait3A_108] : memref<10240x128xf32, #tpu.memory_space<vmem_shared>> -> memref<10240x128xf32, #tpu.memory_space<vmem_shared>>
    %dma_wait3A_110 = tpu.memref_slice %arg12[%dma_wait3A_100] : memref<2x!tpu.dma_semaphore, #tpu.memory_space<semaphore_mem>> -> memref<1x!tpu.dma_semaphore, #tpu.memory_space<semaphore_mem>>
    %dma_wait3A_111 = tpu.memref_squeeze %dma_wait3A_110 : memref<1x!tpu.dma_semaphore, #tpu.memory_space<semaphore_mem>> -> memref<!tpu.dma_semaphore, #tpu.memory_space<semaphore_mem>>
    tpu.wait_indirect_dma semaphore(%dma_wait3A_111 : memref<!tpu.dma_semaphore, #tpu.memory_space<semaphore_mem>>) src(%dma_wait3A_104 : memref<128x128xf32, #tpu.memory_space<vmem>>) dst(%dma_wait3A_109 : memref<10240x128xf32, #tpu.memory_space<vmem_shared>>)
    %barrier3A_112 = arith.constant 0 : index
    tpu.barrier barrier_id(%barrier3A_112)
    "tpu.region"() ({
      %run_scoped3A = tpu.sem_alloc : memref<!tpu.dma_semaphore, #tpu.memory_space<semaphore_mem>>
      %dma_start3A_113 = arith.constant 0 : i32
      %dma_start3A_114 = tpu.memref_slice %arg5[%arg0, %mul3A_7, %dma_start3A_113] : memref<2x10240x128xf32, #tpu.memory_space<hbm>> -> memref<1x640x128xf32, #tpu.memory_space<hbm>>
      %dma_start3A_115 = tpu.memref_squeeze %dma_start3A_114 : memref<1x640x128xf32, #tpu.memory_space<hbm>> -> memref<640x128xf32, #tpu.memory_space<hbm>>
      %dma_start3A_116 = arith.constant 0 : i32
      %dma_start3A_117 = tpu.memref_slice %arg6[%mul3A_7, %dma_start3A_116] : memref<10240x128xf32, #tpu.memory_space<vmem_shared>> -> memref<640x128xf32, #tpu.memory_space<vmem_shared>>
      tpu.enqueue_dma source(%dma_start3A_117 : memref<640x128xf32, #tpu.memory_space<vmem_shared>>) target(%dma_start3A_115 : memref<640x128xf32, #tpu.memory_space<hbm>>) target_semaphore(%run_scoped3A : memref<!tpu.dma_semaphore, #tpu.memory_space<semaphore_mem>>)
      %dma_wait3A_118 = arith.constant 0 : i32
      %dma_wait3A_119 = tpu.memref_slice %arg5[%arg0, %mul3A_7, %dma_wait3A_118] : memref<2x10240x128xf32, #tpu.memory_space<hbm>> -> memref<1x640x128xf32, #tpu.memory_space<hbm>>
      %dma_wait3A_120 = tpu.memref_squeeze %dma_wait3A_119 : memref<1x640x128xf32, #tpu.memory_space<hbm>> -> memref<640x128xf32, #tpu.memory_space<hbm>>
      %dma_wait3A_121 = arith.constant 0 : i32
      %dma_wait3A_122 = tpu.memref_slice %arg6[%mul3A_7, %dma_wait3A_121] : memref<10240x128xf32, #tpu.memory_space<vmem_shared>> -> memref<640x128xf32, #tpu.memory_space<vmem_shared>>
      tpu.wait_dma2 semaphore(%run_scoped3A : memref<!tpu.dma_semaphore, #tpu.memory_space<semaphore_mem>>) src(%dma_wait3A_122 : memref<640x128xf32, #tpu.memory_space<vmem_shared>>) dst(%dma_wait3A_120 : memref<640x128xf32, #tpu.memory_space<hbm>>)
      tpu.yield
    }) : () -> ()
    return
  }
}

#map = affine_map<(d0, d1) -> (0, 0)>
#map1 = affine_map<(d0, d1) -> (0)>
#map2 = affine_map<(d0, d1) -> (0, 0, 0)>
module attributes {stable_mosaic.version = 14 : i64} {
  func.func @_sc_agg_body(%arg0: i32, %arg1: i32, %arg2: memref<10240x128xf32, #tpu.memory_space<hbm>>, %arg3: memref<327680xi32, #tpu.memory_space<hbm>>, %arg4: memref<327680xi32, #tpu.memory_space<hbm>>, %arg5: memref<2x10240x128xf32, #tpu.memory_space<hbm>>, %arg6: memref<10240x128xf32, #tpu.memory_space<vmem_shared>>, %arg7: memref<5120xi32, #tpu.memory_space<vmem>>, %arg8: memref<5120xi32, #tpu.memory_space<vmem>>, %arg9: memref<2x128x128xf32, #tpu.memory_space<vmem>>, %arg10: memref<16x128xf32, #tpu.memory_space<vmem>>, %arg11: memref<2x!tpu.dma_semaphore, #tpu.memory_space<semaphore_mem>>, %arg12: memref<2x!tpu.dma_semaphore, #tpu.memory_space<semaphore_mem>>, %arg13: memref<!tpu.dma_semaphore, #tpu.memory_space<semaphore_mem>>) attributes {dimension_semantics = [#tpu.dimension_semantics<core_parallel>, #tpu.dimension_semantics<subcore_parallel>], iteration_bounds = array<i64: 2, 16>, scalar_prefetch = 0 : i64, scratch_operands = 8 : i64, tpu.core_type = #tpu.core_type<sc_vector_subcore>, window_params = [{transform_indices = #map}, {transform_indices = #map1}, {transform_indices = #map1}, {transform_indices = #map2}]} {
    %mul3A = arith.constant 16 : i32
    %mul3A_0 = arith.muli %arg0, %mul3A : i32
    %add3A = arith.addi %mul3A_0, %arg1 : i32
    %broadcast_in_dim3A = arith.constant 0.000000e+00 : f32
    %broadcast_in_dim3A_1 = vector.broadcast %broadcast_in_dim3A : f32 to vector<16xf32>
    %scan3A = arith.constant 0 : i32
    %scan3A_2 = arith.constant 16 : i32
    %scan3A_3 = arith.addi %scan3A, %scan3A_2 : i32
    %scan3A_4 = arith.constant 1 : i32
    scf.for %scan3A_113 = %scan3A to %scan3A_3 step %scan3A_4  : i32 {
      %swap3A = arith.index_cast %scan3A_113 : i32 to index
      %swap3A_114 = arith.constant 0 : index
      %swap3A_115 = tpu.vector_load %arg10[%swap3A, %swap3A_114] {strides = array<i32>} : memref<16x128xf32, #tpu.memory_space<vmem>>, vector<1x16xf32>,
      %swap3A_116 = vector.shape_cast %swap3A_115 : vector<1x16xf32> to vector<16xf32>
      %swap3A_117 = vector.shape_cast %broadcast_in_dim3A_1 : vector<16xf32> to vector<1x16xf32>
      tpu.vector_store %arg10[%swap3A, %swap3A_114], %swap3A_117 {strides = array<i32>} : memref<16x128xf32, #tpu.memory_space<vmem>>, vector<1x16xf32>,
      %swap3A_118 = arith.index_cast %scan3A_113 : i32 to index
      %swap3A_119 = arith.constant 16 : index
      %swap3A_120 = tpu.vector_load %arg10[%swap3A_118, %swap3A_119] {strides = array<i32>} : memref<16x128xf32, #tpu.memory_space<vmem>>, vector<1x16xf32>,
      %swap3A_121 = vector.shape_cast %swap3A_120 : vector<1x16xf32> to vector<16xf32>
      %swap3A_122 = vector.shape_cast %broadcast_in_dim3A_1 : vector<16xf32> to vector<1x16xf32>
      tpu.vector_store %arg10[%swap3A_118, %swap3A_119], %swap3A_122 {strides = array<i32>} : memref<16x128xf32, #tpu.memory_space<vmem>>, vector<1x16xf32>,
      %swap3A_123 = arith.index_cast %scan3A_113 : i32 to index
      %swap3A_124 = arith.constant 32 : index
      %swap3A_125 = tpu.vector_load %arg10[%swap3A_123, %swap3A_124] {strides = array<i32>} : memref<16x128xf32, #tpu.memory_space<vmem>>, vector<1x16xf32>,
      %swap3A_126 = vector.shape_cast %swap3A_125 : vector<1x16xf32> to vector<16xf32>
      %swap3A_127 = vector.shape_cast %broadcast_in_dim3A_1 : vector<16xf32> to vector<1x16xf32>
      tpu.vector_store %arg10[%swap3A_123, %swap3A_124], %swap3A_127 {strides = array<i32>} : memref<16x128xf32, #tpu.memory_space<vmem>>, vector<1x16xf32>,
      %swap3A_128 = arith.index_cast %scan3A_113 : i32 to index
      %swap3A_129 = arith.constant 48 : index
      %swap3A_130 = tpu.vector_load %arg10[%swap3A_128, %swap3A_129] {strides = array<i32>} : memref<16x128xf32, #tpu.memory_space<vmem>>, vector<1x16xf32>,
      %swap3A_131 = vector.shape_cast %swap3A_130 : vector<1x16xf32> to vector<16xf32>
      %swap3A_132 = vector.shape_cast %broadcast_in_dim3A_1 : vector<16xf32> to vector<1x16xf32>
      tpu.vector_store %arg10[%swap3A_128, %swap3A_129], %swap3A_132 {strides = array<i32>} : memref<16x128xf32, #tpu.memory_space<vmem>>, vector<1x16xf32>,
      %swap3A_133 = arith.index_cast %scan3A_113 : i32 to index
      %swap3A_134 = arith.constant 64 : index
      %swap3A_135 = tpu.vector_load %arg10[%swap3A_133, %swap3A_134] {strides = array<i32>} : memref<16x128xf32, #tpu.memory_space<vmem>>, vector<1x16xf32>,
      %swap3A_136 = vector.shape_cast %swap3A_135 : vector<1x16xf32> to vector<16xf32>
      %swap3A_137 = vector.shape_cast %broadcast_in_dim3A_1 : vector<16xf32> to vector<1x16xf32>
      tpu.vector_store %arg10[%swap3A_133, %swap3A_134], %swap3A_137 {strides = array<i32>} : memref<16x128xf32, #tpu.memory_space<vmem>>, vector<1x16xf32>,
      %swap3A_138 = arith.index_cast %scan3A_113 : i32 to index
      %swap3A_139 = arith.constant 80 : index
      %swap3A_140 = tpu.vector_load %arg10[%swap3A_138, %swap3A_139] {strides = array<i32>} : memref<16x128xf32, #tpu.memory_space<vmem>>, vector<1x16xf32>,
      %swap3A_141 = vector.shape_cast %swap3A_140 : vector<1x16xf32> to vector<16xf32>
      %swap3A_142 = vector.shape_cast %broadcast_in_dim3A_1 : vector<16xf32> to vector<1x16xf32>
      tpu.vector_store %arg10[%swap3A_138, %swap3A_139], %swap3A_142 {strides = array<i32>} : memref<16x128xf32, #tpu.memory_space<vmem>>, vector<1x16xf32>,
      %swap3A_143 = arith.index_cast %scan3A_113 : i32 to index
      %swap3A_144 = arith.constant 96 : index
      %swap3A_145 = tpu.vector_load %arg10[%swap3A_143, %swap3A_144] {strides = array<i32>} : memref<16x128xf32, #tpu.memory_space<vmem>>, vector<1x16xf32>,
      %swap3A_146 = vector.shape_cast %swap3A_145 : vector<1x16xf32> to vector<16xf32>
      %swap3A_147 = vector.shape_cast %broadcast_in_dim3A_1 : vector<16xf32> to vector<1x16xf32>
      tpu.vector_store %arg10[%swap3A_143, %swap3A_144], %swap3A_147 {strides = array<i32>} : memref<16x128xf32, #tpu.memory_space<vmem>>, vector<1x16xf32>,
      %swap3A_148 = arith.index_cast %scan3A_113 : i32 to index
      %swap3A_149 = arith.constant 112 : index
      %swap3A_150 = tpu.vector_load %arg10[%swap3A_148, %swap3A_149] {strides = array<i32>} : memref<16x128xf32, #tpu.memory_space<vmem>>, vector<1x16xf32>,
      %swap3A_151 = vector.shape_cast %swap3A_150 : vector<1x16xf32> to vector<16xf32>
      %swap3A_152 = vector.shape_cast %broadcast_in_dim3A_1 : vector<16xf32> to vector<1x16xf32>
      tpu.vector_store %arg10[%swap3A_148, %swap3A_149], %swap3A_152 {strides = array<i32>} : memref<16x128xf32, #tpu.memory_space<vmem>>, vector<1x16xf32>,
    }
    %scan3A_5 = arith.constant 16 : i32
    %mul3A_6 = arith.constant 640 : i32
    %mul3A_7 = arith.muli %arg1, %mul3A_6 : i32
    %scan3A_8 = arith.constant 0 : i32
    %scan3A_9 = arith.constant 40 : i32
    %scan3A_10 = arith.addi %scan3A_8, %scan3A_9 : i32
    %scan3A_11 = arith.constant 1 : i32
    scf.for %scan3A_113 = %scan3A_8 to %scan3A_10 step %scan3A_11  : i32 {
      %mul3A_114 = arith.constant 16 : i32
      %mul3A_115 = arith.muli %scan3A_113, %mul3A_114 : i32
      %add3A_116 = arith.addi %mul3A_7, %mul3A_115 : i32
      %dma_start3A_117 = arith.constant 0 : i32
      %dma_start3A_118 = tpu.memref_slice %arg6[%add3A_116, %dma_start3A_117] : memref<10240x128xf32, #tpu.memory_space<vmem_shared>> -> memref<16x128xf32, #tpu.memory_space<vmem_shared>>
      %dma_start3A_119 = arith.constant 0 : i32
      %dma_start3A_120 = tpu.memref_slice %arg6[%add3A_116, %dma_start3A_119] : memref<10240x128xf32, #tpu.memory_space<vmem_shared>> -> memref<16x128xf32, #tpu.memory_space<vmem_shared>>
      tpu.enqueue_dma source(%arg10 : memref<16x128xf32, #tpu.memory_space<vmem>>) target(%dma_start3A_120 : memref<16x128xf32, #tpu.memory_space<vmem_shared>>) target_semaphore(%arg13 : memref<!tpu.dma_semaphore, #tpu.memory_space<semaphore_mem>>)
    }
    %scan3A_12 = arith.constant 40 : i32
    %mul3A_13 = arith.constant 10240 : i32
    %mul3A_14 = arith.muli %add3A, %mul3A_13 : i32
    %add3A_15 = arith.constant 0 : i32
    %add3A_16 = arith.addi %mul3A_14, %add3A_15 : i32
    "tpu.region"() ({
      %run_scoped3A = tpu.sem_alloc : memref<!tpu.dma_semaphore, #tpu.memory_space<semaphore_mem>>
      %dma_start3A_113 = tpu.memref_slice %arg3[%add3A_16] : memref<327680xi32, #tpu.memory_space<hbm>> -> memref<5120xi32, #tpu.memory_space<hbm>>
      %dma_start3A_114 = tpu.memref_slice %arg3[%add3A_16] : memref<327680xi32, #tpu.memory_space<hbm>> -> memref<5120xi32, #tpu.memory_space<hbm>>
      tpu.enqueue_dma source(%dma_start3A_114 : memref<5120xi32, #tpu.memory_space<hbm>>) target(%arg7 : memref<5120xi32, #tpu.memory_space<vmem>>) target_semaphore(%run_scoped3A : memref<!tpu.dma_semaphore, #tpu.memory_space<semaphore_mem>>)
      %dma_wait3A_115 = tpu.memref_slice %arg3[%add3A_16] : memref<327680xi32, #tpu.memory_space<hbm>> -> memref<5120xi32, #tpu.memory_space<hbm>>
      %dma_wait3A_116 = tpu.memref_slice %arg3[%add3A_16] : memref<327680xi32, #tpu.memory_space<hbm>> -> memref<5120xi32, #tpu.memory_space<hbm>>
      tpu.wait_dma2 semaphore(%run_scoped3A : memref<!tpu.dma_semaphore, #tpu.memory_space<semaphore_mem>>) src(%dma_wait3A_116 : memref<5120xi32, #tpu.memory_space<hbm>>) dst(%arg7 : memref<5120xi32, #tpu.memory_space<vmem>>)
      tpu.yield
    }) : () -> ()
    "tpu.region"() ({
      %run_scoped3A = tpu.sem_alloc : memref<!tpu.dma_semaphore, #tpu.memory_space<semaphore_mem>>
      %dma_start3A_113 = tpu.memref_slice %arg4[%add3A_16] : memref<327680xi32, #tpu.memory_space<hbm>> -> memref<5120xi32, #tpu.memory_space<hbm>>
      %dma_start3A_114 = tpu.memref_slice %arg4[%add3A_16] : memref<327680xi32, #tpu.memory_space<hbm>> -> memref<5120xi32, #tpu.memory_space<hbm>>
      tpu.enqueue_dma source(%dma_start3A_114 : memref<5120xi32, #tpu.memory_space<hbm>>) target(%arg8 : memref<5120xi32, #tpu.memory_space<vmem>>) target_semaphore(%run_scoped3A : memref<!tpu.dma_semaphore, #tpu.memory_space<semaphore_mem>>)
      %dma_wait3A_115 = tpu.memref_slice %arg4[%add3A_16] : memref<327680xi32, #tpu.memory_space<hbm>> -> memref<5120xi32, #tpu.memory_space<hbm>>
      %dma_wait3A_116 = tpu.memref_slice %arg4[%add3A_16] : memref<327680xi32, #tpu.memory_space<hbm>> -> memref<5120xi32, #tpu.memory_space<hbm>>
      tpu.wait_dma2 semaphore(%run_scoped3A : memref<!tpu.dma_semaphore, #tpu.memory_space<semaphore_mem>>) src(%dma_wait3A_116 : memref<5120xi32, #tpu.memory_space<hbm>>) dst(%arg8 : memref<5120xi32, #tpu.memory_space<vmem>>)
      tpu.yield
    }) : () -> ()
    %dma_start3A = arith.constant 0 : i32
    %dma_start3A_17 = arith.constant 0 : i32
    %dma_start3A_18 = arith.constant 0 : i32
    %dma_start3A_19 = arith.constant 0 : i32
    %dma_start3A_20 = tpu.memref_slice %arg9[%dma_start3A, %dma_start3A_18, %dma_start3A_19] : memref<2x128x128xf32, #tpu.memory_space<vmem>> -> memref<1x128x128xf32, #tpu.memory_space<vmem>>
    %dma_start3A_21 = tpu.memref_squeeze %dma_start3A_20 : memref<1x128x128xf32, #tpu.memory_space<vmem>> -> memref<128x128xf32, #tpu.memory_space<vmem>>
    %dma_start3A_22 = arith.constant 0 : i32
    %dma_start3A_23 = tpu.memref_slice %arg7[%dma_start3A_22] : memref<5120xi32, #tpu.memory_space<vmem>> -> memref<128xi32, #tpu.memory_space<vmem>>
    %dma_start3A_24 = arith.constant 0 : i32
    %dma_start3A_25 = arith.constant 0 : i32
    %dma_start3A_26 = tpu.memref_slice %arg2[%dma_start3A_24, %dma_start3A_25] : memref<10240x128xf32, #tpu.memory_space<hbm>> -> memref<10240x128xf32, #tpu.memory_space<hbm>>
    %dma_start3A_27 = tpu.memref_slice %arg11[%dma_start3A_17] : memref<2x!tpu.dma_semaphore, #tpu.memory_space<semaphore_mem>> -> memref<1x!tpu.dma_semaphore, #tpu.memory_space<semaphore_mem>>
    %dma_start3A_28 = tpu.memref_squeeze %dma_start3A_27 : memref<1x!tpu.dma_semaphore, #tpu.memory_space<semaphore_mem>> -> memref<!tpu.dma_semaphore, #tpu.memory_space<semaphore_mem>>
    tpu.enqueue_indirect_dma source(%dma_start3A_26 : memref<10240x128xf32, #tpu.memory_space<hbm>>) target(%dma_start3A_21 : memref<128x128xf32, #tpu.memory_space<vmem>>) offsets(%dma_start3A_23 : memref<128xi32, #tpu.memory_space<vmem>>) semaphore(%dma_start3A_28 : memref<!tpu.dma_semaphore, #tpu.memory_space<semaphore_mem>>)
    %scan3A_29 = arith.constant 0 : i32
    %scan3A_30 = arith.constant 40 : i32
    %scan3A_31 = arith.addi %scan3A_29, %scan3A_30 : i32
    %scan3A_32 = arith.constant 1 : i32
    scf.for %scan3A_113 = %scan3A_29 to %scan3A_31 step %scan3A_32  : i32 {
      %mul3A_114 = arith.constant 16 : i32
      %mul3A_115 = arith.muli %scan3A_113, %mul3A_114 : i32
      %add3A_116 = arith.addi %mul3A_7, %mul3A_115 : i32
      %dma_wait3A_117 = arith.constant 0 : i32
      %dma_wait3A_118 = tpu.memref_slice %arg6[%add3A_116, %dma_wait3A_117] : memref<10240x128xf32, #tpu.memory_space<vmem_shared>> -> memref<16x128xf32, #tpu.memory_space<vmem_shared>>
      %dma_wait3A_119 = arith.constant 0 : i32
      %dma_wait3A_120 = tpu.memref_slice %arg6[%add3A_116, %dma_wait3A_119] : memref<10240x128xf32, #tpu.memory_space<vmem_shared>> -> memref<16x128xf32, #tpu.memory_space<vmem_shared>>
      tpu.wait_dma2 semaphore(%arg13 : memref<!tpu.dma_semaphore, #tpu.memory_space<semaphore_mem>>) src(%arg10 : memref<16x128xf32, #tpu.memory_space<vmem>>) dst(%dma_wait3A_120 : memref<16x128xf32, #tpu.memory_space<vmem_shared>>)
    }
    %scan3A_33 = arith.constant 40 : i32
    %barrier3A = arith.constant 0 : index
    tpu.barrier barrier_id(%barrier3A)
    %scan3A_34 = arith.constant 0 : i32
    %scan3A_35 = arith.constant 20 : i32
    %scan3A_36 = arith.addi %scan3A_34, %scan3A_35 : i32
    %scan3A_37 = arith.constant 1 : i32
    scf.for %scan3A_113 = %scan3A_34 to %scan3A_36 step %scan3A_37  : i32 {
      %mul3A_114 = arith.constant 2 : i32
      %mul3A_115 = arith.muli %scan3A_113, %mul3A_114 : i32
      %add3A_116 = arith.constant 0 : i32
      %add3A_117 = arith.addi %mul3A_115, %add3A_116 : i32
      %add3A_118 = arith.constant 1 : i32
      %add3A_119 = arith.addi %add3A_117, %add3A_118 : i32
      %lt3A = arith.constant 40 : i32
      %lt3A_120 = arith.cmpi slt, %add3A_119, %lt3A : i32
      %ge3A = arith.constant 2 : i32
      %ge3A_121 = arith.cmpi sge, %add3A_119, %ge3A : i32
      %and3A = arith.andi %lt3A_120, %ge3A_121 : i1
      %convert_element_type3A = arith.extui %and3A : i1 to i32
      %cond3A = arith.constant 0 : i32
      %cond3A_122 = arith.cmpi ne, %convert_element_type3A, %cond3A : i32
      scf.if %cond3A_122 {
        %dma_wait3A_203 = arith.constant 1 : i32
        %dma_wait3A_204 = arith.constant 1 : i32
        %dma_wait3A_205 = arith.constant 0 : i32
        %dma_wait3A_206 = arith.constant 0 : i32
        %dma_wait3A_207 = tpu.memref_slice %arg9[%dma_wait3A_203, %dma_wait3A_205, %dma_wait3A_206] : memref<2x128x128xf32, #tpu.memory_space<vmem>> -> memref<1x128x128xf32, #tpu.memory_space<vmem>>
        %dma_wait3A_208 = tpu.memref_squeeze %dma_wait3A_207 : memref<1x128x128xf32, #tpu.memory_space<vmem>> -> memref<128x128xf32, #tpu.memory_space<vmem>>
        %dma_wait3A_209 = arith.constant 0 : i32
        %dma_wait3A_210 = tpu.memref_slice %arg8[%dma_wait3A_209] : memref<5120xi32, #tpu.memory_space<vmem>> -> memref<128xi32, #tpu.memory_space<vmem>>
        %dma_wait3A_211 = arith.constant 0 : i32
        %dma_wait3A_212 = arith.constant 0 : i32
        %dma_wait3A_213 = tpu.memref_slice %arg6[%dma_wait3A_211, %dma_wait3A_212] : memref<10240x128xf32, #tpu.memory_space<vmem_shared>> -> memref<10240x128xf32, #tpu.memory_space<vmem_shared>>
        %dma_wait3A_214 = tpu.memref_slice %arg12[%dma_wait3A_204] : memref<2x!tpu.dma_semaphore, #tpu.memory_space<semaphore_mem>> -> memref<1x!tpu.dma_semaphore, #tpu.memory_space<semaphore_mem>>
        %dma_wait3A_215 = tpu.memref_squeeze %dma_wait3A_214 : memref<1x!tpu.dma_semaphore, #tpu.memory_space<semaphore_mem>> -> memref<!tpu.dma_semaphore, #tpu.memory_space<semaphore_mem>>
        tpu.wait_indirect_dma semaphore(%dma_wait3A_215 : memref<!tpu.dma_semaphore, #tpu.memory_space<semaphore_mem>>) src(%dma_wait3A_208 : memref<128x128xf32, #tpu.memory_space<vmem>>) dst(%dma_wait3A_213 : memref<10240x128xf32, #tpu.memory_space<vmem_shared>>)
      } else {
      }
      %lt3A_123 = arith.constant 40 : i32
      %lt3A_124 = arith.cmpi slt, %add3A_119, %lt3A_123 : i32
      %convert_element_type3A_125 = arith.extui %lt3A_124 : i1 to i32
      %cond3A_126 = arith.constant 0 : i32
      %cond3A_127 = arith.cmpi ne, %convert_element_type3A_125, %cond3A_126 : i32
      scf.if %cond3A_127 {
        %mul3A_203 = arith.constant 128 : i32
        %mul3A_204 = arith.muli %add3A_119, %mul3A_203 : i32
        %dma_start3A_205 = arith.constant 1 : i32
        %dma_start3A_206 = arith.constant 1 : i32
        %dma_start3A_207 = arith.constant 0 : i32
        %dma_start3A_208 = arith.constant 0 : i32
        %dma_start3A_209 = tpu.memref_slice %arg9[%dma_start3A_205, %dma_start3A_207, %dma_start3A_208] : memref<2x128x128xf32, #tpu.memory_space<vmem>> -> memref<1x128x128xf32, #tpu.memory_space<vmem>>
        %dma_start3A_210 = tpu.memref_squeeze %dma_start3A_209 : memref<1x128x128xf32, #tpu.memory_space<vmem>> -> memref<128x128xf32, #tpu.memory_space<vmem>>
        %dma_start3A_211 = tpu.memref_slice %arg7[%mul3A_204] : memref<5120xi32, #tpu.memory_space<vmem>> -> memref<128xi32, #tpu.memory_space<vmem>>
        %dma_start3A_212 = arith.constant 0 : i32
        %dma_start3A_213 = arith.constant 0 : i32
        %dma_start3A_214 = tpu.memref_slice %arg2[%dma_start3A_212, %dma_start3A_213] : memref<10240x128xf32, #tpu.memory_space<hbm>> -> memref<10240x128xf32, #tpu.memory_space<hbm>>
        %dma_start3A_215 = tpu.memref_slice %arg11[%dma_start3A_206] : memref<2x!tpu.dma_semaphore, #tpu.memory_space<semaphore_mem>> -> memref<1x!tpu.dma_semaphore, #tpu.memory_space<semaphore_mem>>
        %dma_start3A_216 = tpu.memref_squeeze %dma_start3A_215 : memref<1x!tpu.dma_semaphore, #tpu.memory_space<semaphore_mem>> -> memref<!tpu.dma_semaphore, #tpu.memory_space<semaphore_mem>>
        tpu.enqueue_indirect_dma source(%dma_start3A_214 : memref<10240x128xf32, #tpu.memory_space<hbm>>) target(%dma_start3A_210 : memref<128x128xf32, #tpu.memory_space<vmem>>) offsets(%dma_start3A_211 : memref<128xi32, #tpu.memory_space<vmem>>) semaphore(%dma_start3A_216 : memref<!tpu.dma_semaphore, #tpu.memory_space<semaphore_mem>>)
      } else {
      }
      %mul3A_128 = arith.constant 128 : i32
      %mul3A_129 = arith.muli %add3A_117, %mul3A_128 : i32
      %dma_wait3A_130 = arith.constant 0 : i32
      %dma_wait3A_131 = arith.constant 0 : i32
      %dma_wait3A_132 = arith.constant 0 : i32
      %dma_wait3A_133 = arith.constant 0 : i32
      %dma_wait3A_134 = tpu.memref_slice %arg9[%dma_wait3A_130, %dma_wait3A_132, %dma_wait3A_133] : memref<2x128x128xf32, #tpu.memory_space<vmem>> -> memref<1x128x128xf32, #tpu.memory_space<vmem>>
      %dma_wait3A_135 = tpu.memref_squeeze %dma_wait3A_134 : memref<1x128x128xf32, #tpu.memory_space<vmem>> -> memref<128x128xf32, #tpu.memory_space<vmem>>
      %dma_wait3A_136 = tpu.memref_slice %arg7[%mul3A_129] : memref<5120xi32, #tpu.memory_space<vmem>> -> memref<128xi32, #tpu.memory_space<vmem>>
      %dma_wait3A_137 = arith.constant 0 : i32
      %dma_wait3A_138 = arith.constant 0 : i32
      %dma_wait3A_139 = tpu.memref_slice %arg2[%dma_wait3A_137, %dma_wait3A_138] : memref<10240x128xf32, #tpu.memory_space<hbm>> -> memref<10240x128xf32, #tpu.memory_space<hbm>>
      %dma_wait3A_140 = tpu.memref_slice %arg11[%dma_wait3A_131] : memref<2x!tpu.dma_semaphore, #tpu.memory_space<semaphore_mem>> -> memref<1x!tpu.dma_semaphore, #tpu.memory_space<semaphore_mem>>
      %dma_wait3A_141 = tpu.memref_squeeze %dma_wait3A_140 : memref<1x!tpu.dma_semaphore, #tpu.memory_space<semaphore_mem>> -> memref<!tpu.dma_semaphore, #tpu.memory_space<semaphore_mem>>
      tpu.wait_indirect_dma semaphore(%dma_wait3A_141 : memref<!tpu.dma_semaphore, #tpu.memory_space<semaphore_mem>>) src(%dma_wait3A_139 : memref<10240x128xf32, #tpu.memory_space<hbm>>) dst(%dma_wait3A_135 : memref<128x128xf32, #tpu.memory_space<vmem>>)
      %mul3A_142 = arith.constant 128 : i32
      %mul3A_143 = arith.muli %add3A_117, %mul3A_142 : i32
      %dma_start3A_144 = arith.constant 0 : i32
      %dma_start3A_145 = arith.constant 0 : i32
      %dma_start3A_146 = arith.constant 0 : i32
      %dma_start3A_147 = arith.constant 0 : i32
      %dma_start3A_148 = tpu.memref_slice %arg9[%dma_start3A_144, %dma_start3A_146, %dma_start3A_147] : memref<2x128x128xf32, #tpu.memory_space<vmem>> -> memref<1x128x128xf32, #tpu.memory_space<vmem>>
      %dma_start3A_149 = tpu.memref_squeeze %dma_start3A_148 : memref<1x128x128xf32, #tpu.memory_space<vmem>> -> memref<128x128xf32, #tpu.memory_space<vmem>>
      %dma_start3A_150 = tpu.memref_slice %arg8[%mul3A_143] : memref<5120xi32, #tpu.memory_space<vmem>> -> memref<128xi32, #tpu.memory_space<vmem>>
      %dma_start3A_151 = arith.constant 0 : i32
      %dma_start3A_152 = arith.constant 0 : i32
      %dma_start3A_153 = tpu.memref_slice %arg6[%dma_start3A_151, %dma_start3A_152] : memref<10240x128xf32, #tpu.memory_space<vmem_shared>> -> memref<10240x128xf32, #tpu.memory_space<vmem_shared>>
      %dma_start3A_154 = tpu.memref_slice %arg12[%dma_start3A_145] : memref<2x!tpu.dma_semaphore, #tpu.memory_space<semaphore_mem>> -> memref<1x!tpu.dma_semaphore, #tpu.memory_space<semaphore_mem>>
      %dma_start3A_155 = tpu.memref_squeeze %dma_start3A_154 : memref<1x!tpu.dma_semaphore, #tpu.memory_space<semaphore_mem>> -> memref<!tpu.dma_semaphore, #tpu.memory_space<semaphore_mem>>
      tpu.enqueue_indirect_dma source(%dma_start3A_149 : memref<128x128xf32, #tpu.memory_space<vmem>>) target(%dma_start3A_153 : memref<10240x128xf32, #tpu.memory_space<vmem_shared>>) offsets(%dma_start3A_150 : memref<128xi32, #tpu.memory_space<vmem>>) semaphore(%dma_start3A_155 : memref<!tpu.dma_semaphore, #tpu.memory_space<semaphore_mem>>) {add = true}
      %mul3A_156 = arith.constant 2 : i32
      %mul3A_157 = arith.muli %scan3A_113, %mul3A_156 : i32
      %add3A_158 = arith.constant 1 : i32
      %add3A_159 = arith.addi %mul3A_157, %add3A_158 : i32
      %add3A_160 = arith.constant 1 : i32
      %add3A_161 = arith.addi %add3A_159, %add3A_160 : i32
      %lt3A_162 = arith.constant 40 : i32
      %lt3A_163 = arith.cmpi slt, %add3A_161, %lt3A_162 : i32
      %ge3A_164 = arith.constant 2 : i32
      %ge3A_165 = arith.cmpi sge, %add3A_161, %ge3A_164 : i32
      %and3A_166 = arith.andi %lt3A_163, %ge3A_165 : i1
      %convert_element_type3A_167 = arith.extui %and3A_166 : i1 to i32
      %cond3A_168 = arith.constant 0 : i32
      %cond3A_169 = arith.cmpi ne, %convert_element_type3A_167, %cond3A_168 : i32
      scf.if %cond3A_169 {
        %dma_wait3A_203 = arith.constant 0 : i32
        %dma_wait3A_204 = arith.constant 0 : i32
        %dma_wait3A_205 = arith.constant 0 : i32
        %dma_wait3A_206 = arith.constant 0 : i32
        %dma_wait3A_207 = tpu.memref_slice %arg9[%dma_wait3A_203, %dma_wait3A_205, %dma_wait3A_206] : memref<2x128x128xf32, #tpu.memory_space<vmem>> -> memref<1x128x128xf32, #tpu.memory_space<vmem>>
        %dma_wait3A_208 = tpu.memref_squeeze %dma_wait3A_207 : memref<1x128x128xf32, #tpu.memory_space<vmem>> -> memref<128x128xf32, #tpu.memory_space<vmem>>
        %dma_wait3A_209 = arith.constant 0 : i32
        %dma_wait3A_210 = tpu.memref_slice %arg8[%dma_wait3A_209] : memref<5120xi32, #tpu.memory_space<vmem>> -> memref<128xi32, #tpu.memory_space<vmem>>
        %dma_wait3A_211 = arith.constant 0 : i32
        %dma_wait3A_212 = arith.constant 0 : i32
        %dma_wait3A_213 = tpu.memref_slice %arg6[%dma_wait3A_211, %dma_wait3A_212] : memref<10240x128xf32, #tpu.memory_space<vmem_shared>> -> memref<10240x128xf32, #tpu.memory_space<vmem_shared>>
        %dma_wait3A_214 = tpu.memref_slice %arg12[%dma_wait3A_204] : memref<2x!tpu.dma_semaphore, #tpu.memory_space<semaphore_mem>> -> memref<1x!tpu.dma_semaphore, #tpu.memory_space<semaphore_mem>>
        %dma_wait3A_215 = tpu.memref_squeeze %dma_wait3A_214 : memref<1x!tpu.dma_semaphore, #tpu.memory_space<semaphore_mem>> -> memref<!tpu.dma_semaphore, #tpu.memory_space<semaphore_mem>>
        tpu.wait_indirect_dma semaphore(%dma_wait3A_215 : memref<!tpu.dma_semaphore, #tpu.memory_space<semaphore_mem>>) src(%dma_wait3A_208 : memref<128x128xf32, #tpu.memory_space<vmem>>) dst(%dma_wait3A_213 : memref<10240x128xf32, #tpu.memory_space<vmem_shared>>)
      } else {
      }
      %lt3A_170 = arith.constant 40 : i32
      %lt3A_171 = arith.cmpi slt, %add3A_161, %lt3A_170 : i32
      %convert_element_type3A_172 = arith.extui %lt3A_171 : i1 to i32
      %cond3A_173 = arith.constant 0 : i32
      %cond3A_174 = arith.cmpi ne, %convert_element_type3A_172, %cond3A_173 : i32
      scf.if %cond3A_174 {
        %mul3A_203 = arith.constant 128 : i32
        %mul3A_204 = arith.muli %add3A_161, %mul3A_203 : i32
        %dma_start3A_205 = arith.constant 0 : i32
        %dma_start3A_206 = arith.constant 0 : i32
        %dma_start3A_207 = arith.constant 0 : i32
        %dma_start3A_208 = arith.constant 0 : i32
        %dma_start3A_209 = tpu.memref_slice %arg9[%dma_start3A_205, %dma_start3A_207, %dma_start3A_208] : memref<2x128x128xf32, #tpu.memory_space<vmem>> -> memref<1x128x128xf32, #tpu.memory_space<vmem>>
        %dma_start3A_210 = tpu.memref_squeeze %dma_start3A_209 : memref<1x128x128xf32, #tpu.memory_space<vmem>> -> memref<128x128xf32, #tpu.memory_space<vmem>>
        %dma_start3A_211 = tpu.memref_slice %arg7[%mul3A_204] : memref<5120xi32, #tpu.memory_space<vmem>> -> memref<128xi32, #tpu.memory_space<vmem>>
        %dma_start3A_212 = arith.constant 0 : i32
        %dma_start3A_213 = arith.constant 0 : i32
        %dma_start3A_214 = tpu.memref_slice %arg2[%dma_start3A_212, %dma_start3A_213] : memref<10240x128xf32, #tpu.memory_space<hbm>> -> memref<10240x128xf32, #tpu.memory_space<hbm>>
        %dma_start3A_215 = tpu.memref_slice %arg11[%dma_start3A_206] : memref<2x!tpu.dma_semaphore, #tpu.memory_space<semaphore_mem>> -> memref<1x!tpu.dma_semaphore, #tpu.memory_space<semaphore_mem>>
        %dma_start3A_216 = tpu.memref_squeeze %dma_start3A_215 : memref<1x!tpu.dma_semaphore, #tpu.memory_space<semaphore_mem>> -> memref<!tpu.dma_semaphore, #tpu.memory_space<semaphore_mem>>
        tpu.enqueue_indirect_dma source(%dma_start3A_214 : memref<10240x128xf32, #tpu.memory_space<hbm>>) target(%dma_start3A_210 : memref<128x128xf32, #tpu.memory_space<vmem>>) offsets(%dma_start3A_211 : memref<128xi32, #tpu.memory_space<vmem>>) semaphore(%dma_start3A_216 : memref<!tpu.dma_semaphore, #tpu.memory_space<semaphore_mem>>)
      } else {
      }
      %mul3A_175 = arith.constant 128 : i32
      %mul3A_176 = arith.muli %add3A_159, %mul3A_175 : i32
      %dma_wait3A_177 = arith.constant 1 : i32
      %dma_wait3A_178 = arith.constant 1 : i32
      %dma_wait3A_179 = arith.constant 0 : i32
      %dma_wait3A_180 = arith.constant 0 : i32
      %dma_wait3A_181 = tpu.memref_slice %arg9[%dma_wait3A_177, %dma_wait3A_179, %dma_wait3A_180] : memref<2x128x128xf32, #tpu.memory_space<vmem>> -> memref<1x128x128xf32, #tpu.memory_space<vmem>>
      %dma_wait3A_182 = tpu.memref_squeeze %dma_wait3A_181 : memref<1x128x128xf32, #tpu.memory_space<vmem>> -> memref<128x128xf32, #tpu.memory_space<vmem>>
      %dma_wait3A_183 = tpu.memref_slice %arg7[%mul3A_176] : memref<5120xi32, #tpu.memory_space<vmem>> -> memref<128xi32, #tpu.memory_space<vmem>>
      %dma_wait3A_184 = arith.constant 0 : i32
      %dma_wait3A_185 = arith.constant 0 : i32
      %dma_wait3A_186 = tpu.memref_slice %arg2[%dma_wait3A_184, %dma_wait3A_185] : memref<10240x128xf32, #tpu.memory_space<hbm>> -> memref<10240x128xf32, #tpu.memory_space<hbm>>
      %dma_wait3A_187 = tpu.memref_slice %arg11[%dma_wait3A_178] : memref<2x!tpu.dma_semaphore, #tpu.memory_space<semaphore_mem>> -> memref<1x!tpu.dma_semaphore, #tpu.memory_space<semaphore_mem>>
      %dma_wait3A_188 = tpu.memref_squeeze %dma_wait3A_187 : memref<1x!tpu.dma_semaphore, #tpu.memory_space<semaphore_mem>> -> memref<!tpu.dma_semaphore, #tpu.memory_space<semaphore_mem>>
      tpu.wait_indirect_dma semaphore(%dma_wait3A_188 : memref<!tpu.dma_semaphore, #tpu.memory_space<semaphore_mem>>) src(%dma_wait3A_186 : memref<10240x128xf32, #tpu.memory_space<hbm>>) dst(%dma_wait3A_182 : memref<128x128xf32, #tpu.memory_space<vmem>>)
      %mul3A_189 = arith.constant 128 : i32
      %mul3A_190 = arith.muli %add3A_159, %mul3A_189 : i32
      %dma_start3A_191 = arith.constant 1 : i32
      %dma_start3A_192 = arith.constant 1 : i32
      %dma_start3A_193 = arith.constant 0 : i32
      %dma_start3A_194 = arith.constant 0 : i32
      %dma_start3A_195 = tpu.memref_slice %arg9[%dma_start3A_191, %dma_start3A_193, %dma_start3A_194] : memref<2x128x128xf32, #tpu.memory_space<vmem>> -> memref<1x128x128xf32, #tpu.memory_space<vmem>>
      %dma_start3A_196 = tpu.memref_squeeze %dma_start3A_195 : memref<1x128x128xf32, #tpu.memory_space<vmem>> -> memref<128x128xf32, #tpu.memory_space<vmem>>
      %dma_start3A_197 = tpu.memref_slice %arg8[%mul3A_190] : memref<5120xi32, #tpu.memory_space<vmem>> -> memref<128xi32, #tpu.memory_space<vmem>>
      %dma_start3A_198 = arith.constant 0 : i32
      %dma_start3A_199 = arith.constant 0 : i32
      %dma_start3A_200 = tpu.memref_slice %arg6[%dma_start3A_198, %dma_start3A_199] : memref<10240x128xf32, #tpu.memory_space<vmem_shared>> -> memref<10240x128xf32, #tpu.memory_space<vmem_shared>>
      %dma_start3A_201 = tpu.memref_slice %arg12[%dma_start3A_192] : memref<2x!tpu.dma_semaphore, #tpu.memory_space<semaphore_mem>> -> memref<1x!tpu.dma_semaphore, #tpu.memory_space<semaphore_mem>>
      %dma_start3A_202 = tpu.memref_squeeze %dma_start3A_201 : memref<1x!tpu.dma_semaphore, #tpu.memory_space<semaphore_mem>> -> memref<!tpu.dma_semaphore, #tpu.memory_space<semaphore_mem>>
      tpu.enqueue_indirect_dma source(%dma_start3A_196 : memref<128x128xf32, #tpu.memory_space<vmem>>) target(%dma_start3A_200 : memref<10240x128xf32, #tpu.memory_space<vmem_shared>>) offsets(%dma_start3A_197 : memref<128xi32, #tpu.memory_space<vmem>>) semaphore(%dma_start3A_202 : memref<!tpu.dma_semaphore, #tpu.memory_space<semaphore_mem>>) {add = true}
    }
    %scan3A_38 = arith.constant 20 : i32
    %dma_wait3A = arith.constant 0 : i32
    %dma_wait3A_39 = arith.constant 0 : i32
    %dma_wait3A_40 = arith.constant 0 : i32
    %dma_wait3A_41 = arith.constant 0 : i32
    %dma_wait3A_42 = tpu.memref_slice %arg9[%dma_wait3A, %dma_wait3A_40, %dma_wait3A_41] : memref<2x128x128xf32, #tpu.memory_space<vmem>> -> memref<1x128x128xf32, #tpu.memory_space<vmem>>
    %dma_wait3A_43 = tpu.memref_squeeze %dma_wait3A_42 : memref<1x128x128xf32, #tpu.memory_space<vmem>> -> memref<128x128xf32, #tpu.memory_space<vmem>>
    %dma_wait3A_44 = arith.constant 0 : i32
    %dma_wait3A_45 = tpu.memref_slice %arg8[%dma_wait3A_44] : memref<5120xi32, #tpu.memory_space<vmem>> -> memref<128xi32, #tpu.memory_space<vmem>>
    %dma_wait3A_46 = arith.constant 0 : i32
    %dma_wait3A_47 = arith.constant 0 : i32
    %dma_wait3A_48 = tpu.memref_slice %arg6[%dma_wait3A_46, %dma_wait3A_47] : memref<10240x128xf32, #tpu.memory_space<vmem_shared>> -> memref<10240x128xf32, #tpu.memory_space<vmem_shared>>
    %dma_wait3A_49 = tpu.memref_slice %arg12[%dma_wait3A_39] : memref<2x!tpu.dma_semaphore, #tpu.memory_space<semaphore_mem>> -> memref<1x!tpu.dma_semaphore, #tpu.memory_space<semaphore_mem>>
    %dma_wait3A_50 = tpu.memref_squeeze %dma_wait3A_49 : memref<1x!tpu.dma_semaphore, #tpu.memory_space<semaphore_mem>> -> memref<!tpu.dma_semaphore, #tpu.memory_space<semaphore_mem>>
    tpu.wait_indirect_dma semaphore(%dma_wait3A_50 : memref<!tpu.dma_semaphore, #tpu.memory_space<semaphore_mem>>) src(%dma_wait3A_43 : memref<128x128xf32, #tpu.memory_space<vmem>>) dst(%dma_wait3A_48 : memref<10240x128xf32, #tpu.memory_space<vmem_shared>>)
    %dma_wait3A_51 = arith.constant 1 : i32
    %dma_wait3A_52 = arith.constant 1 : i32
    %dma_wait3A_53 = arith.constant 0 : i32
    %dma_wait3A_54 = arith.constant 0 : i32
    %dma_wait3A_55 = tpu.memref_slice %arg9[%dma_wait3A_51, %dma_wait3A_53, %dma_wait3A_54] : memref<2x128x128xf32, #tpu.memory_space<vmem>> -> memref<1x128x128xf32, #tpu.memory_space<vmem>>
    %dma_wait3A_56 = tpu.memref_squeeze %dma_wait3A_55 : memref<1x128x128xf32, #tpu.memory_space<vmem>> -> memref<128x128xf32, #tpu.memory_space<vmem>>
    %dma_wait3A_57 = arith.constant 0 : i32
    %dma_wait3A_58 = tpu.memref_slice %arg8[%dma_wait3A_57] : memref<5120xi32, #tpu.memory_space<vmem>> -> memref<128xi32, #tpu.memory_space<vmem>>
    %dma_wait3A_59 = arith.constant 0 : i32
    %dma_wait3A_60 = arith.constant 0 : i32
    %dma_wait3A_61 = tpu.memref_slice %arg6[%dma_wait3A_59, %dma_wait3A_60] : memref<10240x128xf32, #tpu.memory_space<vmem_shared>> -> memref<10240x128xf32, #tpu.memory_space<vmem_shared>>
    %dma_wait3A_62 = tpu.memref_slice %arg12[%dma_wait3A_52] : memref<2x!tpu.dma_semaphore, #tpu.memory_space<semaphore_mem>> -> memref<1x!tpu.dma_semaphore, #tpu.memory_space<semaphore_mem>>
    %dma_wait3A_63 = tpu.memref_squeeze %dma_wait3A_62 : memref<1x!tpu.dma_semaphore, #tpu.memory_space<semaphore_mem>> -> memref<!tpu.dma_semaphore, #tpu.memory_space<semaphore_mem>>
    tpu.wait_indirect_dma semaphore(%dma_wait3A_63 : memref<!tpu.dma_semaphore, #tpu.memory_space<semaphore_mem>>) src(%dma_wait3A_56 : memref<128x128xf32, #tpu.memory_space<vmem>>) dst(%dma_wait3A_61 : memref<10240x128xf32, #tpu.memory_space<vmem_shared>>)
    %mul3A_64 = arith.constant 10240 : i32
    %mul3A_65 = arith.muli %add3A, %mul3A_64 : i32
    %add3A_66 = arith.constant 5120 : i32
    %add3A_67 = arith.addi %mul3A_65, %add3A_66 : i32
    "tpu.region"() ({
      %run_scoped3A = tpu.sem_alloc : memref<!tpu.dma_semaphore, #tpu.memory_space<semaphore_mem>>
      %dma_start3A_113 = tpu.memref_slice %arg3[%add3A_67] : memref<327680xi32, #tpu.memory_space<hbm>> -> memref<5120xi32, #tpu.memory_space<hbm>>
      %dma_start3A_114 = tpu.memref_slice %arg3[%add3A_67] : memref<327680xi32, #tpu.memory_space<hbm>> -> memref<5120xi32, #tpu.memory_space<hbm>>
      tpu.enqueue_dma source(%dma_start3A_114 : memref<5120xi32, #tpu.memory_space<hbm>>) target(%arg7 : memref<5120xi32, #tpu.memory_space<vmem>>) target_semaphore(%run_scoped3A : memref<!tpu.dma_semaphore, #tpu.memory_space<semaphore_mem>>)
      %dma_wait3A_115 = tpu.memref_slice %arg3[%add3A_67] : memref<327680xi32, #tpu.memory_space<hbm>> -> memref<5120xi32, #tpu.memory_space<hbm>>
      %dma_wait3A_116 = tpu.memref_slice %arg3[%add3A_67] : memref<327680xi32, #tpu.memory_space<hbm>> -> memref<5120xi32, #tpu.memory_space<hbm>>
      tpu.wait_dma2 semaphore(%run_scoped3A : memref<!tpu.dma_semaphore, #tpu.memory_space<semaphore_mem>>) src(%dma_wait3A_116 : memref<5120xi32, #tpu.memory_space<hbm>>) dst(%arg7 : memref<5120xi32, #tpu.memory_space<vmem>>)
      tpu.yield
    }) : () -> ()
    "tpu.region"() ({
      %run_scoped3A = tpu.sem_alloc : memref<!tpu.dma_semaphore, #tpu.memory_space<semaphore_mem>>
      %dma_start3A_113 = tpu.memref_slice %arg4[%add3A_67] : memref<327680xi32, #tpu.memory_space<hbm>> -> memref<5120xi32, #tpu.memory_space<hbm>>
      %dma_start3A_114 = tpu.memref_slice %arg4[%add3A_67] : memref<327680xi32, #tpu.memory_space<hbm>> -> memref<5120xi32, #tpu.memory_space<hbm>>
      tpu.enqueue_dma source(%dma_start3A_114 : memref<5120xi32, #tpu.memory_space<hbm>>) target(%arg8 : memref<5120xi32, #tpu.memory_space<vmem>>) target_semaphore(%run_scoped3A : memref<!tpu.dma_semaphore, #tpu.memory_space<semaphore_mem>>)
      %dma_wait3A_115 = tpu.memref_slice %arg4[%add3A_67] : memref<327680xi32, #tpu.memory_space<hbm>> -> memref<5120xi32, #tpu.memory_space<hbm>>
      %dma_wait3A_116 = tpu.memref_slice %arg4[%add3A_67] : memref<327680xi32, #tpu.memory_space<hbm>> -> memref<5120xi32, #tpu.memory_space<hbm>>
      tpu.wait_dma2 semaphore(%run_scoped3A : memref<!tpu.dma_semaphore, #tpu.memory_space<semaphore_mem>>) src(%dma_wait3A_116 : memref<5120xi32, #tpu.memory_space<hbm>>) dst(%arg8 : memref<5120xi32, #tpu.memory_space<vmem>>)
      tpu.yield
    }) : () -> ()
    %dma_start3A_68 = arith.constant 0 : i32
    %dma_start3A_69 = arith.constant 0 : i32
    %dma_start3A_70 = arith.constant 0 : i32
    %dma_start3A_71 = arith.constant 0 : i32
    %dma_start3A_72 = tpu.memref_slice %arg9[%dma_start3A_68, %dma_start3A_70, %dma_start3A_71] : memref<2x128x128xf32, #tpu.memory_space<vmem>> -> memref<1x128x128xf32, #tpu.memory_space<vmem>>
    %dma_start3A_73 = tpu.memref_squeeze %dma_start3A_72 : memref<1x128x128xf32, #tpu.memory_space<vmem>> -> memref<128x128xf32, #tpu.memory_space<vmem>>
    %dma_start3A_74 = arith.constant 0 : i32
    %dma_start3A_75 = tpu.memref_slice %arg7[%dma_start3A_74] : memref<5120xi32, #tpu.memory_space<vmem>> -> memref<128xi32, #tpu.memory_space<vmem>>
    %dma_start3A_76 = arith.constant 0 : i32
    %dma_start3A_77 = arith.constant 0 : i32
    %dma_start3A_78 = tpu.memref_slice %arg2[%dma_start3A_76, %dma_start3A_77] : memref<10240x128xf32, #tpu.memory_space<hbm>> -> memref<10240x128xf32, #tpu.memory_space<hbm>>
    %dma_start3A_79 = tpu.memref_slice %arg11[%dma_start3A_69] : memref<2x!tpu.dma_semaphore, #tpu.memory_space<semaphore_mem>> -> memref<1x!tpu.dma_semaphore, #tpu.memory_space<semaphore_mem>>
    %dma_start3A_80 = tpu.memref_squeeze %dma_start3A_79 : memref<1x!tpu.dma_semaphore, #tpu.memory_space<semaphore_mem>> -> memref<!tpu.dma_semaphore, #tpu.memory_space<semaphore_mem>>
    tpu.enqueue_indirect_dma source(%dma_start3A_78 : memref<10240x128xf32, #tpu.memory_space<hbm>>) target(%dma_start3A_73 : memref<128x128xf32, #tpu.memory_space<vmem>>) offsets(%dma_start3A_75 : memref<128xi32, #tpu.memory_space<vmem>>) semaphore(%dma_start3A_80 : memref<!tpu.dma_semaphore, #tpu.memory_space<semaphore_mem>>)
    %scan3A_81 = arith.constant 0 : i32
    %scan3A_82 = arith.constant 20 : i32
    %scan3A_83 = arith.addi %scan3A_81, %scan3A_82 : i32
    %scan3A_84 = arith.constant 1 : i32
    scf.for %scan3A_113 = %scan3A_81 to %scan3A_83 step %scan3A_84  : i32 {
      %mul3A_114 = arith.constant 2 : i32
      %mul3A_115 = arith.muli %scan3A_113, %mul3A_114 : i32
      %add3A_116 = arith.constant 0 : i32
      %add3A_117 = arith.addi %mul3A_115, %add3A_116 : i32
      %add3A_118 = arith.constant 1 : i32
      %add3A_119 = arith.addi %add3A_117, %add3A_118 : i32
      %lt3A = arith.constant 40 : i32
      %lt3A_120 = arith.cmpi slt, %add3A_119, %lt3A : i32
      %ge3A = arith.constant 2 : i32
      %ge3A_121 = arith.cmpi sge, %add3A_119, %ge3A : i32
      %and3A = arith.andi %lt3A_120, %ge3A_121 : i1
      %convert_element_type3A = arith.extui %and3A : i1 to i32
      %cond3A = arith.constant 0 : i32
      %cond3A_122 = arith.cmpi ne, %convert_element_type3A, %cond3A : i32
      scf.if %cond3A_122 {
        %dma_wait3A_203 = arith.constant 1 : i32
        %dma_wait3A_204 = arith.constant 1 : i32
        %dma_wait3A_205 = arith.constant 0 : i32
        %dma_wait3A_206 = arith.constant 0 : i32
        %dma_wait3A_207 = tpu.memref_slice %arg9[%dma_wait3A_203, %dma_wait3A_205, %dma_wait3A_206] : memref<2x128x128xf32, #tpu.memory_space<vmem>> -> memref<1x128x128xf32, #tpu.memory_space<vmem>>
        %dma_wait3A_208 = tpu.memref_squeeze %dma_wait3A_207 : memref<1x128x128xf32, #tpu.memory_space<vmem>> -> memref<128x128xf32, #tpu.memory_space<vmem>>
        %dma_wait3A_209 = arith.constant 0 : i32
        %dma_wait3A_210 = tpu.memref_slice %arg8[%dma_wait3A_209] : memref<5120xi32, #tpu.memory_space<vmem>> -> memref<128xi32, #tpu.memory_space<vmem>>
        %dma_wait3A_211 = arith.constant 0 : i32
        %dma_wait3A_212 = arith.constant 0 : i32
        %dma_wait3A_213 = tpu.memref_slice %arg6[%dma_wait3A_211, %dma_wait3A_212] : memref<10240x128xf32, #tpu.memory_space<vmem_shared>> -> memref<10240x128xf32, #tpu.memory_space<vmem_shared>>
        %dma_wait3A_214 = tpu.memref_slice %arg12[%dma_wait3A_204] : memref<2x!tpu.dma_semaphore, #tpu.memory_space<semaphore_mem>> -> memref<1x!tpu.dma_semaphore, #tpu.memory_space<semaphore_mem>>
        %dma_wait3A_215 = tpu.memref_squeeze %dma_wait3A_214 : memref<1x!tpu.dma_semaphore, #tpu.memory_space<semaphore_mem>> -> memref<!tpu.dma_semaphore, #tpu.memory_space<semaphore_mem>>
        tpu.wait_indirect_dma semaphore(%dma_wait3A_215 : memref<!tpu.dma_semaphore, #tpu.memory_space<semaphore_mem>>) src(%dma_wait3A_208 : memref<128x128xf32, #tpu.memory_space<vmem>>) dst(%dma_wait3A_213 : memref<10240x128xf32, #tpu.memory_space<vmem_shared>>)
      } else {
      }
      %lt3A_123 = arith.constant 40 : i32
      %lt3A_124 = arith.cmpi slt, %add3A_119, %lt3A_123 : i32
      %convert_element_type3A_125 = arith.extui %lt3A_124 : i1 to i32
      %cond3A_126 = arith.constant 0 : i32
      %cond3A_127 = arith.cmpi ne, %convert_element_type3A_125, %cond3A_126 : i32
      scf.if %cond3A_127 {
        %mul3A_203 = arith.constant 128 : i32
        %mul3A_204 = arith.muli %add3A_119, %mul3A_203 : i32
        %dma_start3A_205 = arith.constant 1 : i32
        %dma_start3A_206 = arith.constant 1 : i32
        %dma_start3A_207 = arith.constant 0 : i32
        %dma_start3A_208 = arith.constant 0 : i32
        %dma_start3A_209 = tpu.memref_slice %arg9[%dma_start3A_205, %dma_start3A_207, %dma_start3A_208] : memref<2x128x128xf32, #tpu.memory_space<vmem>> -> memref<1x128x128xf32, #tpu.memory_space<vmem>>
        %dma_start3A_210 = tpu.memref_squeeze %dma_start3A_209 : memref<1x128x128xf32, #tpu.memory_space<vmem>> -> memref<128x128xf32, #tpu.memory_space<vmem>>
        %dma_start3A_211 = tpu.memref_slice %arg7[%mul3A_204] : memref<5120xi32, #tpu.memory_space<vmem>> -> memref<128xi32, #tpu.memory_space<vmem>>
        %dma_start3A_212 = arith.constant 0 : i32
        %dma_start3A_213 = arith.constant 0 : i32
        %dma_start3A_214 = tpu.memref_slice %arg2[%dma_start3A_212, %dma_start3A_213] : memref<10240x128xf32, #tpu.memory_space<hbm>> -> memref<10240x128xf32, #tpu.memory_space<hbm>>
        %dma_start3A_215 = tpu.memref_slice %arg11[%dma_start3A_206] : memref<2x!tpu.dma_semaphore, #tpu.memory_space<semaphore_mem>> -> memref<1x!tpu.dma_semaphore, #tpu.memory_space<semaphore_mem>>
        %dma_start3A_216 = tpu.memref_squeeze %dma_start3A_215 : memref<1x!tpu.dma_semaphore, #tpu.memory_space<semaphore_mem>> -> memref<!tpu.dma_semaphore, #tpu.memory_space<semaphore_mem>>
        tpu.enqueue_indirect_dma source(%dma_start3A_214 : memref<10240x128xf32, #tpu.memory_space<hbm>>) target(%dma_start3A_210 : memref<128x128xf32, #tpu.memory_space<vmem>>) offsets(%dma_start3A_211 : memref<128xi32, #tpu.memory_space<vmem>>) semaphore(%dma_start3A_216 : memref<!tpu.dma_semaphore, #tpu.memory_space<semaphore_mem>>)
      } else {
      }
      %mul3A_128 = arith.constant 128 : i32
      %mul3A_129 = arith.muli %add3A_117, %mul3A_128 : i32
      %dma_wait3A_130 = arith.constant 0 : i32
      %dma_wait3A_131 = arith.constant 0 : i32
      %dma_wait3A_132 = arith.constant 0 : i32
      %dma_wait3A_133 = arith.constant 0 : i32
      %dma_wait3A_134 = tpu.memref_slice %arg9[%dma_wait3A_130, %dma_wait3A_132, %dma_wait3A_133] : memref<2x128x128xf32, #tpu.memory_space<vmem>> -> memref<1x128x128xf32, #tpu.memory_space<vmem>>
      %dma_wait3A_135 = tpu.memref_squeeze %dma_wait3A_134 : memref<1x128x128xf32, #tpu.memory_space<vmem>> -> memref<128x128xf32, #tpu.memory_space<vmem>>
      %dma_wait3A_136 = tpu.memref_slice %arg7[%mul3A_129] : memref<5120xi32, #tpu.memory_space<vmem>> -> memref<128xi32, #tpu.memory_space<vmem>>
      %dma_wait3A_137 = arith.constant 0 : i32
      %dma_wait3A_138 = arith.constant 0 : i32
      %dma_wait3A_139 = tpu.memref_slice %arg2[%dma_wait3A_137, %dma_wait3A_138] : memref<10240x128xf32, #tpu.memory_space<hbm>> -> memref<10240x128xf32, #tpu.memory_space<hbm>>
      %dma_wait3A_140 = tpu.memref_slice %arg11[%dma_wait3A_131] : memref<2x!tpu.dma_semaphore, #tpu.memory_space<semaphore_mem>> -> memref<1x!tpu.dma_semaphore, #tpu.memory_space<semaphore_mem>>
      %dma_wait3A_141 = tpu.memref_squeeze %dma_wait3A_140 : memref<1x!tpu.dma_semaphore, #tpu.memory_space<semaphore_mem>> -> memref<!tpu.dma_semaphore, #tpu.memory_space<semaphore_mem>>
      tpu.wait_indirect_dma semaphore(%dma_wait3A_141 : memref<!tpu.dma_semaphore, #tpu.memory_space<semaphore_mem>>) src(%dma_wait3A_139 : memref<10240x128xf32, #tpu.memory_space<hbm>>) dst(%dma_wait3A_135 : memref<128x128xf32, #tpu.memory_space<vmem>>)
      %mul3A_142 = arith.constant 128 : i32
      %mul3A_143 = arith.muli %add3A_117, %mul3A_142 : i32
      %dma_start3A_144 = arith.constant 0 : i32
      %dma_start3A_145 = arith.constant 0 : i32
      %dma_start3A_146 = arith.constant 0 : i32
      %dma_start3A_147 = arith.constant 0 : i32
      %dma_start3A_148 = tpu.memref_slice %arg9[%dma_start3A_144, %dma_start3A_146, %dma_start3A_147] : memref<2x128x128xf32, #tpu.memory_space<vmem>> -> memref<1x128x128xf32, #tpu.memory_space<vmem>>
      %dma_start3A_149 = tpu.memref_squeeze %dma_start3A_148 : memref<1x128x128xf32, #tpu.memory_space<vmem>> -> memref<128x128xf32, #tpu.memory_space<vmem>>
      %dma_start3A_150 = tpu.memref_slice %arg8[%mul3A_143] : memref<5120xi32, #tpu.memory_space<vmem>> -> memref<128xi32, #tpu.memory_space<vmem>>
      %dma_start3A_151 = arith.constant 0 : i32
      %dma_start3A_152 = arith.constant 0 : i32
      %dma_start3A_153 = tpu.memref_slice %arg6[%dma_start3A_151, %dma_start3A_152] : memref<10240x128xf32, #tpu.memory_space<vmem_shared>> -> memref<10240x128xf32, #tpu.memory_space<vmem_shared>>
      %dma_start3A_154 = tpu.memref_slice %arg12[%dma_start3A_145] : memref<2x!tpu.dma_semaphore, #tpu.memory_space<semaphore_mem>> -> memref<1x!tpu.dma_semaphore, #tpu.memory_space<semaphore_mem>>
      %dma_start3A_155 = tpu.memref_squeeze %dma_start3A_154 : memref<1x!tpu.dma_semaphore, #tpu.memory_space<semaphore_mem>> -> memref<!tpu.dma_semaphore, #tpu.memory_space<semaphore_mem>>
      tpu.enqueue_indirect_dma source(%dma_start3A_149 : memref<128x128xf32, #tpu.memory_space<vmem>>) target(%dma_start3A_153 : memref<10240x128xf32, #tpu.memory_space<vmem_shared>>) offsets(%dma_start3A_150 : memref<128xi32, #tpu.memory_space<vmem>>) semaphore(%dma_start3A_155 : memref<!tpu.dma_semaphore, #tpu.memory_space<semaphore_mem>>) {add = true}
      %mul3A_156 = arith.constant 2 : i32
      %mul3A_157 = arith.muli %scan3A_113, %mul3A_156 : i32
      %add3A_158 = arith.constant 1 : i32
      %add3A_159 = arith.addi %mul3A_157, %add3A_158 : i32
      %add3A_160 = arith.constant 1 : i32
      %add3A_161 = arith.addi %add3A_159, %add3A_160 : i32
      %lt3A_162 = arith.constant 40 : i32
      %lt3A_163 = arith.cmpi slt, %add3A_161, %lt3A_162 : i32
      %ge3A_164 = arith.constant 2 : i32
      %ge3A_165 = arith.cmpi sge, %add3A_161, %ge3A_164 : i32
      %and3A_166 = arith.andi %lt3A_163, %ge3A_165 : i1
      %convert_element_type3A_167 = arith.extui %and3A_166 : i1 to i32
      %cond3A_168 = arith.constant 0 : i32
      %cond3A_169 = arith.cmpi ne, %convert_element_type3A_167, %cond3A_168 : i32
      scf.if %cond3A_169 {
        %dma_wait3A_203 = arith.constant 0 : i32
        %dma_wait3A_204 = arith.constant 0 : i32
        %dma_wait3A_205 = arith.constant 0 : i32
        %dma_wait3A_206 = arith.constant 0 : i32
        %dma_wait3A_207 = tpu.memref_slice %arg9[%dma_wait3A_203, %dma_wait3A_205, %dma_wait3A_206] : memref<2x128x128xf32, #tpu.memory_space<vmem>> -> memref<1x128x128xf32, #tpu.memory_space<vmem>>
        %dma_wait3A_208 = tpu.memref_squeeze %dma_wait3A_207 : memref<1x128x128xf32, #tpu.memory_space<vmem>> -> memref<128x128xf32, #tpu.memory_space<vmem>>
        %dma_wait3A_209 = arith.constant 0 : i32
        %dma_wait3A_210 = tpu.memref_slice %arg8[%dma_wait3A_209] : memref<5120xi32, #tpu.memory_space<vmem>> -> memref<128xi32, #tpu.memory_space<vmem>>
        %dma_wait3A_211 = arith.constant 0 : i32
        %dma_wait3A_212 = arith.constant 0 : i32
        %dma_wait3A_213 = tpu.memref_slice %arg6[%dma_wait3A_211, %dma_wait3A_212] : memref<10240x128xf32, #tpu.memory_space<vmem_shared>> -> memref<10240x128xf32, #tpu.memory_space<vmem_shared>>
        %dma_wait3A_214 = tpu.memref_slice %arg12[%dma_wait3A_204] : memref<2x!tpu.dma_semaphore, #tpu.memory_space<semaphore_mem>> -> memref<1x!tpu.dma_semaphore, #tpu.memory_space<semaphore_mem>>
        %dma_wait3A_215 = tpu.memref_squeeze %dma_wait3A_214 : memref<1x!tpu.dma_semaphore, #tpu.memory_space<semaphore_mem>> -> memref<!tpu.dma_semaphore, #tpu.memory_space<semaphore_mem>>
        tpu.wait_indirect_dma semaphore(%dma_wait3A_215 : memref<!tpu.dma_semaphore, #tpu.memory_space<semaphore_mem>>) src(%dma_wait3A_208 : memref<128x128xf32, #tpu.memory_space<vmem>>) dst(%dma_wait3A_213 : memref<10240x128xf32, #tpu.memory_space<vmem_shared>>)
      } else {
      }
      %lt3A_170 = arith.constant 40 : i32
      %lt3A_171 = arith.cmpi slt, %add3A_161, %lt3A_170 : i32
      %convert_element_type3A_172 = arith.extui %lt3A_171 : i1 to i32
      %cond3A_173 = arith.constant 0 : i32
      %cond3A_174 = arith.cmpi ne, %convert_element_type3A_172, %cond3A_173 : i32
      scf.if %cond3A_174 {
        %mul3A_203 = arith.constant 128 : i32
        %mul3A_204 = arith.muli %add3A_161, %mul3A_203 : i32
        %dma_start3A_205 = arith.constant 0 : i32
        %dma_start3A_206 = arith.constant 0 : i32
        %dma_start3A_207 = arith.constant 0 : i32
        %dma_start3A_208 = arith.constant 0 : i32
        %dma_start3A_209 = tpu.memref_slice %arg9[%dma_start3A_205, %dma_start3A_207, %dma_start3A_208] : memref<2x128x128xf32, #tpu.memory_space<vmem>> -> memref<1x128x128xf32, #tpu.memory_space<vmem>>
        %dma_start3A_210 = tpu.memref_squeeze %dma_start3A_209 : memref<1x128x128xf32, #tpu.memory_space<vmem>> -> memref<128x128xf32, #tpu.memory_space<vmem>>
        %dma_start3A_211 = tpu.memref_slice %arg7[%mul3A_204] : memref<5120xi32, #tpu.memory_space<vmem>> -> memref<128xi32, #tpu.memory_space<vmem>>
        %dma_start3A_212 = arith.constant 0 : i32
        %dma_start3A_213 = arith.constant 0 : i32
        %dma_start3A_214 = tpu.memref_slice %arg2[%dma_start3A_212, %dma_start3A_213] : memref<10240x128xf32, #tpu.memory_space<hbm>> -> memref<10240x128xf32, #tpu.memory_space<hbm>>
        %dma_start3A_215 = tpu.memref_slice %arg11[%dma_start3A_206] : memref<2x!tpu.dma_semaphore, #tpu.memory_space<semaphore_mem>> -> memref<1x!tpu.dma_semaphore, #tpu.memory_space<semaphore_mem>>
        %dma_start3A_216 = tpu.memref_squeeze %dma_start3A_215 : memref<1x!tpu.dma_semaphore, #tpu.memory_space<semaphore_mem>> -> memref<!tpu.dma_semaphore, #tpu.memory_space<semaphore_mem>>
        tpu.enqueue_indirect_dma source(%dma_start3A_214 : memref<10240x128xf32, #tpu.memory_space<hbm>>) target(%dma_start3A_210 : memref<128x128xf32, #tpu.memory_space<vmem>>) offsets(%dma_start3A_211 : memref<128xi32, #tpu.memory_space<vmem>>) semaphore(%dma_start3A_216 : memref<!tpu.dma_semaphore, #tpu.memory_space<semaphore_mem>>)
      } else {
      }
      %mul3A_175 = arith.constant 128 : i32
      %mul3A_176 = arith.muli %add3A_159, %mul3A_175 : i32
      %dma_wait3A_177 = arith.constant 1 : i32
      %dma_wait3A_178 = arith.constant 1 : i32
      %dma_wait3A_179 = arith.constant 0 : i32
      %dma_wait3A_180 = arith.constant 0 : i32
      %dma_wait3A_181 = tpu.memref_slice %arg9[%dma_wait3A_177, %dma_wait3A_179, %dma_wait3A_180] : memref<2x128x128xf32, #tpu.memory_space<vmem>> -> memref<1x128x128xf32, #tpu.memory_space<vmem>>
      %dma_wait3A_182 = tpu.memref_squeeze %dma_wait3A_181 : memref<1x128x128xf32, #tpu.memory_space<vmem>> -> memref<128x128xf32, #tpu.memory_space<vmem>>
      %dma_wait3A_183 = tpu.memref_slice %arg7[%mul3A_176] : memref<5120xi32, #tpu.memory_space<vmem>> -> memref<128xi32, #tpu.memory_space<vmem>>
      %dma_wait3A_184 = arith.constant 0 : i32
      %dma_wait3A_185 = arith.constant 0 : i32
      %dma_wait3A_186 = tpu.memref_slice %arg2[%dma_wait3A_184, %dma_wait3A_185] : memref<10240x128xf32, #tpu.memory_space<hbm>> -> memref<10240x128xf32, #tpu.memory_space<hbm>>
      %dma_wait3A_187 = tpu.memref_slice %arg11[%dma_wait3A_178] : memref<2x!tpu.dma_semaphore, #tpu.memory_space<semaphore_mem>> -> memref<1x!tpu.dma_semaphore, #tpu.memory_space<semaphore_mem>>
      %dma_wait3A_188 = tpu.memref_squeeze %dma_wait3A_187 : memref<1x!tpu.dma_semaphore, #tpu.memory_space<semaphore_mem>> -> memref<!tpu.dma_semaphore, #tpu.memory_space<semaphore_mem>>
      tpu.wait_indirect_dma semaphore(%dma_wait3A_188 : memref<!tpu.dma_semaphore, #tpu.memory_space<semaphore_mem>>) src(%dma_wait3A_186 : memref<10240x128xf32, #tpu.memory_space<hbm>>) dst(%dma_wait3A_182 : memref<128x128xf32, #tpu.memory_space<vmem>>)
      %mul3A_189 = arith.constant 128 : i32
      %mul3A_190 = arith.muli %add3A_159, %mul3A_189 : i32
      %dma_start3A_191 = arith.constant 1 : i32
      %dma_start3A_192 = arith.constant 1 : i32
      %dma_start3A_193 = arith.constant 0 : i32
      %dma_start3A_194 = arith.constant 0 : i32
      %dma_start3A_195 = tpu.memref_slice %arg9[%dma_start3A_191, %dma_start3A_193, %dma_start3A_194] : memref<2x128x128xf32, #tpu.memory_space<vmem>> -> memref<1x128x128xf32, #tpu.memory_space<vmem>>
      %dma_start3A_196 = tpu.memref_squeeze %dma_start3A_195 : memref<1x128x128xf32, #tpu.memory_space<vmem>> -> memref<128x128xf32, #tpu.memory_space<vmem>>
      %dma_start3A_197 = tpu.memref_slice %arg8[%mul3A_190] : memref<5120xi32, #tpu.memory_space<vmem>> -> memref<128xi32, #tpu.memory_space<vmem>>
      %dma_start3A_198 = arith.constant 0 : i32
      %dma_start3A_199 = arith.constant 0 : i32
      %dma_start3A_200 = tpu.memref_slice %arg6[%dma_start3A_198, %dma_start3A_199] : memref<10240x128xf32, #tpu.memory_space<vmem_shared>> -> memref<10240x128xf32, #tpu.memory_space<vmem_shared>>
      %dma_start3A_201 = tpu.memref_slice %arg12[%dma_start3A_192] : memref<2x!tpu.dma_semaphore, #tpu.memory_space<semaphore_mem>> -> memref<1x!tpu.dma_semaphore, #tpu.memory_space<semaphore_mem>>
      %dma_start3A_202 = tpu.memref_squeeze %dma_start3A_201 : memref<1x!tpu.dma_semaphore, #tpu.memory_space<semaphore_mem>> -> memref<!tpu.dma_semaphore, #tpu.memory_space<semaphore_mem>>
      tpu.enqueue_indirect_dma source(%dma_start3A_196 : memref<128x128xf32, #tpu.memory_space<vmem>>) target(%dma_start3A_200 : memref<10240x128xf32, #tpu.memory_space<vmem_shared>>) offsets(%dma_start3A_197 : memref<128xi32, #tpu.memory_space<vmem>>) semaphore(%dma_start3A_202 : memref<!tpu.dma_semaphore, #tpu.memory_space<semaphore_mem>>) {add = true}
    }
    %scan3A_85 = arith.constant 20 : i32
    %dma_wait3A_86 = arith.constant 0 : i32
    %dma_wait3A_87 = arith.constant 0 : i32
    %dma_wait3A_88 = arith.constant 0 : i32
    %dma_wait3A_89 = arith.constant 0 : i32
    %dma_wait3A_90 = tpu.memref_slice %arg9[%dma_wait3A_86, %dma_wait3A_88, %dma_wait3A_89] : memref<2x128x128xf32, #tpu.memory_space<vmem>> -> memref<1x128x128xf32, #tpu.memory_space<vmem>>
    %dma_wait3A_91 = tpu.memref_squeeze %dma_wait3A_90 : memref<1x128x128xf32, #tpu.memory_space<vmem>> -> memref<128x128xf32, #tpu.memory_space<vmem>>
    %dma_wait3A_92 = arith.constant 0 : i32
    %dma_wait3A_93 = tpu.memref_slice %arg8[%dma_wait3A_92] : memref<5120xi32, #tpu.memory_space<vmem>> -> memref<128xi32, #tpu.memory_space<vmem>>
    %dma_wait3A_94 = arith.constant 0 : i32
    %dma_wait3A_95 = arith.constant 0 : i32
    %dma_wait3A_96 = tpu.memref_slice %arg6[%dma_wait3A_94, %dma_wait3A_95] : memref<10240x128xf32, #tpu.memory_space<vmem_shared>> -> memref<10240x128xf32, #tpu.memory_space<vmem_shared>>
    %dma_wait3A_97 = tpu.memref_slice %arg12[%dma_wait3A_87] : memref<2x!tpu.dma_semaphore, #tpu.memory_space<semaphore_mem>> -> memref<1x!tpu.dma_semaphore, #tpu.memory_space<semaphore_mem>>
    %dma_wait3A_98 = tpu.memref_squeeze %dma_wait3A_97 : memref<1x!tpu.dma_semaphore, #tpu.memory_space<semaphore_mem>> -> memref<!tpu.dma_semaphore, #tpu.memory_space<semaphore_mem>>
    tpu.wait_indirect_dma semaphore(%dma_wait3A_98 : memref<!tpu.dma_semaphore, #tpu.memory_space<semaphore_mem>>) src(%dma_wait3A_91 : memref<128x128xf32, #tpu.memory_space<vmem>>) dst(%dma_wait3A_96 : memref<10240x128xf32, #tpu.memory_space<vmem_shared>>)
    %dma_wait3A_99 = arith.constant 1 : i32
    %dma_wait3A_100 = arith.constant 1 : i32
    %dma_wait3A_101 = arith.constant 0 : i32
    %dma_wait3A_102 = arith.constant 0 : i32
    %dma_wait3A_103 = tpu.memref_slice %arg9[%dma_wait3A_99, %dma_wait3A_101, %dma_wait3A_102] : memref<2x128x128xf32, #tpu.memory_space<vmem>> -> memref<1x128x128xf32, #tpu.memory_space<vmem>>
    %dma_wait3A_104 = tpu.memref_squeeze %dma_wait3A_103 : memref<1x128x128xf32, #tpu.memory_space<vmem>> -> memref<128x128xf32, #tpu.memory_space<vmem>>
    %dma_wait3A_105 = arith.constant 0 : i32
    %dma_wait3A_106 = tpu.memref_slice %arg8[%dma_wait3A_105] : memref<5120xi32, #tpu.memory_space<vmem>> -> memref<128xi32, #tpu.memory_space<vmem>>
    %dma_wait3A_107 = arith.constant 0 : i32
    %dma_wait3A_108 = arith.constant 0 : i32
    %dma_wait3A_109 = tpu.memref_slice %arg6[%dma_wait3A_107, %dma_wait3A_108] : memref<10240x128xf32, #tpu.memory_space<vmem_shared>> -> memref<10240x128xf32, #tpu.memory_space<vmem_shared>>
    %dma_wait3A_110 = tpu.memref_slice %arg12[%dma_wait3A_100] : memref<2x!tpu.dma_semaphore, #tpu.memory_space<semaphore_mem>> -> memref<1x!tpu.dma_semaphore, #tpu.memory_space<semaphore_mem>>
    %dma_wait3A_111 = tpu.memref_squeeze %dma_wait3A_110 : memref<1x!tpu.dma_semaphore, #tpu.memory_space<semaphore_mem>> -> memref<!tpu.dma_semaphore, #tpu.memory_space<semaphore_mem>>
    tpu.wait_indirect_dma semaphore(%dma_wait3A_111 : memref<!tpu.dma_semaphore, #tpu.memory_space<semaphore_mem>>) src(%dma_wait3A_104 : memref<128x128xf32, #tpu.memory_space<vmem>>) dst(%dma_wait3A_109 : memref<10240x128xf32, #tpu.memory_space<vmem_shared>>)
    %barrier3A_112 = arith.constant 0 : index
    tpu.barrier barrier_id(%barrier3A_112)
    "tpu.region"() ({
      %run_scoped3A = tpu.sem_alloc : memref<!tpu.dma_semaphore, #tpu.memory_space<semaphore_mem>>
      %dma_start3A_113 = arith.constant 0 : i32
      %dma_start3A_114 = tpu.memref_slice %arg5[%arg0, %mul3A_7, %dma_start3A_113] : memref<2x10240x128xf32, #tpu.memory_space<hbm>> -> memref<1x640x128xf32, #tpu.memory_space<hbm>>
      %dma_start3A_115 = tpu.memref_squeeze %dma_start3A_114 : memref<1x640x128xf32, #tpu.memory_space<hbm>> -> memref<640x128xf32, #tpu.memory_space<hbm>>
      %dma_start3A_116 = arith.constant 0 : i32
      %dma_start3A_117 = tpu.memref_slice %arg6[%mul3A_7, %dma_start3A_116] : memref<10240x128xf32, #tpu.memory_space<vmem_shared>> -> memref<640x128xf32, #tpu.memory_space<vmem_shared>>
      tpu.enqueue_dma source(%dma_start3A_117 : memref<640x128xf32, #tpu.memory_space<vmem_shared>>) target(%dma_start3A_115 : memref<640x128xf32, #tpu.memory_space<hbm>>) target_semaphore(%run_scoped3A : memref<!tpu.dma_semaphore, #tpu.memory_space<semaphore_mem>>)
      %dma_wait3A_118 = arith.constant 0 : i32
      %dma_wait3A_119 = tpu.memref_slice %arg5[%arg0, %mul3A_7, %dma_wait3A_118] : memref<2x10240x128xf32, #tpu.memory_space<hbm>> -> memref<1x640x128xf32, #tpu.memory_space<hbm>>
      %dma_wait3A_120 = tpu.memref_squeeze %dma_wait3A_119 : memref<1x640x128xf32, #tpu.memory_space<hbm>> -> memref<640x128xf32, #tpu.memory_space<hbm>>
      %dma_wait3A_121 = arith.constant 0 : i32
      %dma_wait3A_122 = tpu.memref_slice %arg6[%mul3A_7, %dma_wait3A_121] : memref<10240x128xf32, #tpu.memory_space<vmem_shared>> -> memref<640x128xf32, #tpu.memory_space<vmem_shared>>
      tpu.wait_dma2 semaphore(%run_scoped3A : memref<!tpu.dma_semaphore, #tpu.memory_space<semaphore_mem>>) src(%dma_wait3A_122 : memref<640x128xf32, #tpu.memory_space<vmem_shared>>) dst(%dma_wait3A_120 : memref<640x128xf32, #tpu.memory_space<hbm>>)
      tpu.yield
    }) : () -> ()
    return
  }
}

#map = affine_map<(d0, d1) -> (0)>
#map1 = affine_map<(d0, d1) -> (0, 0, 0)>
module attributes {stable_mosaic.version = 14 : i64} {
  func.func @_sc_count_body(%arg0: i32, %arg1: i32, %arg2: memref<320000xi32, #tpu.memory_space<hbm>>, %arg3: memref<2x80x128xf32, #tpu.memory_space<hbm>>, %arg4: memref<80x128xf32, #tpu.memory_space<vmem_shared>>, %arg5: memref<10000xi32, #tpu.memory_space<vmem>>, %arg6: memref<80x128xf32, #tpu.memory_space<vmem>>, %arg7: memref<80xi32, #tpu.memory_space<vmem>>, %arg8: memref<!tpu.dma_semaphore, #tpu.memory_space<semaphore_mem>>) attributes {dimension_semantics = [#tpu.dimension_semantics<core_parallel>, #tpu.dimension_semantics<subcore_parallel>], iteration_bounds = array<i64: 2, 16>, scalar_prefetch = 0 : i64, scratch_operands = 5 : i64, tpu.core_type = #tpu.core_type<sc_vector_subcore>, window_params = [{transform_indices = #map}, {transform_indices = #map1}]} {
    %mul3A = arith.constant 16 : i32
    %mul3A_0 = arith.muli %arg0, %mul3A : i32
    %add3A = arith.addi %mul3A_0, %arg1 : i32
    %broadcast_in_dim3A = arith.constant 0.000000e+00 : f32
    %broadcast_in_dim3A_1 = vector.broadcast %broadcast_in_dim3A : f32 to vector<16xf32>
    %broadcast_in_dim3A_2 = arith.constant 1.000000e+00 : f32
    %broadcast_in_dim3A_3 = vector.broadcast %broadcast_in_dim3A_2 : f32 to vector<16xf32>
    %scan3A = arith.constant 0 : i32
    %scan3A_4 = arith.constant 80 : i32
    %scan3A_5 = arith.addi %scan3A, %scan3A_4 : i32
    %scan3A_6 = arith.constant 1 : i32
    scf.for %scan3A_27 = %scan3A to %scan3A_5 step %scan3A_6  : i32 {
      %swap3A = arith.index_cast %scan3A_27 : i32 to index
      %swap3A_28 = arith.constant 0 : index
      %swap3A_29 = tpu.vector_load %arg6[%swap3A, %swap3A_28] {strides = array<i32>} : memref<80x128xf32, #tpu.memory_space<vmem>>, vector<16xf32>,
      tpu.vector_store %arg6[%swap3A, %swap3A_28], %broadcast_in_dim3A_1 {strides = array<i32>} : memref<80x128xf32, #tpu.memory_space<vmem>>, vector<16xf32>,
      %swap3A_30 = arith.index_cast %scan3A_27 : i32 to index
      %swap3A_31 = arith.constant 16 : index
      %swap3A_32 = tpu.vector_load %arg6[%swap3A_30, %swap3A_31] {strides = array<i32>} : memref<80x128xf32, #tpu.memory_space<vmem>>, vector<16xf32>,
      tpu.vector_store %arg6[%swap3A_30, %swap3A_31], %broadcast_in_dim3A_1 {strides = array<i32>} : memref<80x128xf32, #tpu.memory_space<vmem>>, vector<16xf32>,
      %swap3A_33 = arith.index_cast %scan3A_27 : i32 to index
      %swap3A_34 = arith.constant 32 : index
      %swap3A_35 = tpu.vector_load %arg6[%swap3A_33, %swap3A_34] {strides = array<i32>} : memref<80x128xf32, #tpu.memory_space<vmem>>, vector<16xf32>,
      tpu.vector_store %arg6[%swap3A_33, %swap3A_34], %broadcast_in_dim3A_1 {strides = array<i32>} : memref<80x128xf32, #tpu.memory_space<vmem>>, vector<16xf32>,
      %swap3A_36 = arith.index_cast %scan3A_27 : i32 to index
      %swap3A_37 = arith.constant 48 : index
      %swap3A_38 = tpu.vector_load %arg6[%swap3A_36, %swap3A_37] {strides = array<i32>} : memref<80x128xf32, #tpu.memory_space<vmem>>, vector<16xf32>,
      tpu.vector_store %arg6[%swap3A_36, %swap3A_37], %broadcast_in_dim3A_1 {strides = array<i32>} : memref<80x128xf32, #tpu.memory_space<vmem>>, vector<16xf32>,
      %swap3A_39 = arith.index_cast %scan3A_27 : i32 to index
      %swap3A_40 = arith.constant 64 : index
      %swap3A_41 = tpu.vector_load %arg6[%swap3A_39, %swap3A_40] {strides = array<i32>} : memref<80x128xf32, #tpu.memory_space<vmem>>, vector<16xf32>,
      tpu.vector_store %arg6[%swap3A_39, %swap3A_40], %broadcast_in_dim3A_1 {strides = array<i32>} : memref<80x128xf32, #tpu.memory_space<vmem>>, vector<16xf32>,
      %swap3A_42 = arith.index_cast %scan3A_27 : i32 to index
      %swap3A_43 = arith.constant 80 : index
      %swap3A_44 = tpu.vector_load %arg6[%swap3A_42, %swap3A_43] {strides = array<i32>} : memref<80x128xf32, #tpu.memory_space<vmem>>, vector<16xf32>,
      tpu.vector_store %arg6[%swap3A_42, %swap3A_43], %broadcast_in_dim3A_1 {strides = array<i32>} : memref<80x128xf32, #tpu.memory_space<vmem>>, vector<16xf32>,
      %swap3A_45 = arith.index_cast %scan3A_27 : i32 to index
      %swap3A_46 = arith.constant 96 : index
      %swap3A_47 = tpu.vector_load %arg6[%swap3A_45, %swap3A_46] {strides = array<i32>} : memref<80x128xf32, #tpu.memory_space<vmem>>, vector<16xf32>,
      tpu.vector_store %arg6[%swap3A_45, %swap3A_46], %broadcast_in_dim3A_1 {strides = array<i32>} : memref<80x128xf32, #tpu.memory_space<vmem>>, vector<16xf32>,
      %swap3A_48 = arith.index_cast %scan3A_27 : i32 to index
      %swap3A_49 = arith.constant 112 : index
      %swap3A_50 = tpu.vector_load %arg6[%swap3A_48, %swap3A_49] {strides = array<i32>} : memref<80x128xf32, #tpu.memory_space<vmem>>, vector<16xf32>,
      tpu.vector_store %arg6[%swap3A_48, %swap3A_49], %broadcast_in_dim3A_1 {strides = array<i32>} : memref<80x128xf32, #tpu.memory_space<vmem>>, vector<16xf32>,
    }
    %scan3A_7 = arith.constant 80 : i32
    %scan3A_8 = arith.constant 0 : i32
    %scan3A_9 = arith.constant 5 : i32
    %scan3A_10 = arith.addi %scan3A_8, %scan3A_9 : i32
    %scan3A_11 = arith.constant 1 : i32
    scf.for %scan3A_27 = %scan3A_8 to %scan3A_10 step %scan3A_11  : i32 {
      %iota3A = tpu.iota {dimensions = array<i32: 0>} : vector<16xi32>
      %mul3A_28 = arith.constant 16 : i32
      %mul3A_29 = arith.muli %scan3A_27, %mul3A_28 : i32
      %add3A_30 = vector.broadcast %mul3A_29 : i32 to vector<16xi32>
      %add3A_31 = arith.addi %iota3A, %add3A_30 : vector<16xi32>
      %mul3A_32 = arith.constant 16 : i32
      %mul3A_33 = arith.muli %scan3A_27, %mul3A_32 : i32
      %swap3A = arith.index_cast %mul3A_33 : i32 to index
      %swap3A_34 = tpu.vector_load %arg7[%swap3A] {strides = array<i32>} : memref<80xi32, #tpu.memory_space<vmem>>, vector<16xi32>,
      tpu.vector_store %arg7[%swap3A], %add3A_31 {strides = array<i32>} : memref<80xi32, #tpu.memory_space<vmem>>, vector<16xi32>,
    }
    %scan3A_12 = arith.constant 5 : i32
    %lt3A = arith.constant 10 : i32
    %lt3A_13 = arith.cmpi slt, %arg1, %lt3A : i32
    %convert_element_type3A = arith.extui %lt3A_13 : i1 to i32
    %cond3A = arith.constant 0 : i32
    %cond3A_14 = arith.cmpi ne, %convert_element_type3A, %cond3A : i32
    scf.if %cond3A_14 {
      %mul3A_27 = arith.constant 8 : i32
      %mul3A_28 = arith.muli %arg1, %mul3A_27 : i32
      "tpu.region"() ({
        %run_scoped3A = tpu.sem_alloc : memref<!tpu.dma_semaphore, #tpu.memory_space<semaphore_mem>>
        %dma_start3A = arith.constant 0 : i32
        %dma_start3A_29 = arith.constant 0 : i32
        %dma_start3A_30 = tpu.memref_slice %arg6[%dma_start3A, %dma_start3A_29] : memref<80x128xf32, #tpu.memory_space<vmem>> -> memref<8x128xf32, #tpu.memory_space<vmem>>
        %dma_start3A_31 = arith.constant 0 : i32
        %dma_start3A_32 = tpu.memref_slice %arg4[%mul3A_28, %dma_start3A_31] : memref<80x128xf32, #tpu.memory_space<vmem_shared>> -> memref<8x128xf32, #tpu.memory_space<vmem_shared>>
        %dma_start3A_33 = arith.constant 0 : i32
        %dma_start3A_34 = tpu.memref_slice %arg4[%mul3A_28, %dma_start3A_33] : memref<80x128xf32, #tpu.memory_space<vmem_shared>> -> memref<8x128xf32, #tpu.memory_space<vmem_shared>>
        %dma_start3A_35 = arith.constant 0 : i32
        %dma_start3A_36 = arith.constant 0 : i32
        %dma_start3A_37 = tpu.memref_slice %arg6[%dma_start3A_35, %dma_start3A_36] : memref<80x128xf32, #tpu.memory_space<vmem>> -> memref<8x128xf32, #tpu.memory_space<vmem>>
        tpu.enqueue_dma source(%dma_start3A_37 : memref<8x128xf32, #tpu.memory_space<vmem>>) target(%dma_start3A_34 : memref<8x128xf32, #tpu.memory_space<vmem_shared>>) target_semaphore(%run_scoped3A : memref<!tpu.dma_semaphore, #tpu.memory_space<semaphore_mem>>)
        %dma_wait3A = arith.constant 0 : i32
        %dma_wait3A_38 = arith.constant 0 : i32
        %dma_wait3A_39 = tpu.memref_slice %arg6[%dma_wait3A, %dma_wait3A_38] : memref<80x128xf32, #tpu.memory_space<vmem>> -> memref<8x128xf32, #tpu.memory_space<vmem>>
        %dma_wait3A_40 = arith.constant 0 : i32
        %dma_wait3A_41 = tpu.memref_slice %arg4[%mul3A_28, %dma_wait3A_40] : memref<80x128xf32, #tpu.memory_space<vmem_shared>> -> memref<8x128xf32, #tpu.memory_space<vmem_shared>>
        %dma_wait3A_42 = arith.constant 0 : i32
        %dma_wait3A_43 = tpu.memref_slice %arg4[%mul3A_28, %dma_wait3A_42] : memref<80x128xf32, #tpu.memory_space<vmem_shared>> -> memref<8x128xf32, #tpu.memory_space<vmem_shared>>
        %dma_wait3A_44 = arith.constant 0 : i32
        %dma_wait3A_45 = arith.constant 0 : i32
        %dma_wait3A_46 = tpu.memref_slice %arg6[%dma_wait3A_44, %dma_wait3A_45] : memref<80x128xf32, #tpu.memory_space<vmem>> -> memref<8x128xf32, #tpu.memory_space<vmem>>
        tpu.wait_dma2 semaphore(%run_scoped3A : memref<!tpu.dma_semaphore, #tpu.memory_space<semaphore_mem>>) src(%dma_wait3A_46 : memref<8x128xf32, #tpu.memory_space<vmem>>) dst(%dma_wait3A_43 : memref<8x128xf32, #tpu.memory_space<vmem_shared>>)
        tpu.yield
      }) : () -> ()
    } else {
    }
    %barrier3A = arith.constant 0 : index
    tpu.barrier barrier_id(%barrier3A)
    %mul3A_15 = arith.constant 10000 : i32
    %mul3A_16 = arith.muli %add3A, %mul3A_15 : i32
    "tpu.region"() ({
      %run_scoped3A = tpu.sem_alloc : memref<!tpu.dma_semaphore, #tpu.memory_space<semaphore_mem>>
      %dma_start3A = tpu.memref_slice %arg2[%mul3A_16] : memref<320000xi32, #tpu.memory_space<hbm>> -> memref<10000xi32, #tpu.memory_space<hbm>>
      %dma_start3A_27 = tpu.memref_slice %arg2[%mul3A_16] : memref<320000xi32, #tpu.memory_space<hbm>> -> memref<10000xi32, #tpu.memory_space<hbm>>
      tpu.enqueue_dma source(%dma_start3A_27 : memref<10000xi32, #tpu.memory_space<hbm>>) target(%arg5 : memref<10000xi32, #tpu.memory_space<vmem>>) target_semaphore(%run_scoped3A : memref<!tpu.dma_semaphore, #tpu.memory_space<semaphore_mem>>)
      %dma_wait3A = tpu.memref_slice %arg2[%mul3A_16] : memref<320000xi32, #tpu.memory_space<hbm>> -> memref<10000xi32, #tpu.memory_space<hbm>>
      %dma_wait3A_28 = tpu.memref_slice %arg2[%mul3A_16] : memref<320000xi32, #tpu.memory_space<hbm>> -> memref<10000xi32, #tpu.memory_space<hbm>>
      tpu.wait_dma2 semaphore(%run_scoped3A : memref<!tpu.dma_semaphore, #tpu.memory_space<semaphore_mem>>) src(%dma_wait3A_28 : memref<10000xi32, #tpu.memory_space<hbm>>) dst(%arg5 : memref<10000xi32, #tpu.memory_space<vmem>>)
      tpu.yield
    }) : () -> ()
    %scan3A_17 = arith.constant 0 : i32
    %scan3A_18 = arith.constant 78 : i32
    %scan3A_19 = arith.addi %scan3A_17, %scan3A_18 : i32
    %scan3A_20 = arith.constant 1 : i32
    scf.for %scan3A_27 = %scan3A_17 to %scan3A_19 step %scan3A_20  : i32 {
      %mul3A_28 = arith.constant 8 : i32
      %mul3A_29 = arith.muli %scan3A_27, %mul3A_28 : i32
      %add3A_30 = arith.constant 0 : i32
      %add3A_31 = arith.addi %mul3A_29, %add3A_30 : i32
      %mul3A_32 = arith.constant 16 : i32
      %mul3A_33 = arith.muli %add3A_31, %mul3A_32 : i32
      %get3A = arith.index_cast %mul3A_33 : i32 to index
      %get3A_34 = tpu.vector_load %arg5[%get3A] {strides = array<i32>} : memref<10000xi32, #tpu.memory_space<vmem>>, vector<16xi32>,
      %shift_right_logical3A = arith.constant 7 : i32
      %shift_right_logical3A_35 = vector.broadcast %shift_right_logical3A : i32 to vector<16xi32>
      %shift_right_logical3A_36 = arith.shrui %get3A_34, %shift_right_logical3A_35 : vector<16xi32>
      %and3A = arith.constant 127 : i32
      %and3A_37 = vector.broadcast %and3A : i32 to vector<16xi32>
      %and3A_38 = arith.andi %get3A_34, %and3A_37 : vector<16xi32>
      tpu.vector_store_idx %arg6[%shift_right_logical3A_36, %and3A_38], %broadcast_in_dim3A_3 {add = true} : memref<80x128xf32, #tpu.memory_space<vmem>>[vector<16xi32>, vector<16xi32>], vector<16xf32>,
      %mul3A_39 = arith.constant 8 : i32
      %mul3A_40 = arith.muli %scan3A_27, %mul3A_39 : i32
      %add3A_41 = arith.constant 1 : i32
      %add3A_42 = arith.addi %mul3A_40, %add3A_41 : i32
      %mul3A_43 = arith.constant 16 : i32
      %mul3A_44 = arith.muli %add3A_42, %mul3A_43 : i32
      %get3A_45 = arith.index_cast %mul3A_44 : i32 to index
      %get3A_46 = tpu.vector_load %arg5[%get3A_45] {strides = array<i32>} : memref<10000xi32, #tpu.memory_space<vmem>>, vector<16xi32>,
      %shift_right_logical3A_47 = arith.constant 7 : i32
      %shift_right_logical3A_48 = vector.broadcast %shift_right_logical3A_47 : i32 to vector<16xi32>
      %shift_right_logical3A_49 = arith.shrui %get3A_46, %shift_right_logical3A_48 : vector<16xi32>
      %and3A_50 = arith.constant 127 : i32
      %and3A_51 = vector.broadcast %and3A_50 : i32 to vector<16xi32>
      %and3A_52 = arith.andi %get3A_46, %and3A_51 : vector<16xi32>
      tpu.vector_store_idx %arg6[%shift_right_logical3A_49, %and3A_52], %broadcast_in_dim3A_3 {add = true} : memref<80x128xf32, #tpu.memory_space<vmem>>[vector<16xi32>, vector<16xi32>], vector<16xf32>,
      %mul3A_53 = arith.constant 8 : i32
      %mul3A_54 = arith.muli %scan3A_27, %mul3A_53 : i32
      %add3A_55 = arith.constant 2 : i32
      %add3A_56 = arith.addi %mul3A_54, %add3A_55 : i32
      %mul3A_57 = arith.constant 16 : i32
      %mul3A_58 = arith.muli %add3A_56, %mul3A_57 : i32
      %get3A_59 = arith.index_cast %mul3A_58 : i32 to index
      %get3A_60 = tpu.vector_load %arg5[%get3A_59] {strides = array<i32>} : memref<10000xi32, #tpu.memory_space<vmem>>, vector<16xi32>,
      %shift_right_logical3A_61 = arith.constant 7 : i32
      %shift_right_logical3A_62 = vector.broadcast %shift_right_logical3A_61 : i32 to vector<16xi32>
      %shift_right_logical3A_63 = arith.shrui %get3A_60, %shift_right_logical3A_62 : vector<16xi32>
      %and3A_64 = arith.constant 127 : i32
      %and3A_65 = vector.broadcast %and3A_64 : i32 to vector<16xi32>
      %and3A_66 = arith.andi %get3A_60, %and3A_65 : vector<16xi32>
      tpu.vector_store_idx %arg6[%shift_right_logical3A_63, %and3A_66], %broadcast_in_dim3A_3 {add = true} : memref<80x128xf32, #tpu.memory_space<vmem>>[vector<16xi32>, vector<16xi32>], vector<16xf32>,
      %mul3A_67 = arith.constant 8 : i32
      %mul3A_68 = arith.muli %scan3A_27, %mul3A_67 : i32
      %add3A_69 = arith.constant 3 : i32
      %add3A_70 = arith.addi %mul3A_68, %add3A_69 : i32
      %mul3A_71 = arith.constant 16 : i32
      %mul3A_72 = arith.muli %add3A_70, %mul3A_71 : i32
      %get3A_73 = arith.index_cast %mul3A_72 : i32 to index
      %get3A_74 = tpu.vector_load %arg5[%get3A_73] {strides = array<i32>} : memref<10000xi32, #tpu.memory_space<vmem>>, vector<16xi32>,
      %shift_right_logical3A_75 = arith.constant 7 : i32
      %shift_right_logical3A_76 = vector.broadcast %shift_right_logical3A_75 : i32 to vector<16xi32>
      %shift_right_logical3A_77 = arith.shrui %get3A_74, %shift_right_logical3A_76 : vector<16xi32>
      %and3A_78 = arith.constant 127 : i32
      %and3A_79 = vector.broadcast %and3A_78 : i32 to vector<16xi32>
      %and3A_80 = arith.andi %get3A_74, %and3A_79 : vector<16xi32>
      tpu.vector_store_idx %arg6[%shift_right_logical3A_77, %and3A_80], %broadcast_in_dim3A_3 {add = true} : memref<80x128xf32, #tpu.memory_space<vmem>>[vector<16xi32>, vector<16xi32>], vector<16xf32>,
      %mul3A_81 = arith.constant 8 : i32
      %mul3A_82 = arith.muli %scan3A_27, %mul3A_81 : i32
      %add3A_83 = arith.constant 4 : i32
      %add3A_84 = arith.addi %mul3A_82, %add3A_83 : i32
      %mul3A_85 = arith.constant 16 : i32
      %mul3A_86 = arith.muli %add3A_84, %mul3A_85 : i32
      %get3A_87 = arith.index_cast %mul3A_86 : i32 to index
      %get3A_88 = tpu.vector_load %arg5[%get3A_87] {strides = array<i32>} : memref<10000xi32, #tpu.memory_space<vmem>>, vector<16xi32>,
      %shift_right_logical3A_89 = arith.constant 7 : i32
      %shift_right_logical3A_90 = vector.broadcast %shift_right_logical3A_89 : i32 to vector<16xi32>
      %shift_right_logical3A_91 = arith.shrui %get3A_88, %shift_right_logical3A_90 : vector<16xi32>
      %and3A_92 = arith.constant 127 : i32
      %and3A_93 = vector.broadcast %and3A_92 : i32 to vector<16xi32>
      %and3A_94 = arith.andi %get3A_88, %and3A_93 : vector<16xi32>
      tpu.vector_store_idx %arg6[%shift_right_logical3A_91, %and3A_94], %broadcast_in_dim3A_3 {add = true} : memref<80x128xf32, #tpu.memory_space<vmem>>[vector<16xi32>, vector<16xi32>], vector<16xf32>,
      %mul3A_95 = arith.constant 8 : i32
      %mul3A_96 = arith.muli %scan3A_27, %mul3A_95 : i32
      %add3A_97 = arith.constant 5 : i32
      %add3A_98 = arith.addi %mul3A_96, %add3A_97 : i32
      %mul3A_99 = arith.constant 16 : i32
      %mul3A_100 = arith.muli %add3A_98, %mul3A_99 : i32
      %get3A_101 = arith.index_cast %mul3A_100 : i32 to index
      %get3A_102 = tpu.vector_load %arg5[%get3A_101] {strides = array<i32>} : memref<10000xi32, #tpu.memory_space<vmem>>, vector<16xi32>,
      %shift_right_logical3A_103 = arith.constant 7 : i32
      %shift_right_logical3A_104 = vector.broadcast %shift_right_logical3A_103 : i32 to vector<16xi32>
      %shift_right_logical3A_105 = arith.shrui %get3A_102, %shift_right_logical3A_104 : vector<16xi32>
      %and3A_106 = arith.constant 127 : i32
      %and3A_107 = vector.broadcast %and3A_106 : i32 to vector<16xi32>
      %and3A_108 = arith.andi %get3A_102, %and3A_107 : vector<16xi32>
      tpu.vector_store_idx %arg6[%shift_right_logical3A_105, %and3A_108], %broadcast_in_dim3A_3 {add = true} : memref<80x128xf32, #tpu.memory_space<vmem>>[vector<16xi32>, vector<16xi32>], vector<16xf32>,
      %mul3A_109 = arith.constant 8 : i32
      %mul3A_110 = arith.muli %scan3A_27, %mul3A_109 : i32
      %add3A_111 = arith.constant 6 : i32
      %add3A_112 = arith.addi %mul3A_110, %add3A_111 : i32
      %mul3A_113 = arith.constant 16 : i32
      %mul3A_114 = arith.muli %add3A_112, %mul3A_113 : i32
      %get3A_115 = arith.index_cast %mul3A_114 : i32 to index
      %get3A_116 = tpu.vector_load %arg5[%get3A_115] {strides = array<i32>} : memref<10000xi32, #tpu.memory_space<vmem>>, vector<16xi32>,
      %shift_right_logical3A_117 = arith.constant 7 : i32
      %shift_right_logical3A_118 = vector.broadcast %shift_right_logical3A_117 : i32 to vector<16xi32>
      %shift_right_logical3A_119 = arith.shrui %get3A_116, %shift_right_logical3A_118 : vector<16xi32>
      %and3A_120 = arith.constant 127 : i32
      %and3A_121 = vector.broadcast %and3A_120 : i32 to vector<16xi32>
      %and3A_122 = arith.andi %get3A_116, %and3A_121 : vector<16xi32>
      tpu.vector_store_idx %arg6[%shift_right_logical3A_119, %and3A_122], %broadcast_in_dim3A_3 {add = true} : memref<80x128xf32, #tpu.memory_space<vmem>>[vector<16xi32>, vector<16xi32>], vector<16xf32>,
      %mul3A_123 = arith.constant 8 : i32
      %mul3A_124 = arith.muli %scan3A_27, %mul3A_123 : i32
      %add3A_125 = arith.constant 7 : i32
      %add3A_126 = arith.addi %mul3A_124, %add3A_125 : i32
      %mul3A_127 = arith.constant 16 : i32
      %mul3A_128 = arith.muli %add3A_126, %mul3A_127 : i32
      %get3A_129 = arith.index_cast %mul3A_128 : i32 to index
      %get3A_130 = tpu.vector_load %arg5[%get3A_129] {strides = array<i32>} : memref<10000xi32, #tpu.memory_space<vmem>>, vector<16xi32>,
      %shift_right_logical3A_131 = arith.constant 7 : i32
      %shift_right_logical3A_132 = vector.broadcast %shift_right_logical3A_131 : i32 to vector<16xi32>
      %shift_right_logical3A_133 = arith.shrui %get3A_130, %shift_right_logical3A_132 : vector<16xi32>
      %and3A_134 = arith.constant 127 : i32
      %and3A_135 = vector.broadcast %and3A_134 : i32 to vector<16xi32>
      %and3A_136 = arith.andi %get3A_130, %and3A_135 : vector<16xi32>
      tpu.vector_store_idx %arg6[%shift_right_logical3A_133, %and3A_136], %broadcast_in_dim3A_3 {add = true} : memref<80x128xf32, #tpu.memory_space<vmem>>[vector<16xi32>, vector<16xi32>], vector<16xf32>,
    }
    %scan3A_21 = arith.constant 78 : i32
    "tpu.region"() ({
      %run_scoped3A = tpu.sem_alloc : memref<!tpu.dma_semaphore, #tpu.memory_space<semaphore_mem>>
      %dma_start3A = arith.constant 0 : i32
      %dma_start3A_27 = arith.constant 0 : i32
      %dma_start3A_28 = tpu.memref_slice %arg4[%dma_start3A, %dma_start3A_27] : memref<80x128xf32, #tpu.memory_space<vmem_shared>> -> memref<80x128xf32, #tpu.memory_space<vmem_shared>>
      tpu.enqueue_indirect_dma source(%arg6 : memref<80x128xf32, #tpu.memory_space<vmem>>) target(%dma_start3A_28 : memref<80x128xf32, #tpu.memory_space<vmem_shared>>) offsets(%arg7 : memref<80xi32, #tpu.memory_space<vmem>>) semaphore(%run_scoped3A : memref<!tpu.dma_semaphore, #tpu.memory_space<semaphore_mem>>) {add = true}
      %dma_wait3A = arith.constant 0 : i32
      %dma_wait3A_29 = arith.constant 0 : i32
      %dma_wait3A_30 = tpu.memref_slice %arg4[%dma_wait3A, %dma_wait3A_29] : memref<80x128xf32, #tpu.memory_space<vmem_shared>> -> memref<80x128xf32, #tpu.memory_space<vmem_shared>>
      tpu.wait_indirect_dma semaphore(%run_scoped3A : memref<!tpu.dma_semaphore, #tpu.memory_space<semaphore_mem>>) src(%arg6 : memref<80x128xf32, #tpu.memory_space<vmem>>) dst(%dma_wait3A_30 : memref<80x128xf32, #tpu.memory_space<vmem_shared>>)
      tpu.yield
    }) : () -> ()
    %barrier3A_22 = arith.constant 0 : index
    tpu.barrier barrier_id(%barrier3A_22)
    %eq3A = arith.constant 0 : i32
    %eq3A_23 = arith.cmpi eq, %arg1, %eq3A : i32
    %convert_element_type3A_24 = arith.extui %eq3A_23 : i1 to i32
    %cond3A_25 = arith.constant 0 : i32
    %cond3A_26 = arith.cmpi ne, %convert_element_type3A_24, %cond3A_25 : i32
    scf.if %cond3A_26 {
      "tpu.region"() ({
        %run_scoped3A = tpu.sem_alloc : memref<!tpu.dma_semaphore, #tpu.memory_space<semaphore_mem>>
        %dma_start3A = arith.constant 0 : i32
        %dma_start3A_27 = arith.constant 0 : i32
        %dma_start3A_28 = tpu.memref_slice %arg3[%arg0, %dma_start3A, %dma_start3A_27] : memref<2x80x128xf32, #tpu.memory_space<hbm>> -> memref<1x80x128xf32, #tpu.memory_space<hbm>>
        %dma_start3A_29 = tpu.memref_squeeze %dma_start3A_28 : memref<1x80x128xf32, #tpu.memory_space<hbm>> -> memref<80x128xf32, #tpu.memory_space<hbm>>
        tpu.enqueue_dma source(%arg4 : memref<80x128xf32, #tpu.memory_space<vmem_shared>>) target(%dma_start3A_29 : memref<80x128xf32, #tpu.memory_space<hbm>>) target_semaphore(%run_scoped3A : memref<!tpu.dma_semaphore, #tpu.memory_space<semaphore_mem>>)
        %dma_wait3A = arith.constant 0 : i32
        %dma_wait3A_30 = arith.constant 0 : i32
        %dma_wait3A_31 = tpu.memref_slice %arg3[%arg0, %dma_wait3A, %dma_wait3A_30] : memref<2x80x128xf32, #tpu.memory_space<hbm>> -> memref<1x80x128xf32, #tpu.memory_space<hbm>>
        %dma_wait3A_32 = tpu.memref_squeeze %dma_wait3A_31 : memref<1x80x128xf32, #tpu.memory_space<hbm>> -> memref<80x128xf32, #tpu.memory_space<hbm>>
        tpu.wait_dma2 semaphore(%run_scoped3A : memref<!tpu.dma_semaphore, #tpu.memory_space<semaphore_mem>>) src(%arg4 : memref<80x128xf32, #tpu.memory_space<vmem_shared>>) dst(%dma_wait3A_32 : memref<80x128xf32, #tpu.memory_space<hbm>>)
        tpu.yield
      }) : () -> ()
    } else {
    }
    return
  }
}

module attributes {stable_mosaic.version = 14 : i64} {
  func.func @_dense1_body(%arg0: i32, %arg1: memref<2x1024x128xf32, #tpu.memory_space<vmem>>, %arg2: memref<2x8x128xf32, #tpu.memory_space<vmem>>, %arg3: memref<1024x128xf32, #tpu.memory_space<vmem>>, %arg4: memref<128x128xf32, #tpu.memory_space<vmem>>, %arg5: memref<1x128xf32, #tpu.memory_space<vmem>>, %arg6: memref<128x128xf32, #tpu.memory_space<vmem>>, %arg7: memref<1024x128xf32, #tpu.memory_space<vmem>>) attributes {dimension_semantics = [#tpu.dimension_semantics<arbitrary>], iteration_bounds = array<i64: 10>, scalar_prefetch = 0 : i64, scratch_operands = 0 : i64, tpu.core_type = #tpu.core_type<tc>, window_params = [{transform_indices = @transform_0, window_bounds = array<i64: 2, 1024, 128>}, {transform_indices = @transform_1, window_bounds = array<i64: 2, 8, 128>}, {transform_indices = @transform_2, window_bounds = array<i64: 1024, 128>}, {pipeline_mode = #tpu.pipeline_mode<synchronous>, transform_indices = @transform_3, window_bounds = array<i64: 128, 128>}, {pipeline_mode = #tpu.pipeline_mode<synchronous>, transform_indices = @transform_4, window_bounds = array<i64: 1, 128>}, {pipeline_mode = #tpu.pipeline_mode<synchronous>, transform_indices = @transform_5, window_bounds = array<i64: 128, 128>}, {transform_indices = @transform_6, window_bounds = array<i64: 1024, 128>}]} {
    %get3A = arith.constant 0 : index
    %get3A_0 = arith.constant 0 : index
    %get3A_1 = arith.constant 0 : index
    %get3A_2 = vector.load %arg1[%get3A, %get3A_0, %get3A_1] : memref<2x1024x128xf32, #tpu.memory_space<vmem>>, vector<1x1024x128xf32>
    %get3A_3 = vector.shape_cast %get3A_2 : vector<1x1024x128xf32> to vector<1024x128xf32>
    %get3A_4 = arith.constant 1 : index
    %get3A_5 = arith.constant 0 : index
    %get3A_6 = arith.constant 0 : index
    %get3A_7 = vector.load %arg1[%get3A_4, %get3A_5, %get3A_6] : memref<2x1024x128xf32, #tpu.memory_space<vmem>>, vector<1x1024x128xf32>
    %get3A_8 = vector.shape_cast %get3A_7 : vector<1x1024x128xf32> to vector<1024x128xf32>
    %add3A = arith.addf %get3A_3, %get3A_8 : vector<1024x128xf32>
    %get3A_9 = arith.constant 0 : index
    %get3A_10 = arith.constant 0 : index
    %get3A_11 = arith.constant 0 : index
    %get3A_12 = vector.load %arg2[%get3A_9, %get3A_10, %get3A_11] : memref<2x8x128xf32, #tpu.memory_space<vmem>>, vector<1x8x128xf32>
    %get3A_13 = vector.shape_cast %get3A_12 : vector<1x8x128xf32> to vector<8x128xf32>
    %get3A_14 = arith.constant 1 : index
    %get3A_15 = arith.constant 0 : index
    %get3A_16 = arith.constant 0 : index
    %get3A_17 = vector.load %arg2[%get3A_14, %get3A_15, %get3A_16] : memref<2x8x128xf32, #tpu.memory_space<vmem>>, vector<1x8x128xf32>
    %get3A_18 = vector.shape_cast %get3A_17 : vector<1x8x128xf32> to vector<8x128xf32>
    %add3A_19 = arith.addf %get3A_13, %get3A_18 : vector<8x128xf32>
    %transpose3A = tpu.transpose %add3A_19, [1, 0] : vector<8x128xf32> -> vector<128x8xf32>
    %slice3A = vector.extract_strided_slice %transpose3A {offsets = [0, 0], sizes = [128, 1], strides = [1, 1]} : vector<128x8xf32> to vector<128x1xf32>
    %slice3A_20 = vector.extract_strided_slice %transpose3A {offsets = [0, 1], sizes = [128, 1], strides = [1, 1]} : vector<128x8xf32> to vector<128x1xf32>
    %slice3A_21 = vector.extract_strided_slice %transpose3A {offsets = [0, 2], sizes = [128, 1], strides = [1, 1]} : vector<128x8xf32> to vector<128x1xf32>
    %slice3A_22 = vector.extract_strided_slice %transpose3A {offsets = [0, 3], sizes = [128, 1], strides = [1, 1]} : vector<128x8xf32> to vector<128x1xf32>
    %slice3A_23 = vector.extract_strided_slice %transpose3A {offsets = [0, 4], sizes = [128, 1], strides = [1, 1]} : vector<128x8xf32> to vector<128x1xf32>
    %slice3A_24 = vector.extract_strided_slice %transpose3A {offsets = [0, 5], sizes = [128, 1], strides = [1, 1]} : vector<128x8xf32> to vector<128x1xf32>
    %slice3A_25 = vector.extract_strided_slice %transpose3A {offsets = [0, 6], sizes = [128, 1], strides = [1, 1]} : vector<128x8xf32> to vector<128x1xf32>
    %slice3A_26 = vector.extract_strided_slice %transpose3A {offsets = [0, 7], sizes = [128, 1], strides = [1, 1]} : vector<128x8xf32> to vector<128x1xf32>
    %concatenate3A = tpu.concatenate %slice3A, %slice3A_20, %slice3A_21, %slice3A_22, %slice3A_23, %slice3A_24, %slice3A_25, %slice3A_26 in 0 : vector<128x1xf32>, vector<128x1xf32>, vector<128x1xf32>, vector<128x1xf32>, vector<128x1xf32>, vector<128x1xf32>, vector<128x1xf32>, vector<128x1xf32> -> vector<1024x1xf32>
    %max3A = arith.constant 1.000000e+00 : f32
    %max3A_27 = vector.broadcast %max3A : f32 to vector<1024x1xf32>
    %max3A_28 = arith.maximumf %concatenate3A, %max3A_27 : vector<1024x1xf32>
    %div3A = vector.broadcast %max3A_28 : vector<1024x1xf32> to vector<1024x128xf32>
    %div3A_29 = arith.divf %add3A, %div3A : vector<1024x128xf32>
    %get3A_30 = arith.constant 0 : index
    %get3A_31 = arith.constant 0 : index
    %get3A_32 = vector.load %arg4[%get3A_30, %get3A_31] : memref<128x128xf32, #tpu.memory_space<vmem>>, vector<128x128xf32>
    %dot_general3A = arith.constant dense<0.000000e+00> : vector<1024x128xf32>
    %dot_general3A_33 = tpu.matmul %div3A_29, %get3A_32, %dot_general3A {dimension_numbers = #tpu.dot_dimension_numbers<[1], [0], [0], [1], [0, 0, 1, 1], [], []>, precision = #tpu.contract_precision<fp32>, transpose_lhs_hint = false} : vector<1024x128xf32>, vector<128x128xf32>, vector<1024x128xf32> -> vector<1024x128xf32>
    %get3A_34 = arith.constant 0 : index
    %get3A_35 = arith.constant 0 : index
    %get3A_36 = vector.load %arg3[%get3A_34, %get3A_35] : memref<1024x128xf32, #tpu.memory_space<vmem>>, vector<1024x128xf32>
    %get3A_37 = arith.constant 0 : index
    %get3A_38 = arith.constant 0 : index
    %get3A_39 = vector.load %arg6[%get3A_37, %get3A_38] : memref<128x128xf32, #tpu.memory_space<vmem>>, vector<128x128xf32>
    %dot_general3A_40 = arith.constant dense<0.000000e+00> : vector<1024x128xf32>
    %dot_general3A_41 = tpu.matmul %get3A_36, %get3A_39, %dot_general3A_40 {dimension_numbers = #tpu.dot_dimension_numbers<[1], [0], [0], [1], [0, 0, 1, 1], [], []>, precision = #tpu.contract_precision<fp32>, transpose_lhs_hint = false} : vector<1024x128xf32>, vector<128x128xf32>, vector<1024x128xf32> -> vector<1024x128xf32>
    %add3A_42 = arith.addf %dot_general3A_33, %dot_general3A_41 : vector<1024x128xf32>
    %get3A_43 = arith.constant 0 : index
    %get3A_44 = arith.constant 0 : index
    %get3A_45 = vector.load %arg5[%get3A_43, %get3A_44] : memref<1x128xf32, #tpu.memory_space<vmem>>, vector<1x128xf32>
    %add3A_46 = vector.broadcast %get3A_45 : vector<1x128xf32> to vector<1024x128xf32>
    %add3A_47 = arith.addf %add3A_42, %add3A_46 : vector<1024x128xf32>
    %max3A_48 = arith.constant 0.000000e+00 : f32
    %max3A_49 = vector.broadcast %max3A_48 : f32 to vector<1024x128xf32>
    %max3A_50 = arith.maximumf %add3A_47, %max3A_49 : vector<1024x128xf32>
    %swap3A = arith.constant 0 : index
    %swap3A_51 = arith.constant 0 : index
    %swap3A_52 = vector.load %arg7[%swap3A, %swap3A_51] : memref<1024x128xf32, #tpu.memory_space<vmem>>, vector<1024x128xf32>
    tpu.vector_store %arg7[%swap3A, %swap3A_51], %max3A_50 {strides = array<i32>} : memref<1024x128xf32, #tpu.memory_space<vmem>>, vector<1024x128xf32>,
    return
  }
  func.func @transform_0(%arg0: i32) -> (i32, i32, i32) {
    %c0_i32 = arith.constant 0 : i32
    %c0_i32_0 = arith.constant 0 : i32
    %c0_i32_1 = arith.constant 0 : i32
    return %c0_i32, %arg0, %c0_i32_0 : i32, i32, i32
  }
  func.func @transform_1(%arg0: i32) -> (i32, i32, i32) {
    %c0_i32 = arith.constant 0 : i32
    %c0_i32_0 = arith.constant 0 : i32
    %c0_i32_1 = arith.constant 0 : i32
    return %c0_i32, %arg0, %c0_i32_0 : i32, i32, i32
  }
  func.func @transform_2(%arg0: i32) -> (i32, i32) {
    %c0_i32 = arith.constant 0 : i32
    %c0_i32_0 = arith.constant 0 : i32
    return %arg0, %c0_i32 : i32, i32
  }
  func.func @transform_3(%arg0: i32) -> (i32, i32) {
    %c0_i32 = arith.constant 0 : i32
    %c0_i32_0 = arith.constant 0 : i32
    %c0_i32_1 = arith.constant 0 : i32
    return %c0_i32, %c0_i32_0 : i32, i32
  }
  func.func @transform_4(%arg0: i32) -> (i32, i32) {
    %c0_i32 = arith.constant 0 : i32
    %c0_i32_0 = arith.constant 0 : i32
    %c0_i32_1 = arith.constant 0 : i32
    return %c0_i32, %c0_i32_0 : i32, i32
  }
  func.func @transform_5(%arg0: i32) -> (i32, i32) {
    %c0_i32 = arith.constant 0 : i32
    %c0_i32_0 = arith.constant 0 : i32
    %c0_i32_1 = arith.constant 0 : i32
    return %c0_i32, %c0_i32_0 : i32, i32
  }
  func.func @transform_6(%arg0: i32) -> (i32, i32) {
    %c0_i32 = arith.constant 0 : i32
    %c0_i32_0 = arith.constant 0 : i32
    return %arg0, %c0_i32 : i32, i32
  }
}

module attributes {stable_mosaic.version = 14 : i64} {
  func.func @_dense2_body(%arg0: i32, %arg1: memref<2x1024x128xf32, #tpu.memory_space<vmem>>, %arg2: memref<2x8x128xf32, #tpu.memory_space<vmem>>, %arg3: memref<1024x128xf32, #tpu.memory_space<vmem>>, %arg4: memref<128x128xf32, #tpu.memory_space<vmem>>, %arg5: memref<1x128xf32, #tpu.memory_space<vmem>>, %arg6: memref<128x128xf32, #tpu.memory_space<vmem>>, %arg7: memref<1024x128xf32, #tpu.memory_space<vmem>>) attributes {dimension_semantics = [#tpu.dimension_semantics<arbitrary>], iteration_bounds = array<i64: 10>, scalar_prefetch = 0 : i64, scratch_operands = 0 : i64, tpu.core_type = #tpu.core_type<tc>, window_params = [{transform_indices = @transform_0, window_bounds = array<i64: 2, 1024, 128>}, {transform_indices = @transform_1, window_bounds = array<i64: 2, 8, 128>}, {transform_indices = @transform_2, window_bounds = array<i64: 1024, 128>}, {pipeline_mode = #tpu.pipeline_mode<synchronous>, transform_indices = @transform_3, window_bounds = array<i64: 128, 128>}, {pipeline_mode = #tpu.pipeline_mode<synchronous>, transform_indices = @transform_4, window_bounds = array<i64: 1, 128>}, {pipeline_mode = #tpu.pipeline_mode<synchronous>, transform_indices = @transform_5, window_bounds = array<i64: 128, 128>}, {transform_indices = @transform_6, window_bounds = array<i64: 1024, 128>}]} {
    %get3A = arith.constant 0 : index
    %get3A_0 = arith.constant 0 : index
    %get3A_1 = arith.constant 0 : index
    %get3A_2 = vector.load %arg1[%get3A, %get3A_0, %get3A_1] : memref<2x1024x128xf32, #tpu.memory_space<vmem>>, vector<1x1024x128xf32>
    %get3A_3 = vector.shape_cast %get3A_2 : vector<1x1024x128xf32> to vector<1024x128xf32>
    %get3A_4 = arith.constant 1 : index
    %get3A_5 = arith.constant 0 : index
    %get3A_6 = arith.constant 0 : index
    %get3A_7 = vector.load %arg1[%get3A_4, %get3A_5, %get3A_6] : memref<2x1024x128xf32, #tpu.memory_space<vmem>>, vector<1x1024x128xf32>
    %get3A_8 = vector.shape_cast %get3A_7 : vector<1x1024x128xf32> to vector<1024x128xf32>
    %add3A = arith.addf %get3A_3, %get3A_8 : vector<1024x128xf32>
    %get3A_9 = arith.constant 0 : index
    %get3A_10 = arith.constant 0 : index
    %get3A_11 = arith.constant 0 : index
    %get3A_12 = vector.load %arg2[%get3A_9, %get3A_10, %get3A_11] : memref<2x8x128xf32, #tpu.memory_space<vmem>>, vector<1x8x128xf32>
    %get3A_13 = vector.shape_cast %get3A_12 : vector<1x8x128xf32> to vector<8x128xf32>
    %get3A_14 = arith.constant 1 : index
    %get3A_15 = arith.constant 0 : index
    %get3A_16 = arith.constant 0 : index
    %get3A_17 = vector.load %arg2[%get3A_14, %get3A_15, %get3A_16] : memref<2x8x128xf32, #tpu.memory_space<vmem>>, vector<1x8x128xf32>
    %get3A_18 = vector.shape_cast %get3A_17 : vector<1x8x128xf32> to vector<8x128xf32>
    %add3A_19 = arith.addf %get3A_13, %get3A_18 : vector<8x128xf32>
    %transpose3A = tpu.transpose %add3A_19, [1, 0] : vector<8x128xf32> -> vector<128x8xf32>
    %slice3A = vector.extract_strided_slice %transpose3A {offsets = [0, 0], sizes = [128, 1], strides = [1, 1]} : vector<128x8xf32> to vector<128x1xf32>
    %slice3A_20 = vector.extract_strided_slice %transpose3A {offsets = [0, 1], sizes = [128, 1], strides = [1, 1]} : vector<128x8xf32> to vector<128x1xf32>
    %slice3A_21 = vector.extract_strided_slice %transpose3A {offsets = [0, 2], sizes = [128, 1], strides = [1, 1]} : vector<128x8xf32> to vector<128x1xf32>
    %slice3A_22 = vector.extract_strided_slice %transpose3A {offsets = [0, 3], sizes = [128, 1], strides = [1, 1]} : vector<128x8xf32> to vector<128x1xf32>
    %slice3A_23 = vector.extract_strided_slice %transpose3A {offsets = [0, 4], sizes = [128, 1], strides = [1, 1]} : vector<128x8xf32> to vector<128x1xf32>
    %slice3A_24 = vector.extract_strided_slice %transpose3A {offsets = [0, 5], sizes = [128, 1], strides = [1, 1]} : vector<128x8xf32> to vector<128x1xf32>
    %slice3A_25 = vector.extract_strided_slice %transpose3A {offsets = [0, 6], sizes = [128, 1], strides = [1, 1]} : vector<128x8xf32> to vector<128x1xf32>
    %slice3A_26 = vector.extract_strided_slice %transpose3A {offsets = [0, 7], sizes = [128, 1], strides = [1, 1]} : vector<128x8xf32> to vector<128x1xf32>
    %concatenate3A = tpu.concatenate %slice3A, %slice3A_20, %slice3A_21, %slice3A_22, %slice3A_23, %slice3A_24, %slice3A_25, %slice3A_26 in 0 : vector<128x1xf32>, vector<128x1xf32>, vector<128x1xf32>, vector<128x1xf32>, vector<128x1xf32>, vector<128x1xf32>, vector<128x1xf32>, vector<128x1xf32> -> vector<1024x1xf32>
    %max3A = arith.constant 1.000000e+00 : f32
    %max3A_27 = vector.broadcast %max3A : f32 to vector<1024x1xf32>
    %max3A_28 = arith.maximumf %concatenate3A, %max3A_27 : vector<1024x1xf32>
    %div3A = vector.broadcast %max3A_28 : vector<1024x1xf32> to vector<1024x128xf32>
    %div3A_29 = arith.divf %add3A, %div3A : vector<1024x128xf32>
    %get3A_30 = arith.constant 0 : index
    %get3A_31 = arith.constant 0 : index
    %get3A_32 = vector.load %arg4[%get3A_30, %get3A_31] : memref<128x128xf32, #tpu.memory_space<vmem>>, vector<128x128xf32>
    %dot_general3A = arith.constant dense<0.000000e+00> : vector<1024x128xf32>
    %dot_general3A_33 = tpu.matmul %div3A_29, %get3A_32, %dot_general3A {dimension_numbers = #tpu.dot_dimension_numbers<[1], [0], [0], [1], [0, 0, 1, 1], [], []>, precision = #tpu.contract_precision<fp32>, transpose_lhs_hint = false} : vector<1024x128xf32>, vector<128x128xf32>, vector<1024x128xf32> -> vector<1024x128xf32>
    %get3A_34 = arith.constant 0 : index
    %get3A_35 = arith.constant 0 : index
    %get3A_36 = vector.load %arg3[%get3A_34, %get3A_35] : memref<1024x128xf32, #tpu.memory_space<vmem>>, vector<1024x128xf32>
    %get3A_37 = arith.constant 0 : index
    %get3A_38 = arith.constant 0 : index
    %get3A_39 = vector.load %arg6[%get3A_37, %get3A_38] : memref<128x128xf32, #tpu.memory_space<vmem>>, vector<128x128xf32>
    %dot_general3A_40 = arith.constant dense<0.000000e+00> : vector<1024x128xf32>
    %dot_general3A_41 = tpu.matmul %get3A_36, %get3A_39, %dot_general3A_40 {dimension_numbers = #tpu.dot_dimension_numbers<[1], [0], [0], [1], [0, 0, 1, 1], [], []>, precision = #tpu.contract_precision<fp32>, transpose_lhs_hint = false} : vector<1024x128xf32>, vector<128x128xf32>, vector<1024x128xf32> -> vector<1024x128xf32>
    %add3A_42 = arith.addf %dot_general3A_33, %dot_general3A_41 : vector<1024x128xf32>
    %get3A_43 = arith.constant 0 : index
    %get3A_44 = arith.constant 0 : index
    %get3A_45 = vector.load %arg5[%get3A_43, %get3A_44] : memref<1x128xf32, #tpu.memory_space<vmem>>, vector<1x128xf32>
    %add3A_46 = vector.broadcast %get3A_45 : vector<1x128xf32> to vector<1024x128xf32>
    %add3A_47 = arith.addf %add3A_42, %add3A_46 : vector<1024x128xf32>
    %swap3A = arith.constant 0 : index
    %swap3A_48 = arith.constant 0 : index
    %swap3A_49 = vector.load %arg7[%swap3A, %swap3A_48] : memref<1024x128xf32, #tpu.memory_space<vmem>>, vector<1024x128xf32>
    tpu.vector_store %arg7[%swap3A, %swap3A_48], %add3A_47 {strides = array<i32>} : memref<1024x128xf32, #tpu.memory_space<vmem>>, vector<1024x128xf32>,
    return
  }
  func.func @transform_0(%arg0: i32) -> (i32, i32, i32) {
    %c0_i32 = arith.constant 0 : i32
    %c0_i32_0 = arith.constant 0 : i32
    %c0_i32_1 = arith.constant 0 : i32
    return %c0_i32, %arg0, %c0_i32_0 : i32, i32, i32
  }
  func.func @transform_1(%arg0: i32) -> (i32, i32, i32) {
    %c0_i32 = arith.constant 0 : i32
    %c0_i32_0 = arith.constant 0 : i32
    %c0_i32_1 = arith.constant 0 : i32
    return %c0_i32, %arg0, %c0_i32_0 : i32, i32, i32
  }
  func.func @transform_2(%arg0: i32) -> (i32, i32) {
    %c0_i32 = arith.constant 0 : i32
    %c0_i32_0 = arith.constant 0 : i32
    return %arg0, %c0_i32 : i32, i32
  }
  func.func @transform_3(%arg0: i32) -> (i32, i32) {
    %c0_i32 = arith.constant 0 : i32
    %c0_i32_0 = arith.constant 0 : i32
    %c0_i32_1 = arith.constant 0 : i32
    return %c0_i32, %c0_i32_0 : i32, i32
  }
  func.func @transform_4(%arg0: i32) -> (i32, i32) {
    %c0_i32 = arith.constant 0 : i32
    %c0_i32_0 = arith.constant 0 : i32
    %c0_i32_1 = arith.constant 0 : i32
    return %c0_i32, %c0_i32_0 : i32, i32
  }
  func.func @transform_5(%arg0: i32) -> (i32, i32) {
    %c0_i32 = arith.constant 0 : i32
    %c0_i32_0 = arith.constant 0 : i32
    %c0_i32_1 = arith.constant 0 : i32
    return %c0_i32, %c0_i32_0 : i32, i32
  }
  func.func @transform_6(%arg0: i32) -> (i32, i32) {
    %c0_i32 = arith.constant 0 : i32
    %c0_i32_0 = arith.constant 0 : i32
    return %arg0, %c0_i32 : i32, i32
  }
}

</mosaic_0001>

<sc_bundles>
// kernel: kernel.10.cloned.1.call-start
scs
__scs_entry_jumppad:
0x0: {  	(pc) =	sbr.rel $0x88, $3  }
0x1: {  	(tag) =	ssettag $0x0;
	lr =	simm.s32 $0x1  }
0x2: {  	[smem:$0x3F96] =	sst lr;
	_ =	strace $0xD0000000  }
0x3: {  	_ = 	snop  }
0x4: {  	_ = 	snop  }
0x5: {  	_ = 	snop  }
0x6: {  	_ = 	snop  }
0x7: {  	_ = 	snop  }
__scs_overlays_trampoline_lowered:
0x8: {  	[smem:$0x3FA5] =	sst s0  }
0x9: {  	[smem:$0x3FA6] =	sst s1  }
0xa: {  	[smem:$0x3FA7] =	sst s2  }
0xb: {  	[smem:$0x3FA8] =	sst s3  }
0xc: {  	[smem:$0x3FA9] =	sst s4  }
0xd: {  	[smem:$0x3FAA] =	sst s5  }
0xe: {  	[smem:$0x3FAB] =	sst s6  }
0xf: {  	[smem:$0x3FAC] =	sst s7  }
0x10: {  	[smem:$0x3FAD] =	sst s8  }
0x11: {  	[smem:$0x3FAE] =	sst s9;
	s0 =	simm.s32 @!p0 $0x0  }
0x12: {  	s1 =	sld [smem:$0x3F94];
	s0 =	simm.s32 @p0 $0x1  }
0x13: {  	[smem:$0x3FAF] =	sst s0;
	s0 =	simm.s32 @!p1 $0x0  }
0x14: {  	s2 =	sld [smem:$0x3F93];
	s0 =	simm.s32 @p1 $0x1  }
0x15: {  	[smem:$0x3FB0] =	sst s0;
	s0 =	simm.s32 @!p2 $0x0  }
0x16: {  	s3 =	sld [smem:$0x3FDB];
	s0 =	simm.s32 @p2 $0x1  }
0x17: {  	s4 =	simm.s32 $0x1BF5;
	[smem:$0x3FB2] =	sst s0  }
0x18: {  	s0 =	sld [smem:$0x3F95];
	_ =	swait.ge [sflag:s4], $0x0  }
0x19: {  	s7 =	sld [smem:$0x3F96]  }
0x1a: {  	s8 =	sadd.s32 $0xFFFFE003, lr  }
0x1b: {  	s9 =	sadd.s32 $0xFFFFFEF7, lr;
	s5 =	simm.s32 $0xFFFFFFFF;
	p2 =	slt.u32 s8, $0xFFFFF086  }
0x1c: {  	p1 =	slt.u32 s9, $0xF7A;
	s5 =	simm.s32 @!p2 $0x0  }
0x1d: {  	s5 =	simm.s32 @p1 $0x1;
	p0 =	seq.s32 s7, s2  }
0x1e: {  	s7 =	smul.u32 @!p0 $0xF7A, s2;
	p2 =	seq.s32 @!p0 s5, $0x0  }
0x1f: {  	s9 =	smul.u32 $0xF7A, s1;
	s8 =	simm.s32 @!p0 $0x1BF5;
	p2 =	por !p2, p0  }
0x20: {  	[sflag:s8] =	ssyncset.s32 @!p0 $0xFFFFF086;
	s6 =	sadd.s32 @!p0 s3, s7;
	s7 =	simm.s32 @!p0 $0x108  }
0x21: {  	s3 =	sadd.s32 s3, s9;
	s6 =	sadd.s32 @!p0 $0x88, s6;
	s7 =	simm.s32 @p2 $0x1082  }
0x22: {  	[simem:s7], [sflag:s8] =	dma.local @!p0 [hbm:s6], $0xF7A  }
0x23: {  	s9 =	sor.u32 $0xD0000000, s2;
	s6 =	simm.s32 $0x108;
	_ =	swait.ge @!p0 [sflag:s8], $0x0  }
0x24: {  	s3 =	sadd.s32 $0x88, s3;
	s6 =	simm.s32 @!p1 $0x1082;
	[sflag:s4] =	ssyncset.s32 $0xFFFFF086  }
0x25: {  	[simem:s6], [sflag:s4] =	dma.local [hbm:s3], $0xF7A  }
0x26: {  	[smem:$0x3F96] =	sst s1;
	(tag) =	ssettag s2;
	_ =	strace s9  }
0x27: {  	s1 =	sld [smem:$0x3FA6]  }
0x28: {  	s2 =	sld [smem:$0x3FA7]  }
0x29: {  	s4 =	sld [smem:$0x3FA9]  }
0x2a: {  	p0 =	seq.s32 s5, $0x0;
	s5 =	sld [smem:$0x3FAA]  }
0x2b: {  	s6 =	sld [smem:$0x3FAB]  }
0x2c: {  	s7 =	sld [smem:$0x3FAC]  }
0x2d: {  	s3 =	simm.s32 $0x108;
	s8 =	sld [smem:$0x3FAD]  }
0x2e: {  	s3 =	simm.s32 @!p0 $0x1082;
	s9 =	sld [smem:$0x3FAE]  }
0x2f: {  	lr =	sadd.s32 s0, s3;
	s0 =	sld [smem:$0x3FA5]  }
0x30: {  	s3 =	sld [smem:$0x3FA8]  }
0x31: {  	[smem:$0x3FB1] =	sst s10  }
0x32: {  	s10 =	sld [smem:$0x3FAF];
	_ =	sdelay $0x3  }
0x33: {  	p0 =	seq.s32 s10, $0x1;
	s10 =	sld [smem:$0x3FB1];
	_ =	sdelay $0x3  }
0x34: {  	[smem:$0x3FB1] =	sst s10  }
0x35: {  	s10 =	sld [smem:$0x3FB0];
	_ =	sdelay $0x3  }
0x36: {  	p1 =	seq.s32 s10, $0x1;
	s10 =	sld [smem:$0x3FB1];
	_ =	sdelay $0x3  }
0x37: {  	[smem:$0x3FB1] =	sst s10  }
0x38: {  	s10 =	sld [smem:$0x3FB2]  }
0x39: {  	_ = 	snop;
	(pc) =	sbr.ind lr, $3  }
0x3a: {  	_ = 	snop  }
0x3b: {  	_ = 	snop  }
0x3c: {  	p2 =	seq.s32 s10, $0x1;
	s10 =	sld [smem:$0x3FB1]  }
0x3d: {  	_ =	shalt  }
0x3e: {  	_ =	shalt  }
0x3f: {  	_ =	shalt  }
0x40: {  	_ =	shalt  }
0x41: {  	_ =	shalt  }
0x42: {  	_ =	shalt  }
0x43: {  	_ =	shalt  }
0x44: {  	_ =	shalt  }
0x45: {  	_ =	shalt  }
0x46: {  	_ =	shalt  }
0x47: {  	_ =	shalt  }
0x48: {  	_ =	shalt  }
0x49: {  	_ =	shalt  }
0x4a: {  	_ =	shalt  }
0x4b: {  	_ =	shalt  }
0x4c: {  	_ =	shalt  }
0x4d: {  	_ =	shalt  }
0x4e: {  	_ =	shalt  }
0x4f: {  	_ =	shalt  }
0x50: {  	_ =	shalt  }
0x51: {  	_ =	shalt  }
0x52: {  	_ =	shalt  }
0x53: {  	_ =	shalt  }
0x54: {  	_ =	shalt  }
0x55: {  	_ =	shalt  }
0x56: {  	_ =	shalt  }
0x57: {  	_ =	shalt  }
0x58: {  	_ =	shalt  }
0x59: {  	_ =	shalt  }
0x5a: {  	_ =	shalt  }
0x5b: {  	_ =	shalt  }
0x5c: {  	_ =	shalt  }
0x5d: {  	_ =	shalt  }
0x5e: {  	_ =	shalt  }
0x5f: {  	_ =	shalt  }
0x60: {  	_ =	shalt  }
0x61: {  	_ =	shalt  }
0x62: {  	_ =	shalt  }
0x63: {  	_ =	shalt  }
0x64: {  	_ =	shalt  }
0x65: {  	_ =	shalt  }
0x66: {  	_ =	shalt  }
0x67: {  	_ =	shalt  }
0x68: {  	_ =	shalt  }
0x69: {  	_ =	shalt  }
0x6a: {  	_ =	shalt  }
0x6b: {  	_ =	shalt  }
0x6c: {  	_ =	shalt  }
0x6d: {  	_ =	shalt  }
0x6e: {  	_ =	shalt  }
0x6f: {  	_ =	shalt  }
0x70: {  	_ =	shalt  }
0x71: {  	_ =	shalt  }
0x72: {  	_ =	shalt  }
0x73: {  	_ =	shalt  }
0x74: {  	_ =	shalt  }
0x75: {  	_ =	shalt  }
0x76: {  	_ =	shalt  }
0x77: {  	_ =	shalt  }
0x78: {  	_ =	shalt  }
0x79: {  	_ =	shalt  }
0x7a: {  	_ =	shalt  }
0x7b: {  	_ =	shalt  }
0x7c: {  	_ =	shalt  }
0x7d: {  	_ =	shalt  }
0x7e: {  	_ =	shalt  }
0x7f: {  	_ =	shalt  }
0x80: {  	_ =	shalt  }
0x81: {  	_ =	shalt  }
0x82: {  	_ =	shalt  }
0x83: {  	_ =	shalt  }
0x84: {  	_ =	shalt  }
0x85: {  	_ =	shalt  }
0x86: {  	_ =	shalt  }
0x87: {  	_ =	shalt  }
.Lfunc_end0:
.L_simem_size_0:
called_computation.1_lowered:
.L_overlay_start_0:
0x88: {  	s2 =	sld [smem:$0x3FD9]  }
0x89: {  	s3 =	sld [smem:$0x3FFE];
	_ =	sdelay $0x1  }
0x8a: {  	s1 =	srdreg.scid  }
0x8b: {  	s0 =	sand.u32 $0x1, s1  }
0x8c: {  	s17 =	sshll.u32 s0, $0xA;
	s2 =	sadd.s32 s3, s2  }
0x8d: {  	s2 =	sadd.s32 s2, s17  }
0x8e: {  	[smem:$0x3FBD] =	sst s2  }
0x8f: {  	_ = 	snop  }
0x90: {  	(tm) =	ssettm $0x1  }
0x91: {  	s18 =	sld [smem:$0x3FFB];
	_ =	sdelay $0x3  }
0x92: {  	_ =	strace s18  }
0x93: {  	s2 =	sld [smem:$0x3FFC];
	_ =	sdelay $0x3  }
0x94: {  	_ =	strace s2  }
0x95: {  	s2 =	sld [smem:$0x3FFD];
	_ =	sdelay $0x3  }
0x96: {  	_ =	strace s2  }
0x97: {  	_ =	strace $0x8FFFFFFF  }
0x98: {  	s19 =	sld [smem:$0x3FDB];
	_ =	sdelay $0x1  }
0x99: {  	s20 =	simm.s32 $_scs_section_size  }
0x9a: {  	s4 =	simm.s32 $_size__tile_overlayer_lowered;
	s5 =	simm.s32 $_tile_overlayer_lowered  }
0x9b: {  	s6 =	simm.s32 $0x1BFF;
	s21 =	sshll.u32 s5, $0x1;
	s3 =	sadd.s32 s20, s19  }
0x9c: {  	s22 =	simm.s32 $0x0;
	s4 =	sshll.u32 s4, $0x1;
	s5 =	sadd.s32 s21, s3  }
0x9d: {  	[timem:s22], [sflag:s6] =	dma.local [hbm:s5], s4  }
0x9e: {  	_ =	swait.ge [sflag:s6], s4  }
0x9f: {  	s4 =	ssub.s32 $0x0, s4;
	[sflag:s6] =	ssyncset.done $0x0  }
0xa0: {  	[sflag:s6] =	ssyncadd.s32 s4;
	_ =	sdelay $0x1  }
0xa1: {  	s23 =	simm.s32 $0x1B8B  }
0xa2: {  	_ =	swait.ge [sflag:s23], $0x1  }
0xa3: {  	[sflag:s23] =	ssyncset.done $0x0  }
0xa4: {  	[sflag:s23] =	ssyncadd.s32 $0xFFFFFFFF  }
0xa5: {  	s4 =	sld [smem:$0x0]  }
0xa6: {  	s5 =	sand.u32 $0xFFFFFFFE, s1  }
0xa7: {  	p0 =	sne.s32 s1, s5  }
0xa8: {  	s5 =	sshll.u32 @p0 s5, $0xE  }
0xa9: {  	s5 =	sadd.s32 @p0 $0x11B8D, s5;
	s6 =	sshll.u32 @p0 s4, $0x11  }
0xaa: {  	s5 =	sor.u32 @p0 s6, s5  }
0xab: {  	[sflag:s5] =	ssyncadd.remote.s32 @p0 $0x1;
	_ =	sdelay $0x1  }
0xac: {  	s5 =	simm.s32 @p0 $0x1B8D  }
0xad: {  	_ =	swait.eq @p0 [sflag:s5], $0x1  }
0xae: {  	[sflag:s5] =	ssyncadd.s32 @p0 $0xFFFFFFFF  }
0xaf: {  	s6 =	sshll.u32 @!p0 s1, $0xE  }
0xb0: {  	s6 =	sor.u32 @!p0 $0x4000, s6;
	s5 =	simm.s32 @!p0 $0x1B8D  }
0xb1: {  	s4 =	sshll.u32 @!p0 s4, $0x11;
	s6 =	sadd.s32 @!p0 $0x11B8D, s6;
	_ =	swait.eq @!p0 [sflag:s5], $0x1  }
0xb2: {  	s4 =	sor.u32 @!p0 s4, s6;
	[sflag:s5] =	ssyncadd.s32 @!p0 $0xFFFFFFFF  }
0xb3: {  	s25 =	simm.s32 $0x1B8E;
	s24 =	sld [smem:$0x3FFE];
	[sflag:s4] =	ssyncadd.remote.s32 @!p0 $0x1  }
0xb4: {  	s26 =	simm.s32 $execute0_lowered;
	[smem:$0x3FD2] =	sst s25  }
0xb5: {  	s5 =	sshll.u32 s26, $0x1;
	_ =	strace $0x80000049;
	[dreg:$0x1] =	wrdreg $0xFFFFFFFF  }
0xb6: {  	s28 =	simm.s32 $_size_execute0_lowered;
	s3 =	sadd.s32 s3, s5;
	[dreg:$0x0] =	wrdreg $0x0  }
0xb7: {  	s5 =	sshll.u32 s28, $0x1;
	[dreg:$0x2] =	wrdreg s3  }
0xb8: {  	[dreg:$0x3] =	wrdreg s5  }
0xb9: {  	[dreg:$0x4] =	wrdreg $0xC0  }
0xba: {  	_ =	task [dreg:s22], $0x5FFFF  }
0xbb: {  	[dreg:$0x1] =	wrdreg $0xFFFFFFFF  }
0xbc: {  	[dreg:$0x0] =	wrdreg $0x60  }
0xbd: {  	[dreg:$0x2] =	wrdreg s24  }
0xbe: {  	[dreg:$0x3] =	wrdreg $0x0  }
0xbf: {  	[dreg:$0x4] =	wrdreg $0xA  }
0xc0: {  	_ =	task.clear_ibuf [dreg:s22], $0x5FFFF;
	_ =	strace $0x90000049  }
0xc1: {  	s29 =	simm.s32 $0xA;
	_ =	strace $0x8000004B  }
0xc2: {  	_ =	swait.ge [sflag:s29], $0x1  }
0xc3: {  	[sflag:s29] =	ssyncadd.s32 $0xFFFFFFFF  }
0xc4: {  	_ =	strace $0x9000004B  }
0xc5: {  	_ =	sfence  }
0xc6: {  	s30 =	sld [smem:$0x0];
	_ =	sdelay $0x2  }
0xc7: {  	s31 =	sshll.u32 s1, $0xD;
	s1 =	sshrl.u32 s1, $0x2  }
0xc8: {  	s4 =	sand.u32 $0x4000, s31;
	s1 =	sadd.s32 s1, s30  }
0xc9: {  	s0 =	sor.u32 s4, s0;
	s1 =	sshll.u32 s1, $0x11  }
0xca: {  	s0 =	sor.u32 s1, s0  }
0xcb: {  	s0 =	sadd.s32 $0x8F2B, s0  }
0xcc: {  	[sflag:s0] =	ssyncadd.remote.s32 $0x1  }
0xcd: {  	_ =	sfence.sel $0xFFFF  }
0xce: {  	[dreg:$0x0] =	wrdreg $0xFFFFFFFF;
	(pc) =	sbr.abs _section_cstart, $3  }
0xcf: {  	[dreg:$0x1] =	wrdreg $0xFFFFFFFF  }
0xd0: {  	_ =	task.clear_ibuf [dreg:s22], $0x2FFFF;
	_ =	strace $0x9FFFFFFF  }
0xd1: {  	(tm) =	ssettm $0x7FFFFFFF  }
tec
execute0_lowered:
.L_overlay_start_1:
0x0: {  	(tag) =	ssettag $0x1  }
0x1: {  	s0 =	srdreg.scid;
	s4 =	rddreg [dreg:$0x0]  }
0x2: {  	s10 =	stileid.u32;
	s1 =	rddreg [dreg:$0x1]  }
0x3: {  	s2 =	simm.s32 $0x0;
	s8 =	simm.s32 $0x1;
	s9 =	simm.s32 $0x2A00  }
0x4: {  	s11 =	simm.s32 $0x5200;
	s3 =	sand.u32 $0x1, s0;
	[smem:$0x7FF] =	sst s2  }
0x5: {  	s31 =	sshll.u32 s10, $0xA;
	p0 =	sgt.u32 s10, $0x9;
	s0 =	sshll.u32 s3, $0x4  }
0x6: {  	p1 =	sne.s32 s10, $0x0;
	s6 =	smul.u32 $0x500, s3;
	s5 =	sor.u32 s10, s0  }
0x7: {  	s3 =	ssub.s32 $0x2, s3;
	s12 =	sshrl.u32 @!p1 s1, $0x3;
	s5 =	smul.u32 $0x4E2, s5  }
0x8: {  	s0 =	rddreg [dreg:$0x2];
	_ =	strace $0x8000004A;
	s7 =	sshrl.u32 s3, $0x1  }
0x9: {  	v0 =	vlaneseq.u32;
	s10 =	simm.s32 $0x50;
	s6 =	sadd.s32 s6, s4;
	s5 =	sadd.s32 s5, s4  }
0xa: {  	v1 =	vimm.f32 $0.0e+00;
	v6 =	vimm.f32 $1.000000000e+00;
	v2 =	vor.u32 $0x10, v0;
	s7 =	ssub.s32 s3, s7;
	s3 =	sadd.s32 s31, s1;
	s4 =	sadd.s32 $0x3E00, s5  }
0xb: {  	v3 =	vor.u32 $0x20, v0;
	v4 =	vor.u32 $0x30, v0;
	v5 =	vor.u32 $0x40, v0;
	s5 =	sadd.s32 $0x85C00, s6;
	s6 =	smax.u32 s7, $0x1;
	s7 =	simm.s32 $0x280  }
.LBB2_1:
0xc: {  	s13 =	simm.s32 $0x0;
	s14 =	simm.s32 $0x200  }
.LBB2_2:
0xd: {  	p2 =	sne.s32 s14, $0x9E00;
	[tilespmem:s13+$0x2A70] =	vst v1  }
0xe: {  	[tilespmem:s13+$0x2A00] =	vst v1  }
0xf: {  	[tilespmem:s13+$0x2A10] =	vst v1  }
.Ltmp0:
0x10: {  	[tilespmem:s13+$0x2A20] =	vst v1;
	(pc) =	sbr.rel @p2 .LBB2_2-.Ltmp0, $4  }
0x11: {  	[tilespmem:s13+$0x2A30] =	vst v1  }
0x12: {  	[tilespmem:s13+$0x2A40] =	vst v1  }
0x13: {  	[tilespmem:s13+$0x2A50] =	vst v1  }
0x14: {  	[tilespmem:s13+$0x2A60] =	vst v1;
	s13 =	sshra.s32 s14, $0x2;
	s14 =	sadd.s32 $0x200, s14  }
0x15: {  	[tilespmem:s13+$0x2A70] =	vst v1  }
0x16: {  	[tilespmem:s13+$0x2A00] =	vst v1  }
0x17: {  	[tilespmem:s13+$0x2A10] =	vst v1  }
0x18: {  	[tilespmem:s13+$0x2A20] =	vst v1  }
0x19: {  	[tilespmem:s13+$0x2A30] =	vst v1  }
0x1a: {  	[tilespmem:s13+$0x2A40] =	vst v1  }
0x1b: {  	[tilespmem:s13+$0x2A50] =	vst v1  }
0x1c: {  	[tilespmem:s13+$0x2A60] =	vst v1  }
0x1d: {  	[tilespmem:$0x5200] =	vst v0  }
0x1e: {  	[tilespmem:$0x5210] =	vst v2  }
0x1f: {  	[tilespmem:$0x5220] =	vst v3  }
0x20: {  	[tilespmem:$0x5230] =	vst v4  }
0x21: {  	s13 =	simm.s32 @!p0 $0x2A00;
	[tilespmem:$0x5240] =	vst v5  }
0x22: {  	[spmem:s3] =	stream.linear.scatter @!p0 [tilespmem:s13], [sflag:$0x1], $0x400, $0x38;
	[tilespmem:$0x5280] =	vst v63  }
0x23: {  	s13 =	simm.s32 @!p0 $0x1  }
0x24: {  	_ =	swait.ge @!p0 [sflag:s13], $0x400  }
0x25: {  	[sflag:s13] =	ssyncset.done @!p0 $0x0  }
0x26: {  	[sflag:s13] =	ssyncadd.s32 @!p0 $0xFFFFFC00  }
0x27: {  	s13 =	simm.s32 $0x0;
	[bflag:$0x0] =	sbarrier.arrive $0xFFFF  }
0x28: {  	[tilespmem:s7], [sflag:$0x1] =	stream.linear.gather [hbm4b:s4+s13], $0x2710, $0x38;
	[tilespmem:$0x5280] =	vst v63  }
0x29: {  	_ =	swait.ge [sflag:s8], $0x2710  }
0x2a: {  	[sflag:s8] =	ssyncset.done $0x0  }
0x2b: {  	[sflag:s8] =	ssyncadd.s32 $0xFFFFD8F0  }
.LBB2_4:
0x2c: {  	s14 =	sshra.s32 s13, $0x2  }
0x2d: {  	v7 =	vld [tilespmem:s14+$0x280];
	_ =	sdelay $0x7  }
0x2e: {  	[tilespmem:v7+s9+$0x0] =	vst.idx.add.f32.msk $0xffff, v6  }
0x2f: {  	v7 =	vld [tilespmem:s14+$0x290];
	_ =	sdelay $0x7  }
0x30: {  	[tilespmem:v7+s9+$0x0] =	vst.idx.add.f32.msk $0xffff, v6  }
0x31: {  	v7 =	vld [tilespmem:s14+$0x2A0];
	_ =	sdelay $0x7  }
0x32: {  	[tilespmem:v7+s9+$0x0] =	vst.idx.add.f32.msk $0xffff, v6  }
0x33: {  	v7 =	vld [tilespmem:s14+$0x2B0];
	_ =	sdelay $0x7  }
0x34: {  	[tilespmem:v7+s9+$0x0] =	vst.idx.add.f32.msk $0xffff, v6  }
0x35: {  	v7 =	vld [tilespmem:s14+$0x2C0];
	_ =	sdelay $0x7  }
0x36: {  	[tilespmem:v7+s9+$0x0] =	vst.idx.add.f32.msk $0xffff, v6  }
0x37: {  	v7 =	vld [tilespmem:s14+$0x2D0];
	_ =	sdelay $0x7  }
0x38: {  	[tilespmem:v7+s9+$0x0] =	vst.idx.add.f32.msk $0xffff, v6  }
0x39: {  	v7 =	vld [tilespmem:s14+$0x2E0];
	_ =	sdelay $0x7  }
0x3a: {  	[tilespmem:v7+s9+$0x0] =	vst.idx.add.f32.msk $0xffff, v6  }
0x3b: {  	v7 =	vld [tilespmem:s14+$0x2F0];
	_ =	sdelay $0x2  }
0x3c: {  	p2 =	sne.s32 s13, $0x9A00  }
.Ltmp1:
0x3d: {  	_ = 	snop;
	(pc) =	sbr.rel @p2 .LBB2_4-.Ltmp1, $2  }
0x3e: {  	_ =	sdelay $0x2  }
0x3f: {  	s13 =	sadd.s32 $0x200, s13;
	[tilespmem:v7+s9+$0x0] =	vst.idx.add.f32.msk $0xffff, v6  }
0x40: {  	[spmem:s1] =	stream.indirect.scatter.add.f32 [tilespmem:s9], [sflag:$0x1], $0x80, s11, s10, $0xb8;
	[tilespmem:$0x5280] =	vst v63  }
0x41: {  	_ =	swait.ge [sflag:s8], $0x2800  }
0x42: {  	[sflag:s8] =	ssyncset.done $0x0  }
0x43: {  	s2 =	sadd.s32 $0x1, s2;
	[sflag:s8] =	ssyncadd.s32 $0xFFFFD800  }
0x44: {  	s13 =	simm.s32 @!p1 $0x1C01;
	p2 =	sne.s32 s2, s6;
	[bflag:$0x0] =	sbarrier.arrive $0xFFFF  }
0x45: {  	[hbm:s5], [sflag:s13] =	dma.local @!p1 [spmem:s12], $0x500  }
.Ltmp2:
0x46: {  	_ = 	snop;
	(pc) =	sbr.rel @p2 .LBB2_1-.Ltmp2, $4  }
0x47: {  	s13 =	simm.s32 @!p1 $0x1  }
0x48: {  	_ =	swait.ge @!p1 [sflag:s13], $0x500  }
0x49: {  	[sflag:s13] =	ssyncset.done @!p1 $0x0  }
0x4a: {  	[sflag:s13] =	ssyncadd.s32 @!p1 $0xFFFFFB00  }
0x4b: {  	_ =	sfence.sel $0x180000  }
0x4c: {  	[bflag:$0x0] =	sbarrier.arrive $0xFFFF  }
0x4d: {  	_ =	strace $0x9000004A  }
0x4e: {  	s0 =	sadd.s32 @!p1 $0x100000, s0;
	[bflag:$0x2] =	sbarrier.arrive $0xFFFF  }
0x4f: {  	[sflag:s0] =	ssyncadd.tile.s32 @!p1 $0x1;
	_ =	shalt  }
.Lfunc_end2:
_tile_overlayer_lowered:
.L_overlay_start_2:
0x50: {  	(tag) =	ssettag $0x2  }
0x51: {  	s0 =	rddreg [dreg:$0x0];
	s2 =	stileid.u32  }
0x52: {  	s1 =	rddreg [dreg:$0x1];
	p0 =	sne.s32 s2, $0x0  }
0x53: {  	s3 =	rddreg [dreg:$0x2];
	[bflag:$0x3] =	sbarrier.arrive $0xFFFF;
	s2 =	simm.s32 @!p0 $0x1C01  }
0x54: {  	[timem:s3], [sflag:s2] =	dma.local @!p0 [hbm:s0], s1  }
0x55: {  	s0 =	simm.s32 @!p0 $0x1  }
0x56: {  	_ =	swait.ge @!p0 [sflag:s0], s1  }
0x57: {  	s1 =	ssub.s32 @!p0 $0x0, s1;
	[sflag:s0] =	ssyncset.done @!p0 $0x0  }
0x58: {  	[sflag:s0] =	ssyncadd.s32 @!p0 s1  }
0x59: {  	[bflag:$0x3] =	sbarrier.arrive $0xFFFF  }
0x5a: {  	_ =	shalt  }

// kernel: kernel.13.cloned.1.call-start
scs
__scs_entry_jumppad:
0x0: {  	(pc) =	sbr.rel $0x88, $3  }
0x1: {  	(tag) =	ssettag $0x0;
	lr =	simm.s32 $0x1  }
0x2: {  	[smem:$0x3F96] =	sst lr;
	_ =	strace $0xD0000000  }
0x3: {  	_ = 	snop  }
0x4: {  	_ = 	snop  }
0x5: {  	_ = 	snop  }
0x6: {  	_ = 	snop  }
0x7: {  	_ = 	snop  }
__scs_overlays_trampoline_lowered:
0x8: {  	[smem:$0x3FA5] =	sst s0  }
0x9: {  	[smem:$0x3FA6] =	sst s1  }
0xa: {  	[smem:$0x3FA7] =	sst s2  }
0xb: {  	[smem:$0x3FA8] =	sst s3  }
0xc: {  	[smem:$0x3FA9] =	sst s4  }
0xd: {  	[smem:$0x3FAA] =	sst s5  }
0xe: {  	[smem:$0x3FAB] =	sst s6  }
0xf: {  	[smem:$0x3FAC] =	sst s7  }
0x10: {  	[smem:$0x3FAD] =	sst s8  }
0x11: {  	[smem:$0x3FAE] =	sst s9;
	s0 =	simm.s32 @!p0 $0x0  }
0x12: {  	s1 =	sld [smem:$0x3F94];
	s0 =	simm.s32 @p0 $0x1  }
0x13: {  	[smem:$0x3FAF] =	sst s0;
	s0 =	simm.s32 @!p1 $0x0  }
0x14: {  	s2 =	sld [smem:$0x3F93];
	s0 =	simm.s32 @p1 $0x1  }
0x15: {  	[smem:$0x3FB0] =	sst s0;
	s0 =	simm.s32 @!p2 $0x0  }
0x16: {  	s3 =	sld [smem:$0x3FDB];
	s0 =	simm.s32 @p2 $0x1  }
0x17: {  	s4 =	simm.s32 $0x1BF5;
	[smem:$0x3FB2] =	sst s0  }
0x18: {  	s0 =	sld [smem:$0x3F95];
	_ =	swait.ge [sflag:s4], $0x0  }
0x19: {  	s7 =	sld [smem:$0x3F96]  }
0x1a: {  	s8 =	sadd.s32 $0xFFFFE003, lr  }
0x1b: {  	s9 =	sadd.s32 $0xFFFFFEF7, lr;
	s5 =	simm.s32 $0xFFFFFFFF;
	p2 =	slt.u32 s8, $0xFFFFF086  }
0x1c: {  	p1 =	slt.u32 s9, $0xF7A;
	s5 =	simm.s32 @!p2 $0x0  }
0x1d: {  	s5 =	simm.s32 @p1 $0x1;
	p0 =	seq.s32 s7, s2  }
0x1e: {  	s7 =	smul.u32 @!p0 $0xF7A, s2;
	p2 =	seq.s32 @!p0 s5, $0x0  }
0x1f: {  	s9 =	smul.u32 $0xF7A, s1;
	s8 =	simm.s32 @!p0 $0x1BF5;
	p2 =	por !p2, p0  }
0x20: {  	[sflag:s8] =	ssyncset.s32 @!p0 $0xFFFFF086;
	s6 =	sadd.s32 @!p0 s3, s7;
	s7 =	simm.s32 @!p0 $0x108  }
0x21: {  	s3 =	sadd.s32 s3, s9;
	s6 =	sadd.s32 @!p0 $0x88, s6;
	s7 =	simm.s32 @p2 $0x1082  }
0x22: {  	[simem:s7], [sflag:s8] =	dma.local @!p0 [hbm:s6], $0xF7A  }
0x23: {  	s9 =	sor.u32 $0xD0000000, s2;
	s6 =	simm.s32 $0x108;
	_ =	swait.ge @!p0 [sflag:s8], $0x0  }
0x24: {  	s3 =	sadd.s32 $0x88, s3;
	s6 =	simm.s32 @!p1 $0x1082;
	[sflag:s4] =	ssyncset.s32 $0xFFFFF086  }
0x25: {  	[simem:s6], [sflag:s4] =	dma.local [hbm:s3], $0xF7A  }
0x26: {  	[smem:$0x3F96] =	sst s1;
	(tag) =	ssettag s2;
	_ =	strace s9  }
0x27: {  	s1 =	sld [smem:$0x3FA6]  }
0x28: {  	s2 =	sld [smem:$0x3FA7]  }
0x29: {  	s4 =	sld [smem:$0x3FA9]  }
0x2a: {  	p0 =	seq.s32 s5, $0x0;
	s5 =	sld [smem:$0x3FAA]  }
0x2b: {  	s6 =	sld [smem:$0x3FAB]  }
0x2c: {  	s7 =	sld [smem:$0x3FAC]  }
0x2d: {  	s3 =	simm.s32 $0x108;
	s8 =	sld [smem:$0x3FAD]  }
0x2e: {  	s3 =	simm.s32 @!p0 $0x1082;
	s9 =	sld [smem:$0x3FAE]  }
0x2f: {  	lr =	sadd.s32 s0, s3;
	s0 =	sld [smem:$0x3FA5]  }
0x30: {  	s3 =	sld [smem:$0x3FA8]  }
0x31: {  	[smem:$0x3FB1] =	sst s10  }
0x32: {  	s10 =	sld [smem:$0x3FAF];
	_ =	sdelay $0x3  }
0x33: {  	p0 =	seq.s32 s10, $0x1;
	s10 =	sld [smem:$0x3FB1];
	_ =	sdelay $0x3  }
0x34: {  	[smem:$0x3FB1] =	sst s10  }
0x35: {  	s10 =	sld [smem:$0x3FB0];
	_ =	sdelay $0x3  }
0x36: {  	p1 =	seq.s32 s10, $0x1;
	s10 =	sld [smem:$0x3FB1];
	_ =	sdelay $0x3  }
0x37: {  	[smem:$0x3FB1] =	sst s10  }
0x38: {  	s10 =	sld [smem:$0x3FB2]  }
0x39: {  	_ = 	snop;
	(pc) =	sbr.ind lr, $3  }
0x3a: {  	_ = 	snop  }
0x3b: {  	_ = 	snop  }
0x3c: {  	p2 =	seq.s32 s10, $0x1;
	s10 =	sld [smem:$0x3FB1]  }
0x3d: {  	_ =	shalt  }
0x3e: {  	_ =	shalt  }
0x3f: {  	_ =	shalt  }
0x40: {  	_ =	shalt  }
0x41: {  	_ =	shalt  }
0x42: {  	_ =	shalt  }
0x43: {  	_ =	shalt  }
0x44: {  	_ =	shalt  }
0x45: {  	_ =	shalt  }
0x46: {  	_ =	shalt  }
0x47: {  	_ =	shalt  }
0x48: {  	_ =	shalt  }
0x49: {  	_ =	shalt  }
0x4a: {  	_ =	shalt  }
0x4b: {  	_ =	shalt  }
0x4c: {  	_ =	shalt  }
0x4d: {  	_ =	shalt  }
0x4e: {  	_ =	shalt  }
0x4f: {  	_ =	shalt  }
0x50: {  	_ =	shalt  }
0x51: {  	_ =	shalt  }
0x52: {  	_ =	shalt  }
0x53: {  	_ =	shalt  }
0x54: {  	_ =	shalt  }
0x55: {  	_ =	shalt  }
0x56: {  	_ =	shalt  }
0x57: {  	_ =	shalt  }
0x58: {  	_ =	shalt  }
0x59: {  	_ =	shalt  }
0x5a: {  	_ =	shalt  }
0x5b: {  	_ =	shalt  }
0x5c: {  	_ =	shalt  }
0x5d: {  	_ =	shalt  }
0x5e: {  	_ =	shalt  }
0x5f: {  	_ =	shalt  }
0x60: {  	_ =	shalt  }
0x61: {  	_ =	shalt  }
0x62: {  	_ =	shalt  }
0x63: {  	_ =	shalt  }
0x64: {  	_ =	shalt  }
0x65: {  	_ =	shalt  }
0x66: {  	_ =	shalt  }
0x67: {  	_ =	shalt  }
0x68: {  	_ =	shalt  }
0x69: {  	_ =	shalt  }
0x6a: {  	_ =	shalt  }
0x6b: {  	_ =	shalt  }
0x6c: {  	_ =	shalt  }
0x6d: {  	_ =	shalt  }
0x6e: {  	_ =	shalt  }
0x6f: {  	_ =	shalt  }
0x70: {  	_ =	shalt  }
0x71: {  	_ =	shalt  }
0x72: {  	_ =	shalt  }
0x73: {  	_ =	shalt  }
0x74: {  	_ =	shalt  }
0x75: {  	_ =	shalt  }
0x76: {  	_ =	shalt  }
0x77: {  	_ =	shalt  }
0x78: {  	_ =	shalt  }
0x79: {  	_ =	shalt  }
0x7a: {  	_ =	shalt  }
0x7b: {  	_ =	shalt  }
0x7c: {  	_ =	shalt  }
0x7d: {  	_ =	shalt  }
0x7e: {  	_ =	shalt  }
0x7f: {  	_ =	shalt  }
0x80: {  	_ =	shalt  }
0x81: {  	_ =	shalt  }
0x82: {  	_ =	shalt  }
0x83: {  	_ =	shalt  }
0x84: {  	_ =	shalt  }
0x85: {  	_ =	shalt  }
0x86: {  	_ =	shalt  }
0x87: {  	_ =	shalt  }
.Lfunc_end0:
.L_simem_size_0:
called_computation.2_lowered:
.L_overlay_start_0:
0x88: {  	s2 =	sld [smem:$0x3FD9]  }
0x89: {  	s3 =	sld [smem:$0x3FFE];
	_ =	sdelay $0x1  }
0x8a: {  	s1 =	srdreg.scid  }
0x8b: {  	s0 =	sand.u32 $0x1, s1  }
0x8c: {  	s14 =	sshll.u32 s0, $0xA;
	s2 =	sadd.s32 s3, s2  }
0x8d: {  	s2 =	sadd.s32 s2, s14  }
0x8e: {  	[smem:$0x3FBD] =	sst s2  }
0x8f: {  	_ = 	snop  }
0x90: {  	s2 =	sld [smem:$0x3FD0];
	_ =	sdelay $0x2  }
0x91: {  	s15 =	simm.s32 $0xB;
	s4 =	simm.s32 $0x10  }
0x92: {  	[smem:s4], [sflag:s15] =	dma.local [hbm:s2], $0x1  }
0x93: {  	_ =	swait.eq [sflag:s15], $0x1  }
0x94: {  	[sflag:s15] =	ssyncset.done $0x0  }
0x95: {  	s16 =	sld [smem:$0x10];
	[sflag:s15] =	ssyncadd.s32 $0xFFFFFFFF  }
0x96: {  	s17 =	sld [smem:$0x11];
	(tm) =	ssettm $0x1  }
0x97: {  	s18 =	sld [smem:$0x3FFB];
	_ =	sdelay $0x3  }
0x98: {  	_ =	strace s18  }
0x99: {  	s4 =	sld [smem:$0x3FFC];
	_ =	sdelay $0x3  }
0x9a: {  	_ =	strace s4  }
0x9b: {  	s4 =	sld [smem:$0x3FFD];
	_ =	sdelay $0x3  }
0x9c: {  	_ =	strace s4  }
0x9d: {  	_ =	strace $0x8FFFFFFF  }
0x9e: {  	s19 =	sld [smem:$0x3FDB];
	_ =	sdelay $0x1  }
0x9f: {  	s5 =	simm.s32 $_scs_section_size  }
0xa0: {  	s6 =	simm.s32 $_size__tile_overlayer_lowered;
	s7 =	simm.s32 $_tile_overlayer_lowered  }
0xa1: {  	s22 =	simm.s32 $0x1BFF;
	s21 =	sshll.u32 s7, $0x1;
	s4 =	sadd.s32 s5, s19  }
0xa2: {  	s8 =	simm.s32 $0x0;
	s20 =	sshll.u32 s6, $0x1;
	s6 =	sadd.s32 s21, s4  }
0xa3: {  	[timem:s8], [sflag:s22] =	dma.local [hbm:s6], s20  }
0xa4: {  	_ =	swait.ge [sflag:s22], s20  }
0xa5: {  	s5 =	ssub.s32 $0x0, s20;
	[sflag:s22] =	ssyncset.done $0x0  }
0xa6: {  	[sflag:s22] =	ssyncadd.s32 s5;
	_ =	sdelay $0x1  }
0xa7: {  	s23 =	simm.s32 $0x1B8B  }
0xa8: {  	_ =	swait.ge [sflag:s23], $0x1  }
0xa9: {  	[sflag:s23] =	ssyncset.done $0x0  }
0xaa: {  	s25 =	simm.s32 $0x1B8E;
	s24 =	sld [smem:$0x3FFE];
	[sflag:s23] =	ssyncadd.s32 $0xFFFFFFFF  }
0xab: {  	s26 =	simm.s32 $execute0_lowered;
	[smem:$0x3FD2] =	sst s25  }
0xac: {  	s6 =	sshll.u32 s26, $0x1;
	_ =	strace $0x8000004C;
	[dreg:$0x1] =	wrdreg $0xFFFFFFFF  }
0xad: {  	s28 =	simm.s32 $_size_execute0_lowered;
	s4 =	sadd.s32 s4, s6;
	[dreg:$0x0] =	wrdreg $0x0  }
0xae: {  	s6 =	sshll.u32 s28, $0x1;
	[dreg:$0x2] =	wrdreg s4  }
0xaf: {  	[dreg:$0x3] =	wrdreg s6  }
0xb0: {  	[dreg:$0x4] =	wrdreg $0xC0  }
0xb1: {  	_ =	task [dreg:s8], $0x5FFFF  }
0xb2: {  	[dreg:$0x1] =	wrdreg $0xFFFFFFFF  }
0xb3: {  	[dreg:$0x0] =	wrdreg $0x60  }
0xb4: {  	[dreg:$0x2] =	wrdreg s24  }
0xb5: {  	[dreg:$0x3] =	wrdreg s17  }
0xb6: {  	[dreg:$0x4] =	wrdreg s16  }
0xb7: {  	[dreg:$0x5] =	wrdreg $0x0  }
0xb8: {  	[dreg:$0x6] =	wrdreg $0x9  }
0xb9: {  	_ =	task.clear_ibuf [dreg:s8], $0x7FFFF;
	_ =	strace $0x9000004C  }
0xba: {  	s29 =	simm.s32 $0x9;
	_ =	strace $0x8000004E  }
0xbb: {  	_ =	swait.ge [sflag:s29], $0x1  }
0xbc: {  	[sflag:s29] =	ssyncadd.s32 $0xFFFFFFFF  }
0xbd: {  	_ =	strace $0x9000004E  }
0xbe: {  	_ =	sfence  }
0xbf: {  	s30 =	sld [smem:$0x0];
	_ =	sdelay $0x2  }
0xc0: {  	s31 =	sshll.u32 s1, $0xD;
	s1 =	sshrl.u32 s1, $0x2  }
0xc1: {  	s3 =	sand.u32 $0x4000, s31;
	s1 =	sadd.s32 s1, s30  }
0xc2: {  	s0 =	sor.u32 s3, s0;
	s1 =	sshll.u32 s1, $0x11  }
0xc3: {  	s0 =	sor.u32 s1, s0  }
0xc4: {  	s0 =	sadd.s32 $0x8F2B, s0  }
0xc5: {  	[sflag:s0] =	ssyncadd.remote.s32 $0x1  }
0xc6: {  	_ =	sfence.sel $0xFFFF  }
0xc7: {  	[dreg:$0x0] =	wrdreg $0xFFFFFFFF;
	(pc) =	sbr.abs _section_cstart, $3  }
0xc8: {  	[dreg:$0x1] =	wrdreg $0xFFFFFFFF  }
0xc9: {  	_ =	task.clear_ibuf [dreg:s8], $0x2FFFF;
	_ =	strace $0x9FFFFFFF  }
0xca: {  	(tm) =	ssettm $0x7FFFFFFF  }
0xcb: {  	_ =	shalt  }
tec
execute0_lowered:
.L_overlay_start_1:
0x0: {  	(tag) =	ssettag $0x1  }
0x1: {  	s0 =	rddreg [dreg:$0x0]  }
0x2: {  	s1 =	rddreg [dreg:$0x1]  }
0x3: {  	s3 =	srdreg.scid;
	s9 =	stileid.u32  }
0x4: {  	s6 =	rddreg [dreg:$0x2];
	s5 =	sand.u32 $0x1, s3;
	s7 =	smul.u32 $0x14000, s9  }
0x5: {  	s2 =	rddreg [dreg:$0x3];
	s4 =	smul.u32 $0x140000, s5;
	s8 =	sshll.u32 s5, $0x4  }
0x6: {  	s3 =	simm.s32 $0x0;
	s8 =	sor.u32 s9, s8;
	s9 =	smul.u32 $0x50000, s9  }
0x7: {  	[smem:$0x7FF] =	sst s3;
	s5 =	ssub.s32 $0x2, s5;
	s8 =	smul.u32 $0x2800, s8  }
0x8: {  	_ =	strace $0x8000004D;
	s25 =	sshrl.u32 s5, $0x1;
	s4 =	sadd.s32 s7, s4  }
0x9: {  	s10 =	sshrl.u32 s4, $0x3;
	s4 =	sadd.s32 $0x3E00, s0;
	s8 =	sshrl.u32 s8, $0x3  }
0xa: {  	s9 =	sshrl.u32 s9, $0x2;
	s0 =	sadd.s32 s10, s0;
	s11 =	sadd.s32 s1, s8  }
0xb: {  	s26 =	sadd.s32 $0x280, s8;
	s8 =	sadd.s32 s6, s8;
	[dreg:$0x5] =	wrdreg s11  }
0xc: {  	s10 =	ssub.s32 s5, s25;
	s0 =	sadd.s32 $0x2BE00, s0;
	[dreg:$0x6] =	wrdreg s8  }
0xd: {  	s5 =	sadd.s32 s9, s2;
	s13 =	smax.u32 s10, $0x1;
	[dreg:$0x9] =	wrdreg s0  }
0xe: {  	s14 =	sadd.s32 $0x800, s5;
	[dreg:$0xa] =	wrdreg s13  }
0xf: {  	s15 =	sadd.s32 $0x1000, s5;
	[dreg:$0xb] =	wrdreg s14  }
0x10: {  	s16 =	sadd.s32 $0x1800, s5;
	[dreg:$0xc] =	wrdreg s15  }
0x11: {  	s17 =	sadd.s32 $0x2000, s5;
	[dreg:$0xd] =	wrdreg s16  }
0x12: {  	s18 =	sadd.s32 $0x2800, s5;
	[dreg:$0xe] =	wrdreg s17  }
0x13: {  	s19 =	sadd.s32 $0x3000, s5;
	[dreg:$0xf] =	wrdreg s18  }
0x14: {  	s20 =	sadd.s32 $0x3800, s5;
	[dreg:$0x10] =	wrdreg s19  }
0x15: {  	s21 =	sadd.s32 $0x4000, s5;
	[dreg:$0x11] =	wrdreg s20  }
0x16: {  	s22 =	sadd.s32 $0x4800, s5;
	[dreg:$0x12] =	wrdreg s21  }
0x17: {  	s23 =	sadd.s32 $0x5000, s5;
	[dreg:$0x13] =	wrdreg s22  }
0x18: {  	s24 =	sadd.s32 $0x5800, s5;
	[dreg:$0x14] =	wrdreg s23  }
0x19: {  	s25 =	sadd.s32 $0x6000, s5;
	[dreg:$0x15] =	wrdreg s24  }
0x1a: {  	s12 =	sadd.s32 s7, s2;
	s7 =	sadd.s32 $0x7800, s5;
	[dreg:$0x16] =	wrdreg s25  }
0x1b: {  	s9 =	sadd.s32 $0x8800, s5;
	[dreg:$0x1a] =	wrdreg s7  }
0x1c: {  	s10 =	sadd.s32 $0x9000, s5;
	[dreg:$0x1c] =	wrdreg s9  }
0x1d: {  	s1 =	sadd.s32 s1, s26;
	[dreg:$0x1d] =	wrdreg s10  }
0x1e: {  	s11 =	sadd.s32 s6, s26;
	[dreg:$0x7] =	wrdreg s1  }
0x1f: {  	s26 =	sadd.s32 $0x6800, s5;
	[dreg:$0x8] =	wrdreg s11  }
0x20: {  	s0 =	sshrl.u32 s12, $0x3;
	[dreg:$0x17] =	wrdreg s26  }
0x21: {  	s6 =	sadd.s32 $0x7000, s5;
	[dreg:$0x18] =	wrdreg s0  }
0x22: {  	s8 =	sadd.s32 $0x8000, s5;
	[dreg:$0x19] =	wrdreg s6  }
0x23: {  	s12 =	sadd.s32 $0xA000, s5;
	[dreg:$0x1b] =	wrdreg s8  }
0x24: {  	s13 =	sadd.s32 $0xA800, s5;
	[dreg:$0x1f] =	wrdreg s12  }
0x25: {  	s14 =	sadd.s32 $0xB000, s5;
	[smem:$0x7F0] =	sst s13  }
0x26: {  	s15 =	sadd.s32 $0xB800, s5;
	[smem:$0x7F1] =	sst s14  }
0x27: {  	s16 =	sadd.s32 $0xC000, s5;
	[smem:$0x7F2] =	sst s15  }
0x28: {  	s17 =	sadd.s32 $0xC800, s5;
	[smem:$0x7F3] =	sst s16  }
0x29: {  	s28 =	simm.s32 $0x6;
	s18 =	sadd.s32 $0xD000, s5;
	[smem:$0x7F4] =	sst s17  }
0x2a: {  	s29 =	simm.s32 $0x15400;
	s19 =	sadd.s32 $0xD800, s5;
	[smem:$0x7F5] =	sst s18  }
0x2b: {  	s30 =	simm.s32 $0x80;
	s20 =	sadd.s32 $0xE000, s5;
	[smem:$0x7F6] =	sst s19  }
0x2c: {  	s31 =	simm.s32 $0x16800;
	s21 =	sadd.s32 $0xE800, s5;
	[smem:$0x7F7] =	sst s20  }
0x2d: {  	s22 =	sadd.s32 $0xF000, s5;
	s23 =	sadd.s32 $0xF800, s5;
	[smem:$0x7F8] =	sst s21  }
0x2e: {  	s24 =	sadd.s32 $0x10000, s5;
	s25 =	sadd.s32 $0x10800, s5;
	[smem:$0x7F9] =	sst s22  }
0x2f: {  	s7 =	simm.s32 $0x1;
	s9 =	simm.s32 $0x14100;
	[smem:$0x7FA] =	sst s23  }
0x30: {  	s10 =	simm.s32 $0x2;
	s11 =	sadd.s32 $0x9800, s5;
	[smem:$0x7FB] =	sst s24  }
0x31: {  	[smem:$0x7FC] =	sst s25;
	s26 =	sadd.s32 $0x11000, s5;
	s20 =	sadd.s32 $0x11800, s5  }
0x32: {  	s21 =	sadd.s32 $0x12000, s5;
	s22 =	sadd.s32 $0x12800, s5;
	s23 =	sadd.s32 $0x13000, s5  }
0x33: {  	s24 =	sadd.s32 $0x13800, s5;
	s25 =	simm.s32 $0x1E800;
	s0 =	simm.s32 $0x5  }
0x34: {  	s1 =	simm.s32 $0x14080;
	s6 =	simm.s32 $0x1A800;
	s8 =	simm.s32 $0x3  }
0x35: {  	s12 =	simm.s32 $0x4;
	s13 =	simm.s32 $0x15380;
	s14 =	simm.s32 $0x16700  }
0x36: {  	s15 =	simm.s32 $0x16780;
	s16 =	simm.s32 $0x0;
	[dreg:$0x1e] =	wrdreg s11  }
0x37: {  	v0 =	vimm.f32 $0.0e+00;
	[smem:$0x7FD] =	sst s26;
	s26 =	simm.s32 $0x14000;
	s11 =	simm.s32 $0x15480  }
.LBB2_1:
0x38: {  	s17 =	simm.s32 $0x0;
	s18 =	simm.s32 $0x200  }
.LBB2_2:
0x39: {  	p0 =	sne.s32 s18, $0x1E00;
	[tilespmem:s17+$0x1E870] =	vst v0  }
0x3a: {  	[tilespmem:s17+$0x1E800] =	vst v0  }
0x3b: {  	[tilespmem:s17+$0x1E810] =	vst v0  }
.Ltmp0:
0x3c: {  	[tilespmem:s17+$0x1E820] =	vst v0;
	(pc) =	sbr.rel @p0 .LBB2_2-.Ltmp0, $4  }
0x3d: {  	[tilespmem:s17+$0x1E830] =	vst v0  }
0x3e: {  	[tilespmem:s17+$0x1E840] =	vst v0  }
0x3f: {  	[tilespmem:s17+$0x1E850] =	vst v0  }
0x40: {  	[tilespmem:s17+$0x1E860] =	vst v0;
	s17 =	sshra.s32 s18, $0x2;
	s18 =	sadd.s32 $0x200, s18  }
0x41: {  	[tilespmem:s17+$0x1E870] =	vst v0  }
0x42: {  	[tilespmem:s17+$0x1E800] =	vst v0  }
0x43: {  	[tilespmem:s17+$0x1E810] =	vst v0  }
0x44: {  	[tilespmem:s17+$0x1E820] =	vst v0  }
0x45: {  	[tilespmem:s17+$0x1E830] =	vst v0  }
0x46: {  	[tilespmem:s17+$0x1E840] =	vst v0  }
0x47: {  	[tilespmem:s17+$0x1E850] =	vst v0  }
0x48: {  	[tilespmem:s17+$0x1E860] =	vst v0;
	s18 =	rddreg [dreg:$0xb]  }
0x49: {  	[spmem:s5] =	stream.linear.scatter [tilespmem:s25], [sflag:$0x5], $0x800, $0x38;
	[tilespmem:$0x1F000] =	vst v63  }
0x4a: {  	s19 =	rddreg [dreg:$0xc]  }
0x4b: {  	[spmem:s18] =	stream.linear.scatter [tilespmem:s25], [sflag:$0x5], $0x800, $0x38;
	[tilespmem:$0x1F000] =	vst v63  }
0x4c: {  	s18 =	rddreg [dreg:$0xd]  }
0x4d: {  	[spmem:s19] =	stream.linear.scatter [tilespmem:s25], [sflag:$0x5], $0x800, $0x38;
	[tilespmem:$0x1F000] =	vst v63  }
0x4e: {  	s19 =	rddreg [dreg:$0xe]  }
0x4f: {  	[spmem:s18] =	stream.linear.scatter [tilespmem:s25], [sflag:$0x5], $0x800, $0x38;
	[tilespmem:$0x1F000] =	vst v63  }
0x50: {  	s18 =	rddreg [dreg:$0xf]  }
0x51: {  	[spmem:s19] =	stream.linear.scatter [tilespmem:s25], [sflag:$0x5], $0x800, $0x38;
	[tilespmem:$0x1F000] =	vst v63  }
0x52: {  	s19 =	rddreg [dreg:$0x10]  }
0x53: {  	[spmem:s18] =	stream.linear.scatter [tilespmem:s25], [sflag:$0x5], $0x800, $0x38;
	[tilespmem:$0x1F000] =	vst v63  }
0x54: {  	s18 =	rddreg [dreg:$0x11]  }
0x55: {  	[spmem:s19] =	stream.linear.scatter [tilespmem:s25], [sflag:$0x5], $0x800, $0x38;
	[tilespmem:$0x1F000] =	vst v63  }
0x56: {  	s19 =	rddreg [dreg:$0x12]  }
0x57: {  	[spmem:s18] =	stream.linear.scatter [tilespmem:s25], [sflag:$0x5], $0x800, $0x38;
	[tilespmem:$0x1F000] =	vst v63  }
0x58: {  	s18 =	rddreg [dreg:$0x13]  }
0x59: {  	[spmem:s19] =	stream.linear.scatter [tilespmem:s25], [sflag:$0x5], $0x800, $0x38;
	[tilespmem:$0x1F000] =	vst v63  }
0x5a: {  	s19 =	rddreg [dreg:$0x14]  }
0x5b: {  	[spmem:s18] =	stream.linear.scatter [tilespmem:s25], [sflag:$0x5], $0x800, $0x38;
	[tilespmem:$0x1F000] =	vst v63  }
0x5c: {  	s18 =	rddreg [dreg:$0x15]  }
0x5d: {  	[spmem:s19] =	stream.linear.scatter [tilespmem:s25], [sflag:$0x5], $0x800, $0x38;
	[tilespmem:$0x1F000] =	vst v63  }
0x5e: {  	s19 =	rddreg [dreg:$0x16]  }
0x5f: {  	[spmem:s18] =	stream.linear.scatter [tilespmem:s25], [sflag:$0x5], $0x800, $0x38;
	[tilespmem:$0x1F000] =	vst v63  }
0x60: {  	s18 =	rddreg [dreg:$0x17]  }
0x61: {  	[spmem:s19] =	stream.linear.scatter [tilespmem:s25], [sflag:$0x5], $0x800, $0x38;
	[tilespmem:$0x1F000] =	vst v63  }
0x62: {  	s19 =	rddreg [dreg:$0x19]  }
0x63: {  	[spmem:s18] =	stream.linear.scatter [tilespmem:s25], [sflag:$0x5], $0x800, $0x38;
	[tilespmem:$0x1F000] =	vst v63  }
0x64: {  	s18 =	rddreg [dreg:$0x1a]  }
0x65: {  	[spmem:s19] =	stream.linear.scatter [tilespmem:s25], [sflag:$0x5], $0x800, $0x38;
	[tilespmem:$0x1F000] =	vst v63  }
0x66: {  	s19 =	rddreg [dreg:$0x1b]  }
0x67: {  	[spmem:s18] =	stream.linear.scatter [tilespmem:s25], [sflag:$0x5], $0x800, $0x38;
	[tilespmem:$0x1F000] =	vst v63  }
0x68: {  	s18 =	rddreg [dreg:$0x1c]  }
0x69: {  	[spmem:s19] =	stream.linear.scatter [tilespmem:s25], [sflag:$0x5], $0x800, $0x38;
	[tilespmem:$0x1F000] =	vst v63  }
0x6a: {  	s19 =	rddreg [dreg:$0x1d]  }
0x6b: {  	[spmem:s18] =	stream.linear.scatter [tilespmem:s25], [sflag:$0x5], $0x800, $0x38;
	[tilespmem:$0x1F000] =	vst v63  }
0x6c: {  	s18 =	rddreg [dreg:$0x1e]  }
0x6d: {  	[spmem:s19] =	stream.linear.scatter [tilespmem:s25], [sflag:$0x5], $0x800, $0x38;
	[tilespmem:$0x1F000] =	vst v63  }
0x6e: {  	s19 =	rddreg [dreg:$0x1f]  }
0x6f: {  	[spmem:s18] =	stream.linear.scatter [tilespmem:s25], [sflag:$0x5], $0x800, $0x38;
	[tilespmem:$0x1F000] =	vst v63  }
0x70: {  	s18 =	sld [smem:$0x7F0]  }
0x71: {  	[spmem:s19] =	stream.linear.scatter [tilespmem:s25], [sflag:$0x5], $0x800, $0x38;
	[tilespmem:$0x1F000] =	vst v63  }
0x72: {  	s19 =	sld [smem:$0x7F1]  }
0x73: {  	[spmem:s18] =	stream.linear.scatter [tilespmem:s25], [sflag:$0x5], $0x800, $0x38;
	[tilespmem:$0x1F000] =	vst v63  }
0x74: {  	s18 =	sld [smem:$0x7F2]  }
0x75: {  	[spmem:s19] =	stream.linear.scatter [tilespmem:s25], [sflag:$0x5], $0x800, $0x38;
	[tilespmem:$0x1F000] =	vst v63  }
0x76: {  	s19 =	sld [smem:$0x7F3]  }
0x77: {  	[spmem:s18] =	stream.linear.scatter [tilespmem:s25], [sflag:$0x5], $0x800, $0x38;
	[tilespmem:$0x1F000] =	vst v63  }
0x78: {  	s18 =	sld [smem:$0x7F4]  }
0x79: {  	[spmem:s19] =	stream.linear.scatter [tilespmem:s25], [sflag:$0x5], $0x800, $0x38;
	[tilespmem:$0x1F000] =	vst v63  }
0x7a: {  	s19 =	sld [smem:$0x7F5]  }
0x7b: {  	[spmem:s18] =	stream.linear.scatter [tilespmem:s25], [sflag:$0x5], $0x800, $0x38;
	[tilespmem:$0x1F000] =	vst v63  }
0x7c: {  	s18 =	sld [smem:$0x7F6]  }
0x7d: {  	[spmem:s19] =	stream.linear.scatter [tilespmem:s25], [sflag:$0x5], $0x800, $0x38;
	[tilespmem:$0x1F000] =	vst v63  }
0x7e: {  	s19 =	sld [smem:$0x7F7]  }
0x7f: {  	[spmem:s18] =	stream.linear.scatter [tilespmem:s25], [sflag:$0x5], $0x800, $0x38;
	[tilespmem:$0x1F000] =	vst v63  }
0x80: {  	s18 =	sld [smem:$0x7F8]  }
0x81: {  	[spmem:s19] =	stream.linear.scatter [tilespmem:s25], [sflag:$0x5], $0x800, $0x38;
	[tilespmem:$0x1F000] =	vst v63  }
0x82: {  	s19 =	sld [smem:$0x7F9]  }
0x83: {  	[spmem:s18] =	stream.linear.scatter [tilespmem:s25], [sflag:$0x5], $0x800, $0x38;
	[tilespmem:$0x1F000] =	vst v63  }
0x84: {  	s18 =	sld [smem:$0x7FA]  }
0x85: {  	[spmem:s19] =	stream.linear.scatter [tilespmem:s25], [sflag:$0x5], $0x800, $0x38;
	[tilespmem:$0x1F000] =	vst v63  }
0x86: {  	s19 =	sld [smem:$0x7FB]  }
0x87: {  	[spmem:s18] =	stream.linear.scatter [tilespmem:s25], [sflag:$0x5], $0x800, $0x38;
	[tilespmem:$0x1F000] =	vst v63  }
0x88: {  	s18 =	sld [smem:$0x7FC]  }
0x89: {  	[spmem:s19] =	stream.linear.scatter [tilespmem:s25], [sflag:$0x5], $0x800, $0x38;
	[tilespmem:$0x1F000] =	vst v63  }
0x8a: {  	s19 =	sld [smem:$0x7FD]  }
0x8b: {  	[spmem:s18] =	stream.linear.scatter [tilespmem:s25], [sflag:$0x5], $0x800, $0x38;
	[tilespmem:$0x1F000] =	vst v63  }
0x8c: {  	_ = 	snop  }
0x8d: {  	[spmem:s19] =	stream.linear.scatter [tilespmem:s25], [sflag:$0x5], $0x800, $0x38;
	[tilespmem:$0x1F000] =	vst v63  }
0x8e: {  	_ = 	snop  }
0x8f: {  	[spmem:s20] =	stream.linear.scatter [tilespmem:s25], [sflag:$0x5], $0x800, $0x38;
	[tilespmem:$0x1F000] =	vst v63  }
0x90: {  	_ = 	snop  }
0x91: {  	[spmem:s21] =	stream.linear.scatter [tilespmem:s25], [sflag:$0x5], $0x800, $0x38;
	[tilespmem:$0x1F000] =	vst v63  }
0x92: {  	_ = 	snop  }
0x93: {  	[spmem:s22] =	stream.linear.scatter [tilespmem:s25], [sflag:$0x5], $0x800, $0x38;
	[tilespmem:$0x1F000] =	vst v63  }
0x94: {  	_ = 	snop  }
0x95: {  	[spmem:s23] =	stream.linear.scatter [tilespmem:s25], [sflag:$0x5], $0x800, $0x38;
	[tilespmem:$0x1F000] =	vst v63  }
0x96: {  	_ = 	snop  }
0x97: {  	[spmem:s24] =	stream.linear.scatter [tilespmem:s25], [sflag:$0x5], $0x800, $0x38;
	[tilespmem:$0x1F000] =	vst v63  }
0x98: {  	s18 =	rddreg [dreg:$0x5]  }
0x99: {  	[tilespmem:s26], [sflag:$0x6] =	stream.linear.gather [hbm4b:s18+s3], $0x1400, $0x38;
	[tilespmem:$0x1F000] =	vst v63  }
0x9a: {  	_ =	swait.ge [sflag:s28], $0x1400  }
0x9b: {  	[sflag:s28] =	ssyncset.done $0x0  }
0x9c: {  	s19 =	rddreg [dreg:$0x6];
	[sflag:s28] =	ssyncadd.s32 $0xFFFFEC00  }
0x9d: {  	[tilespmem:s29], [sflag:$0x6] =	stream.linear.gather [hbm4b:s19+s3], $0x1400, $0x38;
	[tilespmem:$0x1F000] =	vst v63  }
0x9e: {  	_ =	swait.ge [sflag:s28], $0x1400  }
0x9f: {  	[sflag:s28] =	ssyncset.done $0x0  }
0xa0: {  	[sflag:s28] =	ssyncadd.s32 $0xFFFFEC00  }
0xa1: {  	[tilespmem:s31], [sflag:$0x1] =	stream.indirect.gather [hbm4b:s4+s30], $0x80, s26, s30, $0xb8;
	[tilespmem:$0x1F000] =	vst v63  }
0xa2: {  	_ =	swait.ge [sflag:s0], $0x800  }
0xa3: {  	s17 =	simm.s32 $0x27;
	[sflag:s0] =	ssyncset.done $0x0  }
.LBB2_4:
0xa4: {  	p0 =	sne.s32 s17, $0x1;
	s17 =	sadd.s32 $0xFFFFFFFF, s17;
	[sflag:s0] =	ssyncadd.s32 $0xFFFFF800  }
.Ltmp1:
0xa5: {  	(pc) =	sbr.rel @p0 .LBB2_4-.Ltmp1, $3  }
0xa6: {  	_ =	sdelay $0x1  }
0xa7: {  	_ =	swait.ge [sflag:s0], $0x800  }
0xa8: {  	[sflag:s0] =	ssyncset.done $0x0  }
0xa9: {  	[sflag:s0] =	ssyncadd.s32 $0xFFFFF800  }
0xaa: {  	[bflag:$0x0] =	sbarrier.arrive $0xFFFF  }
0xab: {  	[tilespmem:s6], [sflag:$0x2] =	stream.indirect.gather [hbm4b:s4+s30], $0x80, s1, s30, $0xb8;
	[tilespmem:$0x1F000] =	vst v63  }
0xac: {  	_ =	swait.ge [sflag:s7], $0x4000  }
0xad: {  	[sflag:s7] =	ssyncset.done $0x0  }
0xae: {  	[sflag:s7] =	ssyncadd.s32 $0xFFFFC000  }
0xaf: {  	[spmem:s2] =	stream.indirect.scatter.add.f32 [tilespmem:s31], [sflag:$0x3], $0x80, s29, s30, $0xb8;
	[tilespmem:$0x1F000] =	vst v63  }
0xb0: {  	_ =	swait.ge [sflag:s8], $0x4000  }
0xb1: {  	[sflag:s8] =	ssyncset.done $0x0  }
0xb2: {  	[sflag:s8] =	ssyncadd.s32 $0xFFFFC000  }
0xb3: {  	[tilespmem:s31], [sflag:$0x1] =	stream.indirect.gather [hbm4b:s4+s30], $0x80, s9, s30, $0xb8;
	[tilespmem:$0x1F000] =	vst v63  }
0xb4: {  	_ =	swait.ge [sflag:s10], $0x4000  }
0xb5: {  	[sflag:s10] =	ssyncset.done $0x0  }
0xb6: {  	[sflag:s10] =	ssyncadd.s32 $0xFFFFC000  }
0xb7: {  	[spmem:s2] =	stream.indirect.scatter.add.f32 [tilespmem:s6], [sflag:$0x4], $0x80, s11, s30, $0xb8;
	[tilespmem:$0x1F000] =	vst v63  }
0xb8: {  	_ =	swait.ge [sflag:s12], $0x4000  }
0xb9: {  	[sflag:s12] =	ssyncset.done $0x0  }
0xba: {  	s17 =	simm.s32 $0x14180;
	[sflag:s12] =	ssyncadd.s32 $0xFFFFC000  }
0xbb: {  	[tilespmem:s6], [sflag:$0x2] =	stream.indirect.gather [hbm4b:s4+s30], $0x80, s17, s30, $0xb8;
	[tilespmem:$0x1F000] =	vst v63  }
0xbc: {  	_ =	swait.ge [sflag:s7], $0x4000  }
0xbd: {  	[sflag:s7] =	ssyncset.done $0x0  }
0xbe: {  	s18 =	simm.s32 $0x15500;
	[sflag:s7] =	ssyncadd.s32 $0xFFFFC000  }
0xbf: {  	[spmem:s2] =	stream.indirect.scatter.add.f32 [tilespmem:s31], [sflag:$0x3], $0x80, s18, s30, $0xb8;
	[tilespmem:$0x1F000] =	vst v63  }
0xc0: {  	_ =	swait.ge [sflag:s8], $0x4000  }
0xc1: {  	[sflag:s8] =	ssyncset.done $0x0  }
0xc2: {  	s19 =	simm.s32 $0x14200;
	[sflag:s8] =	ssyncadd.s32 $0xFFFFC000  }
0xc3: {  	[tilespmem:s31], [sflag:$0x1] =	stream.indirect.gather [hbm4b:s4+s30], $0x80, s19, s30, $0xb8;
	[tilespmem:$0x1F000] =	vst v63  }
0xc4: {  	_ =	swait.ge [sflag:s10], $0x4000  }
0xc5: {  	[sflag:s10] =	ssyncset.done $0x0  }
0xc6: {  	s17 =	simm.s32 $0xFFFFBC00;
	s18 =	simm.s32 $0x15580;
	[sflag:s10] =	ssyncadd.s32 $0xFFFFC000  }
.LBB2_6:
0xc7: {  	[spmem:s2] =	stream.indirect.scatter.add.f32 [tilespmem:s6], [sflag:$0x4], $0x80, s18, s30, $0xb8;
	[tilespmem:$0x1F000] =	vst v63  }
0xc8: {  	s18 =	smov.u32 s17  }
0xc9: {  	p0 =	sne.s32 s17, $0xFFFFFC00;
	s17 =	sadd.s32 $0x400, s17;
	_ =	swait.ge [sflag:s12], $0x4000  }
0xca: {  	s18 =	sshra.s32 s18, $0x2;
	[sflag:s12] =	ssyncset.done $0x0  }
0xcb: {  	s19 =	sadd.s32 $0x15380, s18;
	[sflag:s12] =	ssyncadd.s32 $0xFFFFC000  }
0xcc: {  	[tilespmem:s6], [sflag:$0x2] =	stream.indirect.gather [hbm4b:s4+s30], $0x80, s19, s30, $0xb8;
	[tilespmem:$0x1F000] =	vst v63  }
0xcd: {  	_ =	swait.ge [sflag:s7], $0x4000  }
0xce: {  	[sflag:s7] =	ssyncset.done $0x0  }
0xcf: {  	s19 =	sadd.s32 $0x16700, s18;
	[sflag:s7] =	ssyncadd.s32 $0xFFFFC000  }
0xd0: {  	[spmem:s2] =	stream.indirect.scatter.add.f32 [tilespmem:s31], [sflag:$0x3], $0x80, s19, s30, $0xb8;
	[tilespmem:$0x1F000] =	vst v63  }
0xd1: {  	_ =	swait.ge [sflag:s8], $0x4000  }
0xd2: {  	[sflag:s8] =	ssyncset.done $0x0  }
.Ltmp2:
0xd3: {  	s19 =	sadd.s32 $0x15400, s18;
	[sflag:s8] =	ssyncadd.s32 $0xFFFFC000;
	(pc) =	sbr.rel @p0 .LBB2_6-.Ltmp2, $4  }
0xd4: {  	[tilespmem:s31], [sflag:$0x1] =	stream.indirect.gather [hbm4b:s4+s30], $0x80, s19, s30, $0xb8;
	[tilespmem:$0x1F000] =	vst v63  }
0xd5: {  	_ =	swait.ge [sflag:s10], $0x4000  }
0xd6: {  	[sflag:s10] =	ssyncset.done $0x0  }
0xd7: {  	s18 =	sadd.s32 $0x16780, s18;
	[sflag:s10] =	ssyncadd.s32 $0xFFFFC000  }
0xd8: {  	[spmem:s2] =	stream.indirect.scatter.add.f32 [tilespmem:s6], [sflag:$0x4], $0x80, s18, s30, $0xb8;
	[tilespmem:$0x1F000] =	vst v63  }
0xd9: {  	_ =	swait.ge [sflag:s12], $0x4000  }
0xda: {  	[sflag:s12] =	ssyncset.done $0x0  }
0xdb: {  	[sflag:s12] =	ssyncadd.s32 $0xFFFFC000  }
0xdc: {  	[tilespmem:s6], [sflag:$0x2] =	stream.indirect.gather [hbm4b:s4+s30], $0x80, s13, s30, $0xb8;
	[tilespmem:$0x1F000] =	vst v63  }
0xdd: {  	_ =	swait.ge [sflag:s7], $0x4000  }
0xde: {  	[sflag:s7] =	ssyncset.done $0x0  }
0xdf: {  	[sflag:s7] =	ssyncadd.s32 $0xFFFFC000  }
0xe0: {  	[spmem:s2] =	stream.indirect.scatter.add.f32 [tilespmem:s31], [sflag:$0x3], $0x80, s14, s30, $0xb8;
	[tilespmem:$0x1F000] =	vst v63  }
0xe1: {  	_ =	swait.ge [sflag:s10], $0x4000  }
0xe2: {  	[sflag:s10] =	ssyncset.done $0x0  }
0xe3: {  	[sflag:s10] =	ssyncadd.s32 $0xFFFFC000  }
0xe4: {  	[spmem:s2] =	stream.indirect.scatter.add.f32 [tilespmem:s6], [sflag:$0x4], $0x80, s15, s30, $0xb8;
	[tilespmem:$0x1F000] =	vst v63  }
0xe5: {  	_ =	swait.ge [sflag:s8], $0x4000  }
0xe6: {  	[sflag:s8] =	ssyncset.done $0x0  }
0xe7: {  	[sflag:s8] =	ssyncadd.s32 $0xFFFFC000  }
0xe8: {  	_ =	swait.ge [sflag:s12], $0x4000  }
0xe9: {  	[sflag:s12] =	ssyncset.done $0x0  }
0xea: {  	s17 =	rddreg [dreg:$0x7];
	[sflag:s12] =	ssyncadd.s32 $0xFFFFC000  }
0xeb: {  	[tilespmem:s26], [sflag:$0x6] =	stream.linear.gather [hbm4b:s17+s3], $0x1400, $0x38;
	[tilespmem:$0x1F000] =	vst v63  }
0xec: {  	_ =	swait.ge [sflag:s28], $0x1400  }
0xed: {  	[sflag:s28] =	ssyncset.done $0x0  }
0xee: {  	s18 =	rddreg [dreg:$0x8];
	[sflag:s28] =	ssyncadd.s32 $0xFFFFEC00  }
0xef: {  	[tilespmem:s29], [sflag:$0x6] =	stream.linear.gather [hbm4b:s18+s3], $0x1400, $0x38;
	[tilespmem:$0x1F000] =	vst v63  }
0xf0: {  	_ =	swait.ge [sflag:s28], $0x1400  }
0xf1: {  	[sflag:s28] =	ssyncset.done $0x0  }
0xf2: {  	[sflag:s28] =	ssyncadd.s32 $0xFFFFEC00  }
0xf3: {  	[tilespmem:s31], [sflag:$0x1] =	stream.indirect.gather [hbm4b:s4+s30], $0x80, s26, s30, $0xb8;
	[tilespmem:$0x1F000] =	vst v63  }
0xf4: {  	_ = 	snop  }
0xf5: {  	[tilespmem:s6], [sflag:$0x2] =	stream.indirect.gather [hbm4b:s4+s30], $0x80, s1, s30, $0xb8;
	[tilespmem:$0x1F000] =	vst v63  }
0xf6: {  	_ =	swait.ge [sflag:s7], $0x4000  }
0xf7: {  	[sflag:s7] =	ssyncset.done $0x0  }
0xf8: {  	[sflag:s7] =	ssyncadd.s32 $0xFFFFC000  }
0xf9: {  	[spmem:s2] =	stream.indirect.scatter.add.f32 [tilespmem:s31], [sflag:$0x3], $0x80, s29, s30, $0xb8;
	[tilespmem:$0x1F000] =	vst v63  }
0xfa: {  	_ =	swait.ge [sflag:s8], $0x4000  }
0xfb: {  	[sflag:s8] =	ssyncset.done $0x0  }
0xfc: {  	[sflag:s8] =	ssyncadd.s32 $0xFFFFC000  }
0xfd: {  	[tilespmem:s31], [sflag:$0x1] =	stream.indirect.gather [hbm4b:s4+s30], $0x80, s9, s30, $0xb8;
	[tilespmem:$0x1F000] =	vst v63  }
0xfe: {  	_ =	swait.ge [sflag:s10], $0x4000  }
0xff: {  	[sflag:s10] =	ssyncset.done $0x0  }
0x100: {  	[sflag:s10] =	ssyncadd.s32 $0xFFFFC000  }
0x101: {  	[spmem:s2] =	stream.indirect.scatter.add.f32 [tilespmem:s6], [sflag:$0x4], $0x80, s11, s30, $0xb8;
	[tilespmem:$0x1F000] =	vst v63  }
0x102: {  	_ =	swait.ge [sflag:s12], $0x4000  }
0x103: {  	[sflag:s12] =	ssyncset.done $0x0  }
0x104: {  	s19 =	simm.s32 $0x14180;
	[sflag:s12] =	ssyncadd.s32 $0xFFFFC000  }
0x105: {  	[tilespmem:s6], [sflag:$0x2] =	stream.indirect.gather [hbm4b:s4+s30], $0x80, s19, s30, $0xb8;
	[tilespmem:$0x1F000] =	vst v63  }
0x106: {  	_ =	swait.ge [sflag:s7], $0x4000  }
0x107: {  	[sflag:s7] =	ssyncset.done $0x0  }
0x108: {  	s18 =	simm.s32 $0x15500;
	[sflag:s7] =	ssyncadd.s32 $0xFFFFC000  }
0x109: {  	[spmem:s2] =	stream.indirect.scatter.add.f32 [tilespmem:s31], [sflag:$0x3], $0x80, s18, s30, $0xb8;
	[tilespmem:$0x1F000] =	vst v63  }
0x10a: {  	_ =	swait.ge [sflag:s8], $0x4000  }
0x10b: {  	[sflag:s8] =	ssyncset.done $0x0  }
0x10c: {  	s19 =	simm.s32 $0x14200;
	[sflag:s8] =	ssyncadd.s32 $0xFFFFC000  }
0x10d: {  	[tilespmem:s31], [sflag:$0x1] =	stream.indirect.gather [hbm4b:s4+s30], $0x80, s19, s30, $0xb8;
	[tilespmem:$0x1F000] =	vst v63  }
0x10e: {  	_ =	swait.ge [sflag:s10], $0x4000  }
0x10f: {  	[sflag:s10] =	ssyncset.done $0x0  }
0x110: {  	s17 =	simm.s32 $0xFFFFBC00;
	s18 =	simm.s32 $0x15580;
	[sflag:s10] =	ssyncadd.s32 $0xFFFFC000  }
.LBB2_8:
0x111: {  	[spmem:s2] =	stream.indirect.scatter.add.f32 [tilespmem:s6], [sflag:$0x4], $0x80, s18, s30, $0xb8;
	[tilespmem:$0x1F000] =	vst v63  }
0x112: {  	s18 =	smov.u32 s17  }
0x113: {  	p0 =	sne.s32 s17, $0xFFFFFC00;
	s17 =	sadd.s32 $0x400, s17;
	_ =	swait.ge [sflag:s12], $0x4000  }
0x114: {  	s18 =	sshra.s32 s18, $0x2;
	[sflag:s12] =	ssyncset.done $0x0  }
0x115: {  	s19 =	sadd.s32 $0x15380, s18;
	[sflag:s12] =	ssyncadd.s32 $0xFFFFC000  }
0x116: {  	[tilespmem:s6], [sflag:$0x2] =	stream.indirect.gather [hbm4b:s4+s30], $0x80, s19, s30, $0xb8;
	[tilespmem:$0x1F000] =	vst v63  }
0x117: {  	_ =	swait.ge [sflag:s7], $0x4000  }
0x118: {  	[sflag:s7] =	ssyncset.done $0x0  }
0x119: {  	s19 =	sadd.s32 $0x16700, s18;
	[sflag:s7] =	ssyncadd.s32 $0xFFFFC000  }
0x11a: {  	[spmem:s2] =	stream.indirect.scatter.add.f32 [tilespmem:s31], [sflag:$0x3], $0x80, s19, s30, $0xb8;
	[tilespmem:$0x1F000] =	vst v63  }
0x11b: {  	_ =	swait.ge [sflag:s8], $0x4000  }
0x11c: {  	[sflag:s8] =	ssyncset.done $0x0  }
.Ltmp3:
0x11d: {  	s19 =	sadd.s32 $0x15400, s18;
	[sflag:s8] =	ssyncadd.s32 $0xFFFFC000;
	(pc) =	sbr.rel @p0 .LBB2_8-.Ltmp3, $4  }
0x11e: {  	[tilespmem:s31], [sflag:$0x1] =	stream.indirect.gather [hbm4b:s4+s30], $0x80, s19, s30, $0xb8;
	[tilespmem:$0x1F000] =	vst v63  }
0x11f: {  	_ =	swait.ge [sflag:s10], $0x4000  }
0x120: {  	[sflag:s10] =	ssyncset.done $0x0  }
0x121: {  	s18 =	sadd.s32 $0x16780, s18;
	[sflag:s10] =	ssyncadd.s32 $0xFFFFC000  }
0x122: {  	[spmem:s2] =	stream.indirect.scatter.add.f32 [tilespmem:s6], [sflag:$0x4], $0x80, s18, s30, $0xb8;
	[tilespmem:$0x1F000] =	vst v63  }
0x123: {  	_ =	swait.ge [sflag:s12], $0x4000  }
0x124: {  	[sflag:s12] =	ssyncset.done $0x0  }
0x125: {  	[sflag:s12] =	ssyncadd.s32 $0xFFFFC000  }
0x126: {  	[tilespmem:s6], [sflag:$0x2] =	stream.indirect.gather [hbm4b:s4+s30], $0x80, s13, s30, $0xb8;
	[tilespmem:$0x1F000] =	vst v63  }
0x127: {  	_ =	swait.ge [sflag:s7], $0x4000  }
0x128: {  	[sflag:s7] =	ssyncset.done $0x0  }
0x129: {  	[sflag:s7] =	ssyncadd.s32 $0xFFFFC000  }
0x12a: {  	[spmem:s2] =	stream.indirect.scatter.add.f32 [tilespmem:s31], [sflag:$0x3], $0x80, s14, s30, $0xb8;
	[tilespmem:$0x1F000] =	vst v63  }
0x12b: {  	_ =	swait.ge [sflag:s10], $0x4000  }
0x12c: {  	[sflag:s10] =	ssyncset.done $0x0  }
0x12d: {  	[sflag:s10] =	ssyncadd.s32 $0xFFFFC000  }
0x12e: {  	[spmem:s2] =	stream.indirect.scatter.add.f32 [tilespmem:s6], [sflag:$0x4], $0x80, s15, s30, $0xb8;
	[tilespmem:$0x1F000] =	vst v63  }
0x12f: {  	_ =	swait.ge [sflag:s8], $0x4000  }
0x130: {  	[sflag:s8] =	ssyncset.done $0x0  }
0x131: {  	[sflag:s8] =	ssyncadd.s32 $0xFFFFC000  }
0x132: {  	_ =	swait.ge [sflag:s12], $0x4000  }
0x133: {  	[sflag:s12] =	ssyncset.done $0x0  }
0x134: {  	[sflag:s12] =	ssyncadd.s32 $0xFFFFC000  }
0x135: {  	s17 =	stileid.u32;
	[bflag:$0x0] =	sbarrier.arrive $0xFFFF  }
0x136: {  	s17 =	sshll.u32 s17, $0x6;
	s18 =	rddreg [dreg:$0x9]  }
0x137: {  	s17 =	sor.u32 $0x1C06, s17;
	s19 =	rddreg [dreg:$0x18]  }
0x138: {  	[hbm:s18], [sflag:s17] =	dma.local [spmem:s19], $0x2800  }
0x139: {  	_ =	swait.ge [sflag:s28], $0x2800  }
0x13a: {  	s16 =	sadd.s32 $0x1, s16;
	s19 =	rddreg [dreg:$0xa]  }
0x13b: {  	p0 =	sne.s32 s16, s19  }
.Ltmp4:
0x13c: {  	_ = 	snop;
	(pc) =	sbr.rel @p0 .LBB2_1-.Ltmp4, $3  }
0x13d: {  	_ =	sdelay $0x1  }
0x13e: {  	[sflag:s28] =	ssyncset.done $0x0  }
0x13f: {  	[sflag:s28] =	ssyncadd.s32 $0xFFFFD800  }
0x140: {  	_ =	sfence.sel $0x180000  }
0x141: {  	[bflag:$0x0] =	sbarrier.arrive $0xFFFF  }
0x142: {  	_ =	strace $0x9000004D  }
0x143: {  	s0 =	stileid.u32;
	[bflag:$0x2] =	sbarrier.arrive $0xFFFF  }
0x144: {  	p0 =	sne.s32 s0, $0x0;
	s0 =	rddreg [dreg:$0x4]  }
0x145: {  	s0 =	sadd.s32 @!p0 $0x100000, s0  }
0x146: {  	[sflag:s0] =	ssyncadd.tile.s32 @!p0 $0x1;
	_ =	shalt  }
.Lfunc_end2:
_tile_overlayer_lowered:
.L_overlay_start_2:
0x147: {  	(tag) =	ssettag $0x2  }
0x148: {  	s0 =	rddreg [dreg:$0x0];
	s2 =	stileid.u32  }
0x149: {  	s1 =	rddreg [dreg:$0x1];
	p0 =	sne.s32 s2, $0x0  }
0x14a: {  	s3 =	rddreg [dreg:$0x2];
	[bflag:$0x3] =	sbarrier.arrive $0xFFFF;
	s2 =	simm.s32 @!p0 $0x1C06  }
0x14b: {  	[timem:s3], [sflag:s2] =	dma.local @!p0 [hbm:s0], s1  }
0x14c: {  	s0 =	simm.s32 @!p0 $0x6  }
0x14d: {  	_ =	swait.ge @!p0 [sflag:s0], s1  }
0x14e: {  	s1 =	ssub.s32 @!p0 $0x0, s1;
	[sflag:s0] =	ssyncset.done @!p0 $0x0  }
0x14f: {  	[sflag:s0] =	ssyncadd.s32 @!p0 s1  }
0x150: {  	[bflag:$0x3] =	sbarrier.arrive $0xFFFF  }
0x151: {  	_ =	shalt  }

// kernel: kernel.7.cloned.1.call-start
scs
__scs_entry_jumppad:
0x0: {  	(pc) =	sbr.rel $0x88, $3  }
0x1: {  	(tag) =	ssettag $0x0;
	lr =	simm.s32 $0x1  }
0x2: {  	[smem:$0x3F96] =	sst lr;
	_ =	strace $0xD0000000  }
0x3: {  	_ = 	snop  }
0x4: {  	_ = 	snop  }
0x5: {  	_ = 	snop  }
0x6: {  	_ = 	snop  }
0x7: {  	_ = 	snop  }
__scs_overlays_trampoline_lowered:
0x8: {  	[smem:$0x3FA5] =	sst s0  }
0x9: {  	[smem:$0x3FA6] =	sst s1  }
0xa: {  	[smem:$0x3FA7] =	sst s2  }
0xb: {  	[smem:$0x3FA8] =	sst s3  }
0xc: {  	[smem:$0x3FA9] =	sst s4  }
0xd: {  	[smem:$0x3FAA] =	sst s5  }
0xe: {  	[smem:$0x3FAB] =	sst s6  }
0xf: {  	[smem:$0x3FAC] =	sst s7  }
0x10: {  	[smem:$0x3FAD] =	sst s8  }
0x11: {  	[smem:$0x3FAE] =	sst s9;
	s0 =	simm.s32 @!p0 $0x0  }
0x12: {  	s1 =	sld [smem:$0x3F94];
	s0 =	simm.s32 @p0 $0x1  }
0x13: {  	[smem:$0x3FAF] =	sst s0;
	s0 =	simm.s32 @!p1 $0x0  }
0x14: {  	s2 =	sld [smem:$0x3F93];
	s0 =	simm.s32 @p1 $0x1  }
0x15: {  	[smem:$0x3FB0] =	sst s0;
	s0 =	simm.s32 @!p2 $0x0  }
0x16: {  	s3 =	sld [smem:$0x3FDB];
	s0 =	simm.s32 @p2 $0x1  }
0x17: {  	s4 =	simm.s32 $0x1BF5;
	[smem:$0x3FB2] =	sst s0  }
0x18: {  	s0 =	sld [smem:$0x3F95];
	_ =	swait.ge [sflag:s4], $0x0  }
0x19: {  	s7 =	sld [smem:$0x3F96]  }
0x1a: {  	s8 =	sadd.s32 $0xFFFFE003, lr  }
0x1b: {  	s9 =	sadd.s32 $0xFFFFFEF7, lr;
	s5 =	simm.s32 $0xFFFFFFFF;
	p2 =	slt.u32 s8, $0xFFFFF086  }
0x1c: {  	p1 =	slt.u32 s9, $0xF7A;
	s5 =	simm.s32 @!p2 $0x0  }
0x1d: {  	s5 =	simm.s32 @p1 $0x1;
	p0 =	seq.s32 s7, s2  }
0x1e: {  	s7 =	smul.u32 @!p0 $0xF7A, s2;
	p2 =	seq.s32 @!p0 s5, $0x0  }
0x1f: {  	s9 =	smul.u32 $0xF7A, s1;
	s8 =	simm.s32 @!p0 $0x1BF5;
	p2 =	por !p2, p0  }
0x20: {  	[sflag:s8] =	ssyncset.s32 @!p0 $0xFFFFF086;
	s6 =	sadd.s32 @!p0 s3, s7;
	s7 =	simm.s32 @!p0 $0x108  }
0x21: {  	s3 =	sadd.s32 s3, s9;
	s6 =	sadd.s32 @!p0 $0x88, s6;
	s7 =	simm.s32 @p2 $0x1082  }
0x22: {  	[simem:s7], [sflag:s8] =	dma.local @!p0 [hbm:s6], $0xF7A  }
0x23: {  	s9 =	sor.u32 $0xD0000000, s2;
	s6 =	simm.s32 $0x108;
	_ =	swait.ge @!p0 [sflag:s8], $0x0  }
0x24: {  	s3 =	sadd.s32 $0x88, s3;
	s6 =	simm.s32 @!p1 $0x1082;
	[sflag:s4] =	ssyncset.s32 $0xFFFFF086  }
0x25: {  	[simem:s6], [sflag:s4] =	dma.local [hbm:s3], $0xF7A  }
0x26: {  	[smem:$0x3F96] =	sst s1;
	(tag) =	ssettag s2;
	_ =	strace s9  }
0x27: {  	s1 =	sld [smem:$0x3FA6]  }
0x28: {  	s2 =	sld [smem:$0x3FA7]  }
0x29: {  	s4 =	sld [smem:$0x3FA9]  }
0x2a: {  	p0 =	seq.s32 s5, $0x0;
	s5 =	sld [smem:$0x3FAA]  }
0x2b: {  	s6 =	sld [smem:$0x3FAB]  }
0x2c: {  	s7 =	sld [smem:$0x3FAC]  }
0x2d: {  	s3 =	simm.s32 $0x108;
	s8 =	sld [smem:$0x3FAD]  }
0x2e: {  	s3 =	simm.s32 @!p0 $0x1082;
	s9 =	sld [smem:$0x3FAE]  }
0x2f: {  	lr =	sadd.s32 s0, s3;
	s0 =	sld [smem:$0x3FA5]  }
0x30: {  	s3 =	sld [smem:$0x3FA8]  }
0x31: {  	[smem:$0x3FB1] =	sst s10  }
0x32: {  	s10 =	sld [smem:$0x3FAF];
	_ =	sdelay $0x3  }
0x33: {  	p0 =	seq.s32 s10, $0x1;
	s10 =	sld [smem:$0x3FB1];
	_ =	sdelay $0x3  }
0x34: {  	[smem:$0x3FB1] =	sst s10  }
0x35: {  	s10 =	sld [smem:$0x3FB0];
	_ =	sdelay $0x3  }
0x36: {  	p1 =	seq.s32 s10, $0x1;
	s10 =	sld [smem:$0x3FB1];
	_ =	sdelay $0x3  }
0x37: {  	[smem:$0x3FB1] =	sst s10  }
0x38: {  	s10 =	sld [smem:$0x3FB2]  }
0x39: {  	_ = 	snop;
	(pc) =	sbr.ind lr, $3  }
0x3a: {  	_ = 	snop  }
0x3b: {  	_ = 	snop  }
0x3c: {  	p2 =	seq.s32 s10, $0x1;
	s10 =	sld [smem:$0x3FB1]  }
0x3d: {  	_ =	shalt  }
0x3e: {  	_ =	shalt  }
0x3f: {  	_ =	shalt  }
0x40: {  	_ =	shalt  }
0x41: {  	_ =	shalt  }
0x42: {  	_ =	shalt  }
0x43: {  	_ =	shalt  }
0x44: {  	_ =	shalt  }
0x45: {  	_ =	shalt  }
0x46: {  	_ =	shalt  }
0x47: {  	_ =	shalt  }
0x48: {  	_ =	shalt  }
0x49: {  	_ =	shalt  }
0x4a: {  	_ =	shalt  }
0x4b: {  	_ =	shalt  }
0x4c: {  	_ =	shalt  }
0x4d: {  	_ =	shalt  }
0x4e: {  	_ =	shalt  }
0x4f: {  	_ =	shalt  }
0x50: {  	_ =	shalt  }
0x51: {  	_ =	shalt  }
0x52: {  	_ =	shalt  }
0x53: {  	_ =	shalt  }
0x54: {  	_ =	shalt  }
0x55: {  	_ =	shalt  }
0x56: {  	_ =	shalt  }
0x57: {  	_ =	shalt  }
0x58: {  	_ =	shalt  }
0x59: {  	_ =	shalt  }
0x5a: {  	_ =	shalt  }
0x5b: {  	_ =	shalt  }
0x5c: {  	_ =	shalt  }
0x5d: {  	_ =	shalt  }
0x5e: {  	_ =	shalt  }
0x5f: {  	_ =	shalt  }
0x60: {  	_ =	shalt  }
0x61: {  	_ =	shalt  }
0x62: {  	_ =	shalt  }
0x63: {  	_ =	shalt  }
0x64: {  	_ =	shalt  }
0x65: {  	_ =	shalt  }
0x66: {  	_ =	shalt  }
0x67: {  	_ =	shalt  }
0x68: {  	_ =	shalt  }
0x69: {  	_ =	shalt  }
0x6a: {  	_ =	shalt  }
0x6b: {  	_ =	shalt  }
0x6c: {  	_ =	shalt  }
0x6d: {  	_ =	shalt  }
0x6e: {  	_ =	shalt  }
0x6f: {  	_ =	shalt  }
0x70: {  	_ =	shalt  }
0x71: {  	_ =	shalt  }
0x72: {  	_ =	shalt  }
0x73: {  	_ =	shalt  }
0x74: {  	_ =	shalt  }
0x75: {  	_ =	shalt  }
0x76: {  	_ =	shalt  }
0x77: {  	_ =	shalt  }
0x78: {  	_ =	shalt  }
0x79: {  	_ =	shalt  }
0x7a: {  	_ =	shalt  }
0x7b: {  	_ =	shalt  }
0x7c: {  	_ =	shalt  }
0x7d: {  	_ =	shalt  }
0x7e: {  	_ =	shalt  }
0x7f: {  	_ =	shalt  }
0x80: {  	_ =	shalt  }
0x81: {  	_ =	shalt  }
0x82: {  	_ =	shalt  }
0x83: {  	_ =	shalt  }
0x84: {  	_ =	shalt  }
0x85: {  	_ =	shalt  }
0x86: {  	_ =	shalt  }
0x87: {  	_ =	shalt  }
.Lfunc_end0:
.L_simem_size_0:
called_computation_lowered:
.L_overlay_start_0:
0x88: {  	s2 =	sld [smem:$0x3FD9]  }
0x89: {  	s3 =	sld [smem:$0x3FFE];
	_ =	sdelay $0x1  }
0x8a: {  	s1 =	srdreg.scid  }
0x8b: {  	s0 =	sand.u32 $0x1, s1  }
0x8c: {  	s14 =	sshll.u32 s0, $0xA;
	s2 =	sadd.s32 s3, s2  }
0x8d: {  	s2 =	sadd.s32 s2, s14  }
0x8e: {  	[smem:$0x3FBD] =	sst s2  }
0x8f: {  	_ = 	snop  }
0x90: {  	s2 =	sld [smem:$0x3FD0];
	_ =	sdelay $0x2  }
0x91: {  	s15 =	simm.s32 $0xB;
	s4 =	simm.s32 $0x10  }
0x92: {  	[smem:s4], [sflag:s15] =	dma.local [hbm:s2], $0x1  }
0x93: {  	_ =	swait.eq [sflag:s15], $0x1  }
0x94: {  	[sflag:s15] =	ssyncset.done $0x0  }
0x95: {  	s16 =	sld [smem:$0x10];
	[sflag:s15] =	ssyncadd.s32 $0xFFFFFFFF  }
0x96: {  	s17 =	sld [smem:$0x11];
	(tm) =	ssettm $0x1  }
0x97: {  	s18 =	sld [smem:$0x3FFB];
	_ =	sdelay $0x3  }
0x98: {  	_ =	strace s18  }
0x99: {  	s4 =	sld [smem:$0x3FFC];
	_ =	sdelay $0x3  }
0x9a: {  	_ =	strace s4  }
0x9b: {  	s4 =	sld [smem:$0x3FFD];
	_ =	sdelay $0x3  }
0x9c: {  	_ =	strace s4  }
0x9d: {  	_ =	strace $0x8FFFFFFF  }
0x9e: {  	s19 =	sld [smem:$0x3FDB];
	_ =	sdelay $0x1  }
0x9f: {  	s5 =	simm.s32 $_scs_section_size  }
0xa0: {  	s6 =	simm.s32 $_size__tile_overlayer_lowered;
	s7 =	simm.s32 $_tile_overlayer_lowered  }
0xa1: {  	s22 =	simm.s32 $0x1BFF;
	s21 =	sshll.u32 s7, $0x1;
	s4 =	sadd.s32 s5, s19  }
0xa2: {  	s8 =	simm.s32 $0x0;
	s20 =	sshll.u32 s6, $0x1;
	s6 =	sadd.s32 s21, s4  }
0xa3: {  	[timem:s8], [sflag:s22] =	dma.local [hbm:s6], s20  }
0xa4: {  	_ =	swait.ge [sflag:s22], s20  }
0xa5: {  	s5 =	ssub.s32 $0x0, s20;
	[sflag:s22] =	ssyncset.done $0x0  }
0xa6: {  	[sflag:s22] =	ssyncadd.s32 s5;
	_ =	sdelay $0x1  }
0xa7: {  	s23 =	simm.s32 $0x1B8B  }
0xa8: {  	_ =	swait.ge [sflag:s23], $0x1  }
0xa9: {  	[sflag:s23] =	ssyncset.done $0x0  }
0xaa: {  	s25 =	simm.s32 $0x1B8E;
	s24 =	sld [smem:$0x3FFE];
	[sflag:s23] =	ssyncadd.s32 $0xFFFFFFFF  }
0xab: {  	s26 =	simm.s32 $execute0_lowered;
	[smem:$0x3FD2] =	sst s25  }
0xac: {  	s6 =	sshll.u32 s26, $0x1;
	_ =	strace $0x80000046;
	[dreg:$0x1] =	wrdreg $0xFFFFFFFF  }
0xad: {  	s28 =	simm.s32 $_size_execute0_lowered;
	s4 =	sadd.s32 s4, s6;
	[dreg:$0x0] =	wrdreg $0x0  }
0xae: {  	s6 =	sshll.u32 s28, $0x1;
	[dreg:$0x2] =	wrdreg s4  }
0xaf: {  	[dreg:$0x3] =	wrdreg s6  }
0xb0: {  	[dreg:$0x4] =	wrdreg $0xC0  }
0xb1: {  	_ =	task [dreg:s8], $0x5FFFF  }
0xb2: {  	[dreg:$0x1] =	wrdreg $0xFFFFFFFF  }
0xb3: {  	[dreg:$0x0] =	wrdreg $0x60  }
0xb4: {  	[dreg:$0x2] =	wrdreg s24  }
0xb5: {  	[dreg:$0x3] =	wrdreg s17  }
0xb6: {  	[dreg:$0x4] =	wrdreg s16  }
0xb7: {  	[dreg:$0x5] =	wrdreg $0x0  }
0xb8: {  	[dreg:$0x6] =	wrdreg $0x9  }
0xb9: {  	_ =	task.clear_ibuf [dreg:s8], $0x7FFFF;
	_ =	strace $0x90000046  }
0xba: {  	s29 =	simm.s32 $0x9;
	_ =	strace $0x80000048  }
0xbb: {  	_ =	swait.ge [sflag:s29], $0x1  }
0xbc: {  	[sflag:s29] =	ssyncadd.s32 $0xFFFFFFFF  }
0xbd: {  	_ =	strace $0x90000048  }
0xbe: {  	_ =	sfence  }
0xbf: {  	s30 =	sld [smem:$0x0];
	_ =	sdelay $0x2  }
0xc0: {  	s31 =	sshll.u32 s1, $0xD;
	s1 =	sshrl.u32 s1, $0x2  }
0xc1: {  	s3 =	sand.u32 $0x4000, s31;
	s1 =	sadd.s32 s1, s30  }
0xc2: {  	s0 =	sor.u32 s3, s0;
	s1 =	sshll.u32 s1, $0x11  }
0xc3: {  	s0 =	sor.u32 s1, s0  }
0xc4: {  	s0 =	sadd.s32 $0x8F2B, s0  }
0xc5: {  	[sflag:s0] =	ssyncadd.remote.s32 $0x1  }
0xc6: {  	_ =	sfence.sel $0xFFFF  }
0xc7: {  	[dreg:$0x0] =	wrdreg $0xFFFFFFFF;
	(pc) =	sbr.abs _section_cstart, $3  }
0xc8: {  	[dreg:$0x1] =	wrdreg $0xFFFFFFFF  }
0xc9: {  	_ =	task.clear_ibuf [dreg:s8], $0x2FFFF;
	_ =	strace $0x9FFFFFFF  }
0xca: {  	(tm) =	ssettm $0x7FFFFFFF  }
0xcb: {  	_ =	shalt  }
tec
execute0_lowered:
.L_overlay_start_1:
0x0: {  	(tag) =	ssettag $0x1  }
0x1: {  	s0 =	rddreg [dreg:$0x0]  }
0x2: {  	s1 =	rddreg [dreg:$0x1]  }
0x3: {  	s3 =	srdreg.scid;
	s9 =	stileid.u32  }
0x4: {  	s6 =	rddreg [dreg:$0x2];
	s5 =	sand.u32 $0x1, s3;
	s7 =	smul.u32 $0x14000, s9  }
0x5: {  	s2 =	rddreg [dreg:$0x3];
	s4 =	smul.u32 $0x140000, s5;
	s8 =	sshll.u32 s5, $0x4  }
0x6: {  	s3 =	simm.s32 $0x0;
	s8 =	sor.u32 s9, s8;
	s9 =	smul.u32 $0x50000, s9  }
0x7: {  	[smem:$0x7FF] =	sst s3;
	s5 =	ssub.s32 $0x2, s5;
	s8 =	smul.u32 $0x2800, s8  }
0x8: {  	_ =	strace $0x80000047;
	s25 =	sshrl.u32 s5, $0x1;
	s4 =	sadd.s32 s7, s4  }
0x9: {  	s10 =	sshrl.u32 s4, $0x3;
	s4 =	sadd.s32 $0xDC00, s0;
	s8 =	sshrl.u32 s8, $0x3  }
0xa: {  	s9 =	sshrl.u32 s9, $0x2;
	s0 =	sadd.s32 s10, s0;
	s11 =	sadd.s32 s1, s8  }
0xb: {  	s26 =	sadd.s32 $0x280, s8;
	s8 =	sadd.s32 s6, s8;
	[dreg:$0x5] =	wrdreg s11  }
0xc: {  	s10 =	ssub.s32 s5, s25;
	s0 =	sadd.s32 $0x35C00, s0;
	[dreg:$0x6] =	wrdreg s8  }
0xd: {  	s5 =	sadd.s32 s9, s2;
	s13 =	smax.u32 s10, $0x1;
	[dreg:$0x9] =	wrdreg s0  }
0xe: {  	s14 =	sadd.s32 $0x800, s5;
	[dreg:$0xa] =	wrdreg s13  }
0xf: {  	s15 =	sadd.s32 $0x1000, s5;
	[dreg:$0xb] =	wrdreg s14  }
0x10: {  	s16 =	sadd.s32 $0x1800, s5;
	[dreg:$0xc] =	wrdreg s15  }
0x11: {  	s17 =	sadd.s32 $0x2000, s5;
	[dreg:$0xd] =	wrdreg s16  }
0x12: {  	s18 =	sadd.s32 $0x2800, s5;
	[dreg:$0xe] =	wrdreg s17  }
0x13: {  	s19 =	sadd.s32 $0x3000, s5;
	[dreg:$0xf] =	wrdreg s18  }
0x14: {  	s20 =	sadd.s32 $0x3800, s5;
	[dreg:$0x10] =	wrdreg s19  }
0x15: {  	s21 =	sadd.s32 $0x4000, s5;
	[dreg:$0x11] =	wrdreg s20  }
0x16: {  	s22 =	sadd.s32 $0x4800, s5;
	[dreg:$0x12] =	wrdreg s21  }
0x17: {  	s23 =	sadd.s32 $0x5000, s5;
	[dreg:$0x13] =	wrdreg s22  }
0x18: {  	s24 =	sadd.s32 $0x5800, s5;
	[dreg:$0x14] =	wrdreg s23  }
0x19: {  	s25 =	sadd.s32 $0x6000, s5;
	[dreg:$0x15] =	wrdreg s24  }
0x1a: {  	s12 =	sadd.s32 s7, s2;
	s7 =	sadd.s32 $0x7800, s5;
	[dreg:$0x16] =	wrdreg s25  }
0x1b: {  	s9 =	sadd.s32 $0x8800, s5;
	[dreg:$0x1a] =	wrdreg s7  }
0x1c: {  	s10 =	sadd.s32 $0x9000, s5;
	[dreg:$0x1c] =	wrdreg s9  }
0x1d: {  	s1 =	sadd.s32 s1, s26;
	[dreg:$0x1d] =	wrdreg s10  }
0x1e: {  	s11 =	sadd.s32 s6, s26;
	[dreg:$0x7] =	wrdreg s1  }
0x1f: {  	s26 =	sadd.s32 $0x6800, s5;
	[dreg:$0x8] =	wrdreg s11  }
0x20: {  	s0 =	sshrl.u32 s12, $0x3;
	[dreg:$0x17] =	wrdreg s26  }
0x21: {  	s6 =	sadd.s32 $0x7000, s5;
	[dreg:$0x18] =	wrdreg s0  }
0x22: {  	s8 =	sadd.s32 $0x8000, s5;
	[dreg:$0x19] =	wrdreg s6  }
0x23: {  	s12 =	sadd.s32 $0xA000, s5;
	[dreg:$0x1b] =	wrdreg s8  }
0x24: {  	s13 =	sadd.s32 $0xA800, s5;
	[dreg:$0x1f] =	wrdreg s12  }
0x25: {  	s14 =	sadd.s32 $0xB000, s5;
	[smem:$0x7F0] =	sst s13  }
0x26: {  	s15 =	sadd.s32 $0xB800, s5;
	[smem:$0x7F1] =	sst s14  }
0x27: {  	s16 =	sadd.s32 $0xC000, s5;
	[smem:$0x7F2] =	sst s15  }
0x28: {  	s17 =	sadd.s32 $0xC800, s5;
	[smem:$0x7F3] =	sst s16  }
0x29: {  	s28 =	simm.s32 $0x6;
	s18 =	sadd.s32 $0xD000, s5;
	[smem:$0x7F4] =	sst s17  }
0x2a: {  	s29 =	simm.s32 $0x15400;
	s19 =	sadd.s32 $0xD800, s5;
	[smem:$0x7F5] =	sst s18  }
0x2b: {  	s30 =	simm.s32 $0x80;
	s20 =	sadd.s32 $0xE000, s5;
	[smem:$0x7F6] =	sst s19  }
0x2c: {  	s31 =	simm.s32 $0x16800;
	s21 =	sadd.s32 $0xE800, s5;
	[smem:$0x7F7] =	sst s20  }
0x2d: {  	s22 =	sadd.s32 $0xF000, s5;
	s23 =	sadd.s32 $0xF800, s5;
	[smem:$0x7F8] =	sst s21  }
0x2e: {  	s24 =	sadd.s32 $0x10000, s5;
	s25 =	sadd.s32 $0x10800, s5;
	[smem:$0x7F9] =	sst s22  }
0x2f: {  	s7 =	simm.s32 $0x1;
	s9 =	simm.s32 $0x14100;
	[smem:$0x7FA] =	sst s23  }
0x30: {  	s10 =	simm.s32 $0x2;
	s11 =	sadd.s32 $0x9800, s5;
	[smem:$0x7FB] =	sst s24  }
0x31: {  	[smem:$0x7FC] =	sst s25;
	s26 =	sadd.s32 $0x11000, s5;
	s20 =	sadd.s32 $0x11800, s5  }
0x32: {  	s21 =	sadd.s32 $0x12000, s5;
	s22 =	sadd.s32 $0x12800, s5;
	s23 =	sadd.s32 $0x13000, s5  }
0x33: {  	s24 =	sadd.s32 $0x13800, s5;
	s25 =	simm.s32 $0x1E800;
	s0 =	simm.s32 $0x5  }
0x34: {  	s1 =	simm.s32 $0x14080;
	s6 =	simm.s32 $0x1A800;
	s8 =	simm.s32 $0x3  }
0x35: {  	s12 =	simm.s32 $0x4;
	s13 =	simm.s32 $0x15380;
	s14 =	simm.s32 $0x16700  }
0x36: {  	s15 =	simm.s32 $0x16780;
	s16 =	simm.s32 $0x0;
	[dreg:$0x1e] =	wrdreg s11  }
0x37: {  	v0 =	vimm.f32 $0.0e+00;
	[smem:$0x7FD] =	sst s26;
	s26 =	simm.s32 $0x14000;
	s11 =	simm.s32 $0x15480  }
.LBB2_1:
0x38: {  	s17 =	simm.s32 $0x0;
	s18 =	simm.s32 $0x200  }
.LBB2_2:
0x39: {  	p0 =	sne.s32 s18, $0x1E00;
	[tilespmem:s17+$0x1E870] =	vst v0  }
0x3a: {  	[tilespmem:s17+$0x1E800] =	vst v0  }
0x3b: {  	[tilespmem:s17+$0x1E810] =	vst v0  }
.Ltmp0:
0x3c: {  	[tilespmem:s17+$0x1E820] =	vst v0;
	(pc) =	sbr.rel @p0 .LBB2_2-.Ltmp0, $4  }
0x3d: {  	[tilespmem:s17+$0x1E830] =	vst v0  }
0x3e: {  	[tilespmem:s17+$0x1E840] =	vst v0  }
0x3f: {  	[tilespmem:s17+$0x1E850] =	vst v0  }
0x40: {  	[tilespmem:s17+$0x1E860] =	vst v0;
	s17 =	sshra.s32 s18, $0x2;
	s18 =	sadd.s32 $0x200, s18  }
0x41: {  	[tilespmem:s17+$0x1E870] =	vst v0  }
0x42: {  	[tilespmem:s17+$0x1E800] =	vst v0  }
0x43: {  	[tilespmem:s17+$0x1E810] =	vst v0  }
0x44: {  	[tilespmem:s17+$0x1E820] =	vst v0  }
0x45: {  	[tilespmem:s17+$0x1E830] =	vst v0  }
0x46: {  	[tilespmem:s17+$0x1E840] =	vst v0  }
0x47: {  	[tilespmem:s17+$0x1E850] =	vst v0  }
0x48: {  	[tilespmem:s17+$0x1E860] =	vst v0;
	s18 =	rddreg [dreg:$0xb]  }
0x49: {  	[spmem:s5] =	stream.linear.scatter [tilespmem:s25], [sflag:$0x5], $0x800, $0x38;
	[tilespmem:$0x1F000] =	vst v63  }
0x4a: {  	s19 =	rddreg [dreg:$0xc]  }
0x4b: {  	[spmem:s18] =	stream.linear.scatter [tilespmem:s25], [sflag:$0x5], $0x800, $0x38;
	[tilespmem:$0x1F000] =	vst v63  }
0x4c: {  	s18 =	rddreg [dreg:$0xd]  }
0x4d: {  	[spmem:s19] =	stream.linear.scatter [tilespmem:s25], [sflag:$0x5], $0x800, $0x38;
	[tilespmem:$0x1F000] =	vst v63  }
0x4e: {  	s19 =	rddreg [dreg:$0xe]  }
0x4f: {  	[spmem:s18] =	stream.linear.scatter [tilespmem:s25], [sflag:$0x5], $0x800, $0x38;
	[tilespmem:$0x1F000] =	vst v63  }
0x50: {  	s18 =	rddreg [dreg:$0xf]  }
0x51: {  	[spmem:s19] =	stream.linear.scatter [tilespmem:s25], [sflag:$0x5], $0x800, $0x38;
	[tilespmem:$0x1F000] =	vst v63  }
0x52: {  	s19 =	rddreg [dreg:$0x10]  }
0x53: {  	[spmem:s18] =	stream.linear.scatter [tilespmem:s25], [sflag:$0x5], $0x800, $0x38;
	[tilespmem:$0x1F000] =	vst v63  }
0x54: {  	s18 =	rddreg [dreg:$0x11]  }
0x55: {  	[spmem:s19] =	stream.linear.scatter [tilespmem:s25], [sflag:$0x5], $0x800, $0x38;
	[tilespmem:$0x1F000] =	vst v63  }
0x56: {  	s19 =	rddreg [dreg:$0x12]  }
0x57: {  	[spmem:s18] =	stream.linear.scatter [tilespmem:s25], [sflag:$0x5], $0x800, $0x38;
	[tilespmem:$0x1F000] =	vst v63  }
0x58: {  	s18 =	rddreg [dreg:$0x13]  }
0x59: {  	[spmem:s19] =	stream.linear.scatter [tilespmem:s25], [sflag:$0x5], $0x800, $0x38;
	[tilespmem:$0x1F000] =	vst v63  }
0x5a: {  	s19 =	rddreg [dreg:$0x14]  }
0x5b: {  	[spmem:s18] =	stream.linear.scatter [tilespmem:s25], [sflag:$0x5], $0x800, $0x38;
	[tilespmem:$0x1F000] =	vst v63  }
0x5c: {  	s18 =	rddreg [dreg:$0x15]  }
0x5d: {  	[spmem:s19] =	stream.linear.scatter [tilespmem:s25], [sflag:$0x5], $0x800, $0x38;
	[tilespmem:$0x1F000] =	vst v63  }
0x5e: {  	s19 =	rddreg [dreg:$0x16]  }
0x5f: {  	[spmem:s18] =	stream.linear.scatter [tilespmem:s25], [sflag:$0x5], $0x800, $0x38;
	[tilespmem:$0x1F000] =	vst v63  }
0x60: {  	s18 =	rddreg [dreg:$0x17]  }
0x61: {  	[spmem:s19] =	stream.linear.scatter [tilespmem:s25], [sflag:$0x5], $0x800, $0x38;
	[tilespmem:$0x1F000] =	vst v63  }
0x62: {  	s19 =	rddreg [dreg:$0x19]  }
0x63: {  	[spmem:s18] =	stream.linear.scatter [tilespmem:s25], [sflag:$0x5], $0x800, $0x38;
	[tilespmem:$0x1F000] =	vst v63  }
0x64: {  	s18 =	rddreg [dreg:$0x1a]  }
0x65: {  	[spmem:s19] =	stream.linear.scatter [tilespmem:s25], [sflag:$0x5], $0x800, $0x38;
	[tilespmem:$0x1F000] =	vst v63  }
0x66: {  	s19 =	rddreg [dreg:$0x1b]  }
0x67: {  	[spmem:s18] =	stream.linear.scatter [tilespmem:s25], [sflag:$0x5], $0x800, $0x38;
	[tilespmem:$0x1F000] =	vst v63  }
0x68: {  	s18 =	rddreg [dreg:$0x1c]  }
0x69: {  	[spmem:s19] =	stream.linear.scatter [tilespmem:s25], [sflag:$0x5], $0x800, $0x38;
	[tilespmem:$0x1F000] =	vst v63  }
0x6a: {  	s19 =	rddreg [dreg:$0x1d]  }
0x6b: {  	[spmem:s18] =	stream.linear.scatter [tilespmem:s25], [sflag:$0x5], $0x800, $0x38;
	[tilespmem:$0x1F000] =	vst v63  }
0x6c: {  	s18 =	rddreg [dreg:$0x1e]  }
0x6d: {  	[spmem:s19] =	stream.linear.scatter [tilespmem:s25], [sflag:$0x5], $0x800, $0x38;
	[tilespmem:$0x1F000] =	vst v63  }
0x6e: {  	s19 =	rddreg [dreg:$0x1f]  }
0x6f: {  	[spmem:s18] =	stream.linear.scatter [tilespmem:s25], [sflag:$0x5], $0x800, $0x38;
	[tilespmem:$0x1F000] =	vst v63  }
0x70: {  	s18 =	sld [smem:$0x7F0]  }
0x71: {  	[spmem:s19] =	stream.linear.scatter [tilespmem:s25], [sflag:$0x5], $0x800, $0x38;
	[tilespmem:$0x1F000] =	vst v63  }
0x72: {  	s19 =	sld [smem:$0x7F1]  }
0x73: {  	[spmem:s18] =	stream.linear.scatter [tilespmem:s25], [sflag:$0x5], $0x800, $0x38;
	[tilespmem:$0x1F000] =	vst v63  }
0x74: {  	s18 =	sld [smem:$0x7F2]  }
0x75: {  	[spmem:s19] =	stream.linear.scatter [tilespmem:s25], [sflag:$0x5], $0x800, $0x38;
	[tilespmem:$0x1F000] =	vst v63  }
0x76: {  	s19 =	sld [smem:$0x7F3]  }
0x77: {  	[spmem:s18] =	stream.linear.scatter [tilespmem:s25], [sflag:$0x5], $0x800, $0x38;
	[tilespmem:$0x1F000] =	vst v63  }
0x78: {  	s18 =	sld [smem:$0x7F4]  }
0x79: {  	[spmem:s19] =	stream.linear.scatter [tilespmem:s25], [sflag:$0x5], $0x800, $0x38;
	[tilespmem:$0x1F000] =	vst v63  }
0x7a: {  	s19 =	sld [smem:$0x7F5]  }
0x7b: {  	[spmem:s18] =	stream.linear.scatter [tilespmem:s25], [sflag:$0x5], $0x800, $0x38;
	[tilespmem:$0x1F000] =	vst v63  }
0x7c: {  	s18 =	sld [smem:$0x7F6]  }
0x7d: {  	[spmem:s19] =	stream.linear.scatter [tilespmem:s25], [sflag:$0x5], $0x800, $0x38;
	[tilespmem:$0x1F000] =	vst v63  }
0x7e: {  	s19 =	sld [smem:$0x7F7]  }
0x7f: {  	[spmem:s18] =	stream.linear.scatter [tilespmem:s25], [sflag:$0x5], $0x800, $0x38;
	[tilespmem:$0x1F000] =	vst v63  }
0x80: {  	s18 =	sld [smem:$0x7F8]  }
0x81: {  	[spmem:s19] =	stream.linear.scatter [tilespmem:s25], [sflag:$0x5], $0x800, $0x38;
	[tilespmem:$0x1F000] =	vst v63  }
0x82: {  	s19 =	sld [smem:$0x7F9]  }
0x83: {  	[spmem:s18] =	stream.linear.scatter [tilespmem:s25], [sflag:$0x5], $0x800, $0x38;
	[tilespmem:$0x1F000] =	vst v63  }
0x84: {  	s18 =	sld [smem:$0x7FA]  }
0x85: {  	[spmem:s19] =	stream.linear.scatter [tilespmem:s25], [sflag:$0x5], $0x800, $0x38;
	[tilespmem:$0x1F000] =	vst v63  }
0x86: {  	s19 =	sld [smem:$0x7FB]  }
0x87: {  	[spmem:s18] =	stream.linear.scatter [tilespmem:s25], [sflag:$0x5], $0x800, $0x38;
	[tilespmem:$0x1F000] =	vst v63  }
0x88: {  	s18 =	sld [smem:$0x7FC]  }
0x89: {  	[spmem:s19] =	stream.linear.scatter [tilespmem:s25], [sflag:$0x5], $0x800, $0x38;
	[tilespmem:$0x1F000] =	vst v63  }
0x8a: {  	s19 =	sld [smem:$0x7FD]  }
0x8b: {  	[spmem:s18] =	stream.linear.scatter [tilespmem:s25], [sflag:$0x5], $0x800, $0x38;
	[tilespmem:$0x1F000] =	vst v63  }
0x8c: {  	_ = 	snop  }
0x8d: {  	[spmem:s19] =	stream.linear.scatter [tilespmem:s25], [sflag:$0x5], $0x800, $0x38;
	[tilespmem:$0x1F000] =	vst v63  }
0x8e: {  	_ = 	snop  }
0x8f: {  	[spmem:s20] =	stream.linear.scatter [tilespmem:s25], [sflag:$0x5], $0x800, $0x38;
	[tilespmem:$0x1F000] =	vst v63  }
0x90: {  	_ = 	snop  }
0x91: {  	[spmem:s21] =	stream.linear.scatter [tilespmem:s25], [sflag:$0x5], $0x800, $0x38;
	[tilespmem:$0x1F000] =	vst v63  }
0x92: {  	_ = 	snop  }
0x93: {  	[spmem:s22] =	stream.linear.scatter [tilespmem:s25], [sflag:$0x5], $0x800, $0x38;
	[tilespmem:$0x1F000] =	vst v63  }
0x94: {  	_ = 	snop  }
0x95: {  	[spmem:s23] =	stream.linear.scatter [tilespmem:s25], [sflag:$0x5], $0x800, $0x38;
	[tilespmem:$0x1F000] =	vst v63  }
0x96: {  	_ = 	snop  }
0x97: {  	[spmem:s24] =	stream.linear.scatter [tilespmem:s25], [sflag:$0x5], $0x800, $0x38;
	[tilespmem:$0x1F000] =	vst v63  }
0x98: {  	s18 =	rddreg [dreg:$0x5]  }
0x99: {  	[tilespmem:s26], [sflag:$0x6] =	stream.linear.gather [hbm4b:s18+s3], $0x1400, $0x38;
	[tilespmem:$0x1F000] =	vst v63  }
0x9a: {  	_ =	swait.ge [sflag:s28], $0x1400  }
0x9b: {  	[sflag:s28] =	ssyncset.done $0x0  }
0x9c: {  	s19 =	rddreg [dreg:$0x6];
	[sflag:s28] =	ssyncadd.s32 $0xFFFFEC00  }
0x9d: {  	[tilespmem:s29], [sflag:$0x6] =	stream.linear.gather [hbm4b:s19+s3], $0x1400, $0x38;
	[tilespmem:$0x1F000] =	vst v63  }
0x9e: {  	_ =	swait.ge [sflag:s28], $0x1400  }
0x9f: {  	[sflag:s28] =	ssyncset.done $0x0  }
0xa0: {  	[sflag:s28] =	ssyncadd.s32 $0xFFFFEC00  }
0xa1: {  	[tilespmem:s31], [sflag:$0x1] =	stream.indirect.gather [hbm4b:s4+s30], $0x80, s26, s30, $0xb8;
	[tilespmem:$0x1F000] =	vst v63  }
0xa2: {  	_ =	swait.ge [sflag:s0], $0x800  }
0xa3: {  	s17 =	simm.s32 $0x27;
	[sflag:s0] =	ssyncset.done $0x0  }
.LBB2_4:
0xa4: {  	p0 =	sne.s32 s17, $0x1;
	s17 =	sadd.s32 $0xFFFFFFFF, s17;
	[sflag:s0] =	ssyncadd.s32 $0xFFFFF800  }
.Ltmp1:
0xa5: {  	(pc) =	sbr.rel @p0 .LBB2_4-.Ltmp1, $3  }
0xa6: {  	_ =	sdelay $0x1  }
0xa7: {  	_ =	swait.ge [sflag:s0], $0x800  }
0xa8: {  	[sflag:s0] =	ssyncset.done $0x0  }
0xa9: {  	[sflag:s0] =	ssyncadd.s32 $0xFFFFF800  }
0xaa: {  	[bflag:$0x0] =	sbarrier.arrive $0xFFFF  }
0xab: {  	[tilespmem:s6], [sflag:$0x2] =	stream.indirect.gather [hbm4b:s4+s30], $0x80, s1, s30, $0xb8;
	[tilespmem:$0x1F000] =	vst v63  }
0xac: {  	_ =	swait.ge [sflag:s7], $0x4000  }
0xad: {  	[sflag:s7] =	ssyncset.done $0x0  }
0xae: {  	[sflag:s7] =	ssyncadd.s32 $0xFFFFC000  }
0xaf: {  	[spmem:s2] =	stream.indirect.scatter.add.f32 [tilespmem:s31], [sflag:$0x3], $0x80, s29, s30, $0xb8;
	[tilespmem:$0x1F000] =	vst v63  }
0xb0: {  	_ =	swait.ge [sflag:s8], $0x4000  }
0xb1: {  	[sflag:s8] =	ssyncset.done $0x0  }
0xb2: {  	[sflag:s8] =	ssyncadd.s32 $0xFFFFC000  }
0xb3: {  	[tilespmem:s31], [sflag:$0x1] =	stream.indirect.gather [hbm4b:s4+s30], $0x80, s9, s30, $0xb8;
	[tilespmem:$0x1F000] =	vst v63  }
0xb4: {  	_ =	swait.ge [sflag:s10], $0x4000  }
0xb5: {  	[sflag:s10] =	ssyncset.done $0x0  }
0xb6: {  	[sflag:s10] =	ssyncadd.s32 $0xFFFFC000  }
0xb7: {  	[spmem:s2] =	stream.indirect.scatter.add.f32 [tilespmem:s6], [sflag:$0x4], $0x80, s11, s30, $0xb8;
	[tilespmem:$0x1F000] =	vst v63  }
0xb8: {  	_ =	swait.ge [sflag:s12], $0x4000  }
0xb9: {  	[sflag:s12] =	ssyncset.done $0x0  }
0xba: {  	s17 =	simm.s32 $0x14180;
	[sflag:s12] =	ssyncadd.s32 $0xFFFFC000  }
0xbb: {  	[tilespmem:s6], [sflag:$0x2] =	stream.indirect.gather [hbm4b:s4+s30], $0x80, s17, s30, $0xb8;
	[tilespmem:$0x1F000] =	vst v63  }
0xbc: {  	_ =	swait.ge [sflag:s7], $0x4000  }
0xbd: {  	[sflag:s7] =	ssyncset.done $0x0  }
0xbe: {  	s18 =	simm.s32 $0x15500;
	[sflag:s7] =	ssyncadd.s32 $0xFFFFC000  }
0xbf: {  	[spmem:s2] =	stream.indirect.scatter.add.f32 [tilespmem:s31], [sflag:$0x3], $0x80, s18, s30, $0xb8;
	[tilespmem:$0x1F000] =	vst v63  }
0xc0: {  	_ =	swait.ge [sflag:s8], $0x4000  }
0xc1: {  	[sflag:s8] =	ssyncset.done $0x0  }
0xc2: {  	s19 =	simm.s32 $0x14200;
	[sflag:s8] =	ssyncadd.s32 $0xFFFFC000  }
0xc3: {  	[tilespmem:s31], [sflag:$0x1] =	stream.indirect.gather [hbm4b:s4+s30], $0x80, s19, s30, $0xb8;
	[tilespmem:$0x1F000] =	vst v63  }
0xc4: {  	_ =	swait.ge [sflag:s10], $0x4000  }
0xc5: {  	[sflag:s10] =	ssyncset.done $0x0  }
0xc6: {  	s17 =	simm.s32 $0xFFFFBC00;
	s18 =	simm.s32 $0x15580;
	[sflag:s10] =	ssyncadd.s32 $0xFFFFC000  }
.LBB2_6:
0xc7: {  	[spmem:s2] =	stream.indirect.scatter.add.f32 [tilespmem:s6], [sflag:$0x4], $0x80, s18, s30, $0xb8;
	[tilespmem:$0x1F000] =	vst v63  }
0xc8: {  	s18 =	smov.u32 s17  }
0xc9: {  	p0 =	sne.s32 s17, $0xFFFFFC00;
	s17 =	sadd.s32 $0x400, s17;
	_ =	swait.ge [sflag:s12], $0x4000  }
0xca: {  	s18 =	sshra.s32 s18, $0x2;
	[sflag:s12] =	ssyncset.done $0x0  }
0xcb: {  	s19 =	sadd.s32 $0x15380, s18;
	[sflag:s12] =	ssyncadd.s32 $0xFFFFC000  }
0xcc: {  	[tilespmem:s6], [sflag:$0x2] =	stream.indirect.gather [hbm4b:s4+s30], $0x80, s19, s30, $0xb8;
	[tilespmem:$0x1F000] =	vst v63  }
0xcd: {  	_ =	swait.ge [sflag:s7], $0x4000  }
0xce: {  	[sflag:s7] =	ssyncset.done $0x0  }
0xcf: {  	s19 =	sadd.s32 $0x16700, s18;
	[sflag:s7] =	ssyncadd.s32 $0xFFFFC000  }
0xd0: {  	[spmem:s2] =	stream.indirect.scatter.add.f32 [tilespmem:s31], [sflag:$0x3], $0x80, s19, s30, $0xb8;
	[tilespmem:$0x1F000] =	vst v63  }
0xd1: {  	_ =	swait.ge [sflag:s8], $0x4000  }
0xd2: {  	[sflag:s8] =	ssyncset.done $0x0  }
.Ltmp2:
0xd3: {  	s19 =	sadd.s32 $0x15400, s18;
	[sflag:s8] =	ssyncadd.s32 $0xFFFFC000;
	(pc) =	sbr.rel @p0 .LBB2_6-.Ltmp2, $4  }
0xd4: {  	[tilespmem:s31], [sflag:$0x1] =	stream.indirect.gather [hbm4b:s4+s30], $0x80, s19, s30, $0xb8;
	[tilespmem:$0x1F000] =	vst v63  }
0xd5: {  	_ =	swait.ge [sflag:s10], $0x4000  }
0xd6: {  	[sflag:s10] =	ssyncset.done $0x0  }
0xd7: {  	s18 =	sadd.s32 $0x16780, s18;
	[sflag:s10] =	ssyncadd.s32 $0xFFFFC000  }
0xd8: {  	[spmem:s2] =	stream.indirect.scatter.add.f32 [tilespmem:s6], [sflag:$0x4], $0x80, s18, s30, $0xb8;
	[tilespmem:$0x1F000] =	vst v63  }
0xd9: {  	_ =	swait.ge [sflag:s12], $0x4000  }
0xda: {  	[sflag:s12] =	ssyncset.done $0x0  }
0xdb: {  	[sflag:s12] =	ssyncadd.s32 $0xFFFFC000  }
0xdc: {  	[tilespmem:s6], [sflag:$0x2] =	stream.indirect.gather [hbm4b:s4+s30], $0x80, s13, s30, $0xb8;
	[tilespmem:$0x1F000] =	vst v63  }
0xdd: {  	_ =	swait.ge [sflag:s7], $0x4000  }
0xde: {  	[sflag:s7] =	ssyncset.done $0x0  }
0xdf: {  	[sflag:s7] =	ssyncadd.s32 $0xFFFFC000  }
0xe0: {  	[spmem:s2] =	stream.indirect.scatter.add.f32 [tilespmem:s31], [sflag:$0x3], $0x80, s14, s30, $0xb8;
	[tilespmem:$0x1F000] =	vst v63  }
0xe1: {  	_ =	swait.ge [sflag:s10], $0x4000  }
0xe2: {  	[sflag:s10] =	ssyncset.done $0x0  }
0xe3: {  	[sflag:s10] =	ssyncadd.s32 $0xFFFFC000  }
0xe4: {  	[spmem:s2] =	stream.indirect.scatter.add.f32 [tilespmem:s6], [sflag:$0x4], $0x80, s15, s30, $0xb8;
	[tilespmem:$0x1F000] =	vst v63  }
0xe5: {  	_ =	swait.ge [sflag:s8], $0x4000  }
0xe6: {  	[sflag:s8] =	ssyncset.done $0x0  }
0xe7: {  	[sflag:s8] =	ssyncadd.s32 $0xFFFFC000  }
0xe8: {  	_ =	swait.ge [sflag:s12], $0x4000  }
0xe9: {  	[sflag:s12] =	ssyncset.done $0x0  }
0xea: {  	s17 =	rddreg [dreg:$0x7];
	[sflag:s12] =	ssyncadd.s32 $0xFFFFC000  }
0xeb: {  	[tilespmem:s26], [sflag:$0x6] =	stream.linear.gather [hbm4b:s17+s3], $0x1400, $0x38;
	[tilespmem:$0x1F000] =	vst v63  }
0xec: {  	_ =	swait.ge [sflag:s28], $0x1400  }
0xed: {  	[sflag:s28] =	ssyncset.done $0x0  }
0xee: {  	s18 =	rddreg [dreg:$0x8];
	[sflag:s28] =	ssyncadd.s32 $0xFFFFEC00  }
0xef: {  	[tilespmem:s29], [sflag:$0x6] =	stream.linear.gather [hbm4b:s18+s3], $0x1400, $0x38;
	[tilespmem:$0x1F000] =	vst v63  }
0xf0: {  	_ =	swait.ge [sflag:s28], $0x1400  }
0xf1: {  	[sflag:s28] =	ssyncset.done $0x0  }
0xf2: {  	[sflag:s28] =	ssyncadd.s32 $0xFFFFEC00  }
0xf3: {  	[tilespmem:s31], [sflag:$0x1] =	stream.indirect.gather [hbm4b:s4+s30], $0x80, s26, s30, $0xb8;
	[tilespmem:$0x1F000] =	vst v63  }
0xf4: {  	_ = 	snop  }
0xf5: {  	[tilespmem:s6], [sflag:$0x2] =	stream.indirect.gather [hbm4b:s4+s30], $0x80, s1, s30, $0xb8;
	[tilespmem:$0x1F000] =	vst v63  }
0xf6: {  	_ =	swait.ge [sflag:s7], $0x4000  }
0xf7: {  	[sflag:s7] =	ssyncset.done $0x0  }
0xf8: {  	[sflag:s7] =	ssyncadd.s32 $0xFFFFC000  }
0xf9: {  	[spmem:s2] =	stream.indirect.scatter.add.f32 [tilespmem:s31], [sflag:$0x3], $0x80, s29, s30, $0xb8;
	[tilespmem:$0x1F000] =	vst v63  }
0xfa: {  	_ =	swait.ge [sflag:s8], $0x4000  }
0xfb: {  	[sflag:s8] =	ssyncset.done $0x0  }
0xfc: {  	[sflag:s8] =	ssyncadd.s32 $0xFFFFC000  }
0xfd: {  	[tilespmem:s31], [sflag:$0x1] =	stream.indirect.gather [hbm4b:s4+s30], $0x80, s9, s30, $0xb8;
	[tilespmem:$0x1F000] =	vst v63  }
0xfe: {  	_ =	swait.ge [sflag:s10], $0x4000  }
0xff: {  	[sflag:s10] =	ssyncset.done $0x0  }
0x100: {  	[sflag:s10] =	ssyncadd.s32 $0xFFFFC000  }
0x101: {  	[spmem:s2] =	stream.indirect.scatter.add.f32 [tilespmem:s6], [sflag:$0x4], $0x80, s11, s30, $0xb8;
	[tilespmem:$0x1F000] =	vst v63  }
0x102: {  	_ =	swait.ge [sflag:s12], $0x4000  }
0x103: {  	[sflag:s12] =	ssyncset.done $0x0  }
0x104: {  	s19 =	simm.s32 $0x14180;
	[sflag:s12] =	ssyncadd.s32 $0xFFFFC000  }
0x105: {  	[tilespmem:s6], [sflag:$0x2] =	stream.indirect.gather [hbm4b:s4+s30], $0x80, s19, s30, $0xb8;
	[tilespmem:$0x1F000] =	vst v63  }
0x106: {  	_ =	swait.ge [sflag:s7], $0x4000  }
0x107: {  	[sflag:s7] =	ssyncset.done $0x0  }
0x108: {  	s18 =	simm.s32 $0x15500;
	[sflag:s7] =	ssyncadd.s32 $0xFFFFC000  }
0x109: {  	[spmem:s2] =	stream.indirect.scatter.add.f32 [tilespmem:s31], [sflag:$0x3], $0x80, s18, s30, $0xb8;
	[tilespmem:$0x1F000] =	vst v63  }
0x10a: {  	_ =	swait.ge [sflag:s8], $0x4000  }
0x10b: {  	[sflag:s8] =	ssyncset.done $0x0  }
0x10c: {  	s19 =	simm.s32 $0x14200;
	[sflag:s8] =	ssyncadd.s32 $0xFFFFC000  }
0x10d: {  	[tilespmem:s31], [sflag:$0x1] =	stream.indirect.gather [hbm4b:s4+s30], $0x80, s19, s30, $0xb8;
	[tilespmem:$0x1F000] =	vst v63  }
0x10e: {  	_ =	swait.ge [sflag:s10], $0x4000  }
0x10f: {  	[sflag:s10] =	ssyncset.done $0x0  }
0x110: {  	s17 =	simm.s32 $0xFFFFBC00;
	s18 =	simm.s32 $0x15580;
	[sflag:s10] =	ssyncadd.s32 $0xFFFFC000  }
.LBB2_8:
0x111: {  	[spmem:s2] =	stream.indirect.scatter.add.f32 [tilespmem:s6], [sflag:$0x4], $0x80, s18, s30, $0xb8;
	[tilespmem:$0x1F000] =	vst v63  }
0x112: {  	s18 =	smov.u32 s17  }
0x113: {  	p0 =	sne.s32 s17, $0xFFFFFC00;
	s17 =	sadd.s32 $0x400, s17;
	_ =	swait.ge [sflag:s12], $0x4000  }
0x114: {  	s18 =	sshra.s32 s18, $0x2;
	[sflag:s12] =	ssyncset.done $0x0  }
0x115: {  	s19 =	sadd.s32 $0x15380, s18;
	[sflag:s12] =	ssyncadd.s32 $0xFFFFC000  }
0x116: {  	[tilespmem:s6], [sflag:$0x2] =	stream.indirect.gather [hbm4b:s4+s30], $0x80, s19, s30, $0xb8;
	[tilespmem:$0x1F000] =	vst v63  }
0x117: {  	_ =	swait.ge [sflag:s7], $0x4000  }
0x118: {  	[sflag:s7] =	ssyncset.done $0x0  }
0x119: {  	s19 =	sadd.s32 $0x16700, s18;
	[sflag:s7] =	ssyncadd.s32 $0xFFFFC000  }
0x11a: {  	[spmem:s2] =	stream.indirect.scatter.add.f32 [tilespmem:s31], [sflag:$0x3], $0x80, s19, s30, $0xb8;
	[tilespmem:$0x1F000] =	vst v63  }
0x11b: {  	_ =	swait.ge [sflag:s8], $0x4000  }
0x11c: {  	[sflag:s8] =	ssyncset.done $0x0  }
.Ltmp3:
0x11d: {  	s19 =	sadd.s32 $0x15400, s18;
	[sflag:s8] =	ssyncadd.s32 $0xFFFFC000;
	(pc) =	sbr.rel @p0 .LBB2_8-.Ltmp3, $4  }
0x11e: {  	[tilespmem:s31], [sflag:$0x1] =	stream.indirect.gather [hbm4b:s4+s30], $0x80, s19, s30, $0xb8;
	[tilespmem:$0x1F000] =	vst v63  }
0x11f: {  	_ =	swait.ge [sflag:s10], $0x4000  }
0x120: {  	[sflag:s10] =	ssyncset.done $0x0  }
0x121: {  	s18 =	sadd.s32 $0x16780, s18;
	[sflag:s10] =	ssyncadd.s32 $0xFFFFC000  }
0x122: {  	[spmem:s2] =	stream.indirect.scatter.add.f32 [tilespmem:s6], [sflag:$0x4], $0x80, s18, s30, $0xb8;
	[tilespmem:$0x1F000] =	vst v63  }
0x123: {  	_ =	swait.ge [sflag:s12], $0x4000  }
0x124: {  	[sflag:s12] =	ssyncset.done $0x0  }
0x125: {  	[sflag:s12] =	ssyncadd.s32 $0xFFFFC000  }
0x126: {  	[tilespmem:s6], [sflag:$0x2] =	stream.indirect.gather [hbm4b:s4+s30], $0x80, s13, s30, $0xb8;
	[tilespmem:$0x1F000] =	vst v63  }
0x127: {  	_ =	swait.ge [sflag:s7], $0x4000  }
0x128: {  	[sflag:s7] =	ssyncset.done $0x0  }
0x129: {  	[sflag:s7] =	ssyncadd.s32 $0xFFFFC000  }
0x12a: {  	[spmem:s2] =	stream.indirect.scatter.add.f32 [tilespmem:s31], [sflag:$0x3], $0x80, s14, s30, $0xb8;
	[tilespmem:$0x1F000] =	vst v63  }
0x12b: {  	_ =	swait.ge [sflag:s10], $0x4000  }
0x12c: {  	[sflag:s10] =	ssyncset.done $0x0  }
0x12d: {  	[sflag:s10] =	ssyncadd.s32 $0xFFFFC000  }
0x12e: {  	[spmem:s2] =	stream.indirect.scatter.add.f32 [tilespmem:s6], [sflag:$0x4], $0x80, s15, s30, $0xb8;
	[tilespmem:$0x1F000] =	vst v63  }
0x12f: {  	_ =	swait.ge [sflag:s8], $0x4000  }
0x130: {  	[sflag:s8] =	ssyncset.done $0x0  }
0x131: {  	[sflag:s8] =	ssyncadd.s32 $0xFFFFC000  }
0x132: {  	_ =	swait.ge [sflag:s12], $0x4000  }
0x133: {  	[sflag:s12] =	ssyncset.done $0x0  }
0x134: {  	[sflag:s12] =	ssyncadd.s32 $0xFFFFC000  }
0x135: {  	s17 =	stileid.u32;
	[bflag:$0x0] =	sbarrier.arrive $0xFFFF  }
0x136: {  	s17 =	sshll.u32 s17, $0x6;
	s18 =	rddreg [dreg:$0x9]  }
0x137: {  	s17 =	sor.u32 $0x1C06, s17;
	s19 =	rddreg [dreg:$0x18]  }
0x138: {  	[hbm:s18], [sflag:s17] =	dma.local [spmem:s19], $0x2800  }
0x139: {  	_ =	swait.ge [sflag:s28], $0x2800  }
0x13a: {  	s16 =	sadd.s32 $0x1, s16;
	s19 =	rddreg [dreg:$0xa]  }
0x13b: {  	p0 =	sne.s32 s16, s19  }
.Ltmp4:
0x13c: {  	_ = 	snop;
	(pc) =	sbr.rel @p0 .LBB2_1-.Ltmp4, $3  }
0x13d: {  	_ =	sdelay $0x1  }
0x13e: {  	[sflag:s28] =	ssyncset.done $0x0  }
0x13f: {  	[sflag:s28] =	ssyncadd.s32 $0xFFFFD800  }
0x140: {  	_ =	sfence.sel $0x180000  }
0x141: {  	[bflag:$0x0] =	sbarrier.arrive $0xFFFF  }
0x142: {  	_ =	strace $0x90000047  }
0x143: {  	s0 =	stileid.u32;
	[bflag:$0x2] =	sbarrier.arrive $0xFFFF  }
0x144: {  	p0 =	sne.s32 s0, $0x0;
	s0 =	rddreg [dreg:$0x4]  }
0x145: {  	s0 =	sadd.s32 @!p0 $0x100000, s0  }
0x146: {  	[sflag:s0] =	ssyncadd.tile.s32 @!p0 $0x1;
	_ =	shalt  }
.Lfunc_end2:
_tile_overlayer_lowered:
.L_overlay_start_2:
0x147: {  	(tag) =	ssettag $0x2  }
0x148: {  	s0 =	rddreg [dreg:$0x0];
	s2 =	stileid.u32  }
0x149: {  	s1 =	rddreg [dreg:$0x1];
	p0 =	sne.s32 s2, $0x0  }
0x14a: {  	s3 =	rddreg [dreg:$0x2];
	[bflag:$0x3] =	sbarrier.arrive $0xFFFF;
	s2 =	simm.s32 @!p0 $0x1C06  }
0x14b: {  	[timem:s3], [sflag:s2] =	dma.local @!p0 [hbm:s0], s1  }
0x14c: {  	s0 =	simm.s32 @!p0 $0x6  }
0x14d: {  	_ =	swait.ge @!p0 [sflag:s0], s1  }
0x14e: {  	s1 =	ssub.s32 @!p0 $0x0, s1;
	[sflag:s0] =	ssyncset.done @!p0 $0x0  }
0x14f: {  	[sflag:s0] =	ssyncadd.s32 @!p0 s1  }
0x150: {  	[bflag:$0x3] =	sbarrier.arrive $0xFFFF  }
0x151: {  	_ =	shalt  }

</sc_bundles>
